<compile_context>
chip_gen: v7x
topology: tpu7x:2x2x1
jax: 0.10.2.dev20260603
libtpu: 0.0.44.dev20260713+nightly
codegen_flags: <defaults>
</compile_context>

<pallas_src>
import jax
import jax.numpy as jnp
from jax import lax
from jax.experimental import pallas as pl
from jax.experimental.pallas import tpu as pltpu
from jax.experimental.pallas import tpu_sc as plsc

_VOCAB = 100000
_DIM = 128
_SEQ = 200
_BATCH = 4096
_NC = 2
_NS = 16
_NW = _NC * _NS
_B_PER_W = _BATCH // _NW
_VPR = _DIM // 16
_ROW_UNROLL = 4
_NBUF = 4


def _emb_body(q_hbm, we_hbm, pe_hbm, out_hbm, idx_all, pe_v, *bufs):
    rows = bufs[:_NBUF]
    gsem = bufs[_NBUF:2 * _NBUF]
    osem = bufs[2 * _NBUF:3 * _NBUF]
    wid = lax.axis_index("s") * _NC + lax.axis_index("c")
    b0 = wid * _B_PER_W

    pltpu.sync_copy(q_hbm.at[:, pl.ds(b0, _B_PER_W)], idx_all)
    pltpu.sync_copy(pe_hbm, pe_v)

    def gather_copy(p, s):
        return pltpu.make_async_copy(
            we_hbm.at[idx_all.at[s]], rows[p], gsem[p])

    def drain_scatter(p):
        pltpu.make_async_copy(
            rows[p], out_hbm.at[pl.ds(0, _B_PER_W), 0], osem[p]).wait()

    def step(s, p):
        gather_copy(p, s).wait()
        pe_row = [pe_v[s, pl.ds(j * 16, 16)] for j in range(_VPR)]

        def add_rows(r4, c):
            for rr in range(_ROW_UNROLL):
                r = r4 * _ROW_UNROLL + rr
                for j in range(_VPR):
                    sl = pl.ds(j * 16, 16)
                    rows[p][r, sl] = rows[p][r, sl] + pe_row[j]
            return c

        lax.fori_loop(0, _B_PER_W // _ROW_UNROLL, add_rows, 0)
        pltpu.async_copy(
            rows[p], out_hbm.at[pl.ds(b0, _B_PER_W), s], osem[p])

        pn = (p - 1) % _NBUF

        @pl.when(s + _NBUF - 1 < _SEQ)
        def _():
            @pl.when(s > 0)
            def _():
                drain_scatter(pn)
            gather_copy(pn, s + _NBUF - 1).start()

    for s0 in range(_NBUF - 1):
        gather_copy(s0, s0).start()

    def ring(m, c):
        for p in range(_NBUF):
            step(m * _NBUF + p, p)
        return c

    lax.fori_loop(0, _SEQ // _NBUF, ring, 0)
    for p in range(_NBUF):
        drain_scatter(p)


@jax.jit
def _emb_call(q, word_emb, pe):
    mesh = plsc.VectorSubcoreMesh(core_axis_name="c", subcore_axis_name="s")
    return pl.kernel(
        _emb_body,
        out_type=jax.ShapeDtypeStruct((_BATCH, _SEQ, _DIM), jnp.float32),
        mesh=mesh,
        scratch_types=(
            [pltpu.VMEM((_SEQ, _B_PER_W), jnp.int32),
             pltpu.VMEM((_SEQ, _DIM), jnp.float32)]
            + [pltpu.VMEM((_B_PER_W, _DIM), jnp.float32)] * _NBUF
            + [pltpu.SemaphoreType.DMA] * (2 * _NBUF)
        ),
    )(q, word_emb, pe)


def kernel(q, word_emb, pos_emb):
    pe = lax.slice_in_dim(pos_emb, 1, _SEQ + 1, axis=0)
    return _emb_call(q, word_emb, pe)

# --- scband reference (transcript-rebuilt; emitter-appended) ---
"""Pipeline reference for scband-embedding-41686952575418 (READ-ONLY COPY).

The authoritative reference and input builder live on the scoring server;
editing this copy changes nothing except your own understanding.
"""

import jax, jax.numpy as jnp
import numpy as np

VOCAB = 100000
DIM = 128
SEQ = 200
BATCH = 4096

def get_sinusoid_encoding_table(n_position, d_model):
    pos = np.arange(n_position)[:, None].astype(np.float64)
    i = np.arange(d_model)[None, :].astype(np.float64)
    angle = pos / np.power(10000.0, 2.0 * (i // 2) / d_model)
    table = np.zeros((n_position, d_model), dtype=np.float64)
    table[:, 0::2] = np.sin(angle[:, 0::2])
    table[:, 1::2] = np.cos(angle[:, 1::2])
    return jnp.asarray(table, dtype=jnp.float32)

def setup_inputs(seed: int = 0) -> dict:
    key = jax.random.key(seed)
    k_q, k_w = jax.random.split(key)
    q = jax.random.randint(k_q, (SEQ, BATCH), 0, VOCAB, dtype=jnp.int32)
    # nn.Embedding default init: N(0, 1)
    word_emb = jax.random.normal(k_w, (VOCAB, DIM), dtype=jnp.float32)
    pos_emb = get_sinusoid_encoding_table(VOCAB, DIM)
    return {"q": q, "word_emb": word_emb, "pos_emb": pos_emb}

def reference(q, word_emb, pos_emb):
    # q: [seq, batch] -> permute(1, 0) -> [batch, seq]
    qt = jnp.transpose(q, (1, 0))
    max_pos = qt.shape[1]
    position = jnp.cumsum(jnp.ones((max_pos,), dtype=jnp.int32), axis=0)
    we = jnp.take(word_emb, qt, axis=0)            # [batch, seq, dim]
    pe = jnp.take(pos_emb, position, axis=0)       # [seq, dim]
    return we + pe[None, :, :]

if __name__ == "__main__":
    import jax
    _d = setup_inputs()
    print(jax.jit(kernel)(*tuple(_d.values())))

</pallas_src>

<mosaic_0001>
#map = affine_map<(d0, d1) -> (0, 0)>
#map1 = affine_map<(d0, d1) -> (0, 0, 0)>
module attributes {stable_mosaic.version = 14 : i64} {
  func.func @_emb_body(%arg0: i32, %arg1: i32, %arg2: memref<200x4096xi32, #tpu.memory_space<hbm>>, %arg3: memref<100000x128xf32, #tpu.memory_space<hbm>>, %arg4: memref<200x128xf32, #tpu.memory_space<hbm>>, %arg5: memref<4096x200x128xf32, #tpu.memory_space<hbm>>, %arg6: memref<200x128xi32, #tpu.memory_space<vmem>>, %arg7: memref<200x128xf32, #tpu.memory_space<vmem>>, %arg8: memref<128x128xf32, #tpu.memory_space<vmem>>, %arg9: memref<128x128xf32, #tpu.memory_space<vmem>>, %arg10: memref<128x128xf32, #tpu.memory_space<vmem>>, %arg11: memref<128x128xf32, #tpu.memory_space<vmem>>, %arg12: memref<!tpu.dma_semaphore, #tpu.memory_space<semaphore_mem>>, %arg13: memref<!tpu.dma_semaphore, #tpu.memory_space<semaphore_mem>>, %arg14: memref<!tpu.dma_semaphore, #tpu.memory_space<semaphore_mem>>, %arg15: memref<!tpu.dma_semaphore, #tpu.memory_space<semaphore_mem>>, %arg16: memref<!tpu.dma_semaphore, #tpu.memory_space<semaphore_mem>>, %arg17: memref<!tpu.dma_semaphore, #tpu.memory_space<semaphore_mem>>, %arg18: memref<!tpu.dma_semaphore, #tpu.memory_space<semaphore_mem>>, %arg19: memref<!tpu.dma_semaphore, #tpu.memory_space<semaphore_mem>>) attributes {dimension_semantics = [#tpu.dimension_semantics<core_parallel>, #tpu.dimension_semantics<subcore_parallel>], iteration_bounds = array<i64: 2, 16>, scalar_prefetch = 0 : i64, scratch_operands = 14 : i64, tpu.core_type = #tpu.core_type<sc_vector_subcore>, window_params = [{transform_indices = #map}, {transform_indices = #map}, {transform_indices = #map}, {transform_indices = #map1}]} {
    %mul3A = arith.constant 2 : i32
    %mul3A_0 = arith.muli %arg1, %mul3A : i32
    %add3A = arith.addi %mul3A_0, %arg0 : i32
    %mul3A_1 = arith.constant 128 : i32
    %mul3A_2 = arith.muli %add3A, %mul3A_1 : i32
    "tpu.region"() ({
      %run_scoped3A = tpu.sem_alloc : memref<!tpu.dma_semaphore, #tpu.memory_space<semaphore_mem>>
      %dma_start3A_63 = arith.constant 0 : i32
      %dma_start3A_64 = tpu.memref_slice %arg2[%dma_start3A_63, %mul3A_2] : memref<200x4096xi32, #tpu.memory_space<hbm>> -> memref<200x128xi32, #tpu.memory_space<hbm>>
      %dma_start3A_65 = arith.constant 0 : i32
      %dma_start3A_66 = tpu.memref_slice %arg2[%dma_start3A_65, %mul3A_2] : memref<200x4096xi32, #tpu.memory_space<hbm>> -> memref<200x128xi32, #tpu.memory_space<hbm>>
      tpu.enqueue_dma source(%dma_start3A_66 : memref<200x128xi32, #tpu.memory_space<hbm>>) target(%arg6 : memref<200x128xi32, #tpu.memory_space<vmem>>) target_semaphore(%run_scoped3A : memref<!tpu.dma_semaphore, #tpu.memory_space<semaphore_mem>>)
      %dma_wait3A_67 = arith.constant 0 : i32
      %dma_wait3A_68 = tpu.memref_slice %arg2[%dma_wait3A_67, %mul3A_2] : memref<200x4096xi32, #tpu.memory_space<hbm>> -> memref<200x128xi32, #tpu.memory_space<hbm>>
      %dma_wait3A_69 = arith.constant 0 : i32
      %dma_wait3A_70 = tpu.memref_slice %arg2[%dma_wait3A_69, %mul3A_2] : memref<200x4096xi32, #tpu.memory_space<hbm>> -> memref<200x128xi32, #tpu.memory_space<hbm>>
      tpu.wait_dma2 semaphore(%run_scoped3A : memref<!tpu.dma_semaphore, #tpu.memory_space<semaphore_mem>>) src(%dma_wait3A_70 : memref<200x128xi32, #tpu.memory_space<hbm>>) dst(%arg6 : memref<200x128xi32, #tpu.memory_space<vmem>>)
      tpu.yield
    }) : () -> ()
    "tpu.region"() ({
      %run_scoped3A = tpu.sem_alloc : memref<!tpu.dma_semaphore, #tpu.memory_space<semaphore_mem>>
      tpu.enqueue_dma source(%arg4 : memref<200x128xf32, #tpu.memory_space<hbm>>) target(%arg7 : memref<200x128xf32, #tpu.memory_space<vmem>>) target_semaphore(%run_scoped3A : memref<!tpu.dma_semaphore, #tpu.memory_space<semaphore_mem>>)
      tpu.wait_dma2 semaphore(%run_scoped3A : memref<!tpu.dma_semaphore, #tpu.memory_space<semaphore_mem>>) src(%arg4 : memref<200x128xf32, #tpu.memory_space<hbm>>) dst(%arg7 : memref<200x128xf32, #tpu.memory_space<vmem>>)
      tpu.yield
    }) : () -> ()
    %dma_start3A = arith.constant 0 : i32
    %dma_start3A_3 = arith.constant 0 : i32
    %dma_start3A_4 = tpu.memref_slice %arg6[%dma_start3A, %dma_start3A_3] : memref<200x128xi32, #tpu.memory_space<vmem>> -> memref<1x128xi32, #tpu.memory_space<vmem>>
    %dma_start3A_5 = tpu.memref_squeeze %dma_start3A_4 : memref<1x128xi32, #tpu.memory_space<vmem>> -> memref<128xi32, #tpu.memory_space<vmem>>
    %dma_start3A_6 = arith.constant 0 : i32
    %dma_start3A_7 = arith.constant 0 : i32
    %dma_start3A_8 = tpu.memref_slice %arg3[%dma_start3A_6, %dma_start3A_7] : memref<100000x128xf32, #tpu.memory_space<hbm>> -> memref<100000x128xf32, #tpu.memory_space<hbm>>
    tpu.enqueue_indirect_dma source(%dma_start3A_8 : memref<100000x128xf32, #tpu.memory_space<hbm>>) target(%arg8 : memref<128x128xf32, #tpu.memory_space<vmem>>) offsets(%dma_start3A_5 : memref<128xi32, #tpu.memory_space<vmem>>) semaphore(%arg12 : memref<!tpu.dma_semaphore, #tpu.memory_space<semaphore_mem>>)
    %dma_start3A_9 = arith.constant 1 : i32
    %dma_start3A_10 = arith.constant 0 : i32
    %dma_start3A_11 = tpu.memref_slice %arg6[%dma_start3A_9, %dma_start3A_10] : memref<200x128xi32, #tpu.memory_space<vmem>> -> memref<1x128xi32, #tpu.memory_space<vmem>>
    %dma_start3A_12 = tpu.memref_squeeze %dma_start3A_11 : memref<1x128xi32, #tpu.memory_space<vmem>> -> memref<128xi32, #tpu.memory_space<vmem>>
    %dma_start3A_13 = arith.constant 0 : i32
    %dma_start3A_14 = arith.constant 0 : i32
    %dma_start3A_15 = tpu.memref_slice %arg3[%dma_start3A_13, %dma_start3A_14] : memref<100000x128xf32, #tpu.memory_space<hbm>> -> memref<100000x128xf32, #tpu.memory_space<hbm>>
    tpu.enqueue_indirect_dma source(%dma_start3A_15 : memref<100000x128xf32, #tpu.memory_space<hbm>>) target(%arg9 : memref<128x128xf32, #tpu.memory_space<vmem>>) offsets(%dma_start3A_12 : memref<128xi32, #tpu.memory_space<vmem>>) semaphore(%arg13 : memref<!tpu.dma_semaphore, #tpu.memory_space<semaphore_mem>>)
    %dma_start3A_16 = arith.constant 2 : i32
    %dma_start3A_17 = arith.constant 0 : i32
    %dma_start3A_18 = tpu.memref_slice %arg6[%dma_start3A_16, %dma_start3A_17] : memref<200x128xi32, #tpu.memory_space<vmem>> -> memref<1x128xi32, #tpu.memory_space<vmem>>
    %dma_start3A_19 = tpu.memref_squeeze %dma_start3A_18 : memref<1x128xi32, #tpu.memory_space<vmem>> -> memref<128xi32, #tpu.memory_space<vmem>>
    %dma_start3A_20 = arith.constant 0 : i32
    %dma_start3A_21 = arith.constant 0 : i32
    %dma_start3A_22 = tpu.memref_slice %arg3[%dma_start3A_20, %dma_start3A_21] : memref<100000x128xf32, #tpu.memory_space<hbm>> -> memref<100000x128xf32, #tpu.memory_space<hbm>>
    tpu.enqueue_indirect_dma source(%dma_start3A_22 : memref<100000x128xf32, #tpu.memory_space<hbm>>) target(%arg10 : memref<128x128xf32, #tpu.memory_space<vmem>>) offsets(%dma_start3A_19 : memref<128xi32, #tpu.memory_space<vmem>>) semaphore(%arg14 : memref<!tpu.dma_semaphore, #tpu.memory_space<semaphore_mem>>)
    %scan3A = arith.constant 0 : i32
    %scan3A_23 = arith.constant 0 : i32
    %scan3A_24 = arith.constant 50 : i32
    %scan3A_25 = arith.addi %scan3A_23, %scan3A_24 : i32
    %scan3A_26 = arith.constant 1 : i32
    scf.for %scan3A_63 = %scan3A_23 to %scan3A_25 step %scan3A_26  : i32 {
      %mul3A_64 = arith.constant 4 : i32
      %mul3A_65 = arith.muli %scan3A_63, %mul3A_64 : i32
      %add3A_66 = arith.constant 0 : i32
      %add3A_67 = arith.addi %mul3A_65, %add3A_66 : i32
      %dma_wait3A_68 = arith.constant 0 : i32
      %dma_wait3A_69 = tpu.memref_slice %arg6[%add3A_67, %dma_wait3A_68] : memref<200x128xi32, #tpu.memory_space<vmem>> -> memref<1x128xi32, #tpu.memory_space<vmem>>
      %dma_wait3A_70 = tpu.memref_squeeze %dma_wait3A_69 : memref<1x128xi32, #tpu.memory_space<vmem>> -> memref<128xi32, #tpu.memory_space<vmem>>
      %dma_wait3A_71 = arith.constant 0 : i32
      %dma_wait3A_72 = arith.constant 0 : i32
      %dma_wait3A_73 = tpu.memref_slice %arg3[%dma_wait3A_71, %dma_wait3A_72] : memref<100000x128xf32, #tpu.memory_space<hbm>> -> memref<100000x128xf32, #tpu.memory_space<hbm>>
      tpu.wait_indirect_dma semaphore(%arg12 : memref<!tpu.dma_semaphore, #tpu.memory_space<semaphore_mem>>) src(%dma_wait3A_73 : memref<100000x128xf32, #tpu.memory_space<hbm>>) dst(%arg8 : memref<128x128xf32, #tpu.memory_space<vmem>>)
      %get3A = arith.index_cast %add3A_67 : i32 to index
      %get3A_74 = arith.constant 0 : index
      %get3A_75 = tpu.vector_load %arg7[%get3A, %get3A_74] {strides = array<i32>} : memref<200x128xf32, #tpu.memory_space<vmem>>, vector<1x16xf32>,
      %get3A_76 = vector.shape_cast %get3A_75 : vector<1x16xf32> to vector<16xf32>
      %get3A_77 = arith.index_cast %add3A_67 : i32 to index
      %get3A_78 = arith.constant 16 : index
      %get3A_79 = tpu.vector_load %arg7[%get3A_77, %get3A_78] {strides = array<i32>} : memref<200x128xf32, #tpu.memory_space<vmem>>, vector<1x16xf32>,
      %get3A_80 = vector.shape_cast %get3A_79 : vector<1x16xf32> to vector<16xf32>
      %get3A_81 = arith.index_cast %add3A_67 : i32 to index
      %get3A_82 = arith.constant 32 : index
      %get3A_83 = tpu.vector_load %arg7[%get3A_81, %get3A_82] {strides = array<i32>} : memref<200x128xf32, #tpu.memory_space<vmem>>, vector<1x16xf32>,
      %get3A_84 = vector.shape_cast %get3A_83 : vector<1x16xf32> to vector<16xf32>
      %get3A_85 = arith.index_cast %add3A_67 : i32 to index
      %get3A_86 = arith.constant 48 : index
      %get3A_87 = tpu.vector_load %arg7[%get3A_85, %get3A_86] {strides = array<i32>} : memref<200x128xf32, #tpu.memory_space<vmem>>, vector<1x16xf32>,
      %get3A_88 = vector.shape_cast %get3A_87 : vector<1x16xf32> to vector<16xf32>
      %get3A_89 = arith.index_cast %add3A_67 : i32 to index
      %get3A_90 = arith.constant 64 : index
      %get3A_91 = tpu.vector_load %arg7[%get3A_89, %get3A_90] {strides = array<i32>} : memref<200x128xf32, #tpu.memory_space<vmem>>, vector<1x16xf32>,
      %get3A_92 = vector.shape_cast %get3A_91 : vector<1x16xf32> to vector<16xf32>
      %get3A_93 = arith.index_cast %add3A_67 : i32 to index
      %get3A_94 = arith.constant 80 : index
      %get3A_95 = tpu.vector_load %arg7[%get3A_93, %get3A_94] {strides = array<i32>} : memref<200x128xf32, #tpu.memory_space<vmem>>, vector<1x16xf32>,
      %get3A_96 = vector.shape_cast %get3A_95 : vector<1x16xf32> to vector<16xf32>
      %get3A_97 = arith.index_cast %add3A_67 : i32 to index
      %get3A_98 = arith.constant 96 : index
      %get3A_99 = tpu.vector_load %arg7[%get3A_97, %get3A_98] {strides = array<i32>} : memref<200x128xf32, #tpu.memory_space<vmem>>, vector<1x16xf32>,
      %get3A_100 = vector.shape_cast %get3A_99 : vector<1x16xf32> to vector<16xf32>
      %get3A_101 = arith.index_cast %add3A_67 : i32 to index
      %get3A_102 = arith.constant 112 : index
      %get3A_103 = tpu.vector_load %arg7[%get3A_101, %get3A_102] {strides = array<i32>} : memref<200x128xf32, #tpu.memory_space<vmem>>, vector<1x16xf32>,
      %get3A_104 = vector.shape_cast %get3A_103 : vector<1x16xf32> to vector<16xf32>
      %scan3A_105 = arith.constant 0 : i32
      %scan3A_106 = arith.constant 0 : i32
      %scan3A_107 = arith.constant 32 : i32
      %scan3A_108 = arith.addi %scan3A_106, %scan3A_107 : i32
      %scan3A_109 = arith.constant 1 : i32
      scf.for %scan3A_311 = %scan3A_106 to %scan3A_108 step %scan3A_109  : i32 {
        %mul3A_312 = arith.constant 4 : i32
        %mul3A_313 = arith.muli %scan3A_311, %mul3A_312 : i32
        %add3A_314 = arith.constant 0 : i32
        %add3A_315 = arith.addi %mul3A_313, %add3A_314 : i32
        %get3A_316 = arith.index_cast %add3A_315 : i32 to index
        %get3A_317 = arith.constant 0 : index
        %get3A_318 = tpu.vector_load %arg8[%get3A_316, %get3A_317] {strides = array<i32>} : memref<128x128xf32, #tpu.memory_space<vmem>>, vector<1x16xf32>,
        %get3A_319 = vector.shape_cast %get3A_318 : vector<1x16xf32> to vector<16xf32>
        %add3A_320 = arith.addf %get3A_319, %get3A_76 : vector<16xf32>
        %swap3A = arith.index_cast %add3A_315 : i32 to index
        %swap3A_321 = arith.constant 0 : index
        %swap3A_322 = tpu.vector_load %arg8[%swap3A, %swap3A_321] {strides = array<i32>} : memref<128x128xf32, #tpu.memory_space<vmem>>, vector<1x16xf32>,
        %swap3A_323 = vector.shape_cast %swap3A_322 : vector<1x16xf32> to vector<16xf32>
        %swap3A_324 = vector.shape_cast %add3A_320 : vector<16xf32> to vector<1x16xf32>
        tpu.vector_store %arg8[%swap3A, %swap3A_321], %swap3A_324 {strides = array<i32>} : memref<128x128xf32, #tpu.memory_space<vmem>>, vector<1x16xf32>,
        %get3A_325 = arith.index_cast %add3A_315 : i32 to index
        %get3A_326 = arith.constant 16 : index
        %get3A_327 = tpu.vector_load %arg8[%get3A_325, %get3A_326] {strides = array<i32>} : memref<128x128xf32, #tpu.memory_space<vmem>>, vector<1x16xf32>,
        %get3A_328 = vector.shape_cast %get3A_327 : vector<1x16xf32> to vector<16xf32>
        %add3A_329 = arith.addf %get3A_328, %get3A_80 : vector<16xf32>
        %swap3A_330 = arith.index_cast %add3A_315 : i32 to index
        %swap3A_331 = arith.constant 16 : index
        %swap3A_332 = tpu.vector_load %arg8[%swap3A_330, %swap3A_331] {strides = array<i32>} : memref<128x128xf32, #tpu.memory_space<vmem>>, vector<1x16xf32>,
        %swap3A_333 = vector.shape_cast %swap3A_332 : vector<1x16xf32> to vector<16xf32>
        %swap3A_334 = vector.shape_cast %add3A_329 : vector<16xf32> to vector<1x16xf32>
        tpu.vector_store %arg8[%swap3A_330, %swap3A_331], %swap3A_334 {strides = array<i32>} : memref<128x128xf32, #tpu.memory_space<vmem>>, vector<1x16xf32>,
        %get3A_335 = arith.index_cast %add3A_315 : i32 to index
        %get3A_336 = arith.constant 32 : index
        %get3A_337 = tpu.vector_load %arg8[%get3A_335, %get3A_336] {strides = array<i32>} : memref<128x128xf32, #tpu.memory_space<vmem>>, vector<1x16xf32>,
        %get3A_338 = vector.shape_cast %get3A_337 : vector<1x16xf32> to vector<16xf32>
        %add3A_339 = arith.addf %get3A_338, %get3A_84 : vector<16xf32>
        %swap3A_340 = arith.index_cast %add3A_315 : i32 to index
        %swap3A_341 = arith.constant 32 : index
        %swap3A_342 = tpu.vector_load %arg8[%swap3A_340, %swap3A_341] {strides = array<i32>} : memref<128x128xf32, #tpu.memory_space<vmem>>, vector<1x16xf32>,
        %swap3A_343 = vector.shape_cast %swap3A_342 : vector<1x16xf32> to vector<16xf32>
        %swap3A_344 = vector.shape_cast %add3A_339 : vector<16xf32> to vector<1x16xf32>
        tpu.vector_store %arg8[%swap3A_340, %swap3A_341], %swap3A_344 {strides = array<i32>} : memref<128x128xf32, #tpu.memory_space<vmem>>, vector<1x16xf32>,
        %get3A_345 = arith.index_cast %add3A_315 : i32 to index
        %get3A_346 = arith.constant 48 : index
        %get3A_347 = tpu.vector_load %arg8[%get3A_345, %get3A_346] {strides = array<i32>} : memref<128x128xf32, #tpu.memory_space<vmem>>, vector<1x16xf32>,
        %get3A_348 = vector.shape_cast %get3A_347 : vector<1x16xf32> to vector<16xf32>
        %add3A_349 = arith.addf %get3A_348, %get3A_88 : vector<16xf32>
        %swap3A_350 = arith.index_cast %add3A_315 : i32 to index
        %swap3A_351 = arith.constant 48 : index
        %swap3A_352 = tpu.vector_load %arg8[%swap3A_350, %swap3A_351] {strides = array<i32>} : memref<128x128xf32, #tpu.memory_space<vmem>>, vector<1x16xf32>,
        %swap3A_353 = vector.shape_cast %swap3A_352 : vector<1x16xf32> to vector<16xf32>
        %swap3A_354 = vector.shape_cast %add3A_349 : vector<16xf32> to vector<1x16xf32>
        tpu.vector_store %arg8[%swap3A_350, %swap3A_351], %swap3A_354 {strides = array<i32>} : memref<128x128xf32, #tpu.memory_space<vmem>>, vector<1x16xf32>,
        %get3A_355 = arith.index_cast %add3A_315 : i32 to index
        %get3A_356 = arith.constant 64 : index
        %get3A_357 = tpu.vector_load %arg8[%get3A_355, %get3A_356] {strides = array<i32>} : memref<128x128xf32, #tpu.memory_space<vmem>>, vector<1x16xf32>,
        %get3A_358 = vector.shape_cast %get3A_357 : vector<1x16xf32> to vector<16xf32>
        %add3A_359 = arith.addf %get3A_358, %get3A_92 : vector<16xf32>
        %swap3A_360 = arith.index_cast %add3A_315 : i32 to index
        %swap3A_361 = arith.constant 64 : index
        %swap3A_362 = tpu.vector_load %arg8[%swap3A_360, %swap3A_361] {strides = array<i32>} : memref<128x128xf32, #tpu.memory_space<vmem>>, vector<1x16xf32>,
        %swap3A_363 = vector.shape_cast %swap3A_362 : vector<1x16xf32> to vector<16xf32>
        %swap3A_364 = vector.shape_cast %add3A_359 : vector<16xf32> to vector<1x16xf32>
        tpu.vector_store %arg8[%swap3A_360, %swap3A_361], %swap3A_364 {strides = array<i32>} : memref<128x128xf32, #tpu.memory_space<vmem>>, vector<1x16xf32>,
        %get3A_365 = arith.index_cast %add3A_315 : i32 to index
        %get3A_366 = arith.constant 80 : index
        %get3A_367 = tpu.vector_load %arg8[%get3A_365, %get3A_366] {strides = array<i32>} : memref<128x128xf32, #tpu.memory_space<vmem>>, vector<1x16xf32>,
        %get3A_368 = vector.shape_cast %get3A_367 : vector<1x16xf32> to vector<16xf32>
        %add3A_369 = arith.addf %get3A_368, %get3A_96 : vector<16xf32>
        %swap3A_370 = arith.index_cast %add3A_315 : i32 to index
        %swap3A_371 = arith.constant 80 : index
        %swap3A_372 = tpu.vector_load %arg8[%swap3A_370, %swap3A_371] {strides = array<i32>} : memref<128x128xf32, #tpu.memory_space<vmem>>, vector<1x16xf32>,
        %swap3A_373 = vector.shape_cast %swap3A_372 : vector<1x16xf32> to vector<16xf32>
        %swap3A_374 = vector.shape_cast %add3A_369 : vector<16xf32> to vector<1x16xf32>
        tpu.vector_store %arg8[%swap3A_370, %swap3A_371], %swap3A_374 {strides = array<i32>} : memref<128x128xf32, #tpu.memory_space<vmem>>, vector<1x16xf32>,
        %get3A_375 = arith.index_cast %add3A_315 : i32 to index
        %get3A_376 = arith.constant 96 : index
        %get3A_377 = tpu.vector_load %arg8[%get3A_375, %get3A_376] {strides = array<i32>} : memref<128x128xf32, #tpu.memory_space<vmem>>, vector<1x16xf32>,
        %get3A_378 = vector.shape_cast %get3A_377 : vector<1x16xf32> to vector<16xf32>
        %add3A_379 = arith.addf %get3A_378, %get3A_100 : vector<16xf32>
        %swap3A_380 = arith.index_cast %add3A_315 : i32 to index
        %swap3A_381 = arith.constant 96 : index
        %swap3A_382 = tpu.vector_load %arg8[%swap3A_380, %swap3A_381] {strides = array<i32>} : memref<128x128xf32, #tpu.memory_space<vmem>>, vector<1x16xf32>,
        %swap3A_383 = vector.shape_cast %swap3A_382 : vector<1x16xf32> to vector<16xf32>
        %swap3A_384 = vector.shape_cast %add3A_379 : vector<16xf32> to vector<1x16xf32>
        tpu.vector_store %arg8[%swap3A_380, %swap3A_381], %swap3A_384 {strides = array<i32>} : memref<128x128xf32, #tpu.memory_space<vmem>>, vector<1x16xf32>,
        %get3A_385 = arith.index_cast %add3A_315 : i32 to index
        %get3A_386 = arith.constant 112 : index
        %get3A_387 = tpu.vector_load %arg8[%get3A_385, %get3A_386] {strides = array<i32>} : memref<128x128xf32, #tpu.memory_space<vmem>>, vector<1x16xf32>,
        %get3A_388 = vector.shape_cast %get3A_387 : vector<1x16xf32> to vector<16xf32>
        %add3A_389 = arith.addf %get3A_388, %get3A_104 : vector<16xf32>
        %swap3A_390 = arith.index_cast %add3A_315 : i32 to index
        %swap3A_391 = arith.constant 112 : index
        %swap3A_392 = tpu.vector_load %arg8[%swap3A_390, %swap3A_391] {strides = array<i32>} : memref<128x128xf32, #tpu.memory_space<vmem>>, vector<1x16xf32>,
        %swap3A_393 = vector.shape_cast %swap3A_392 : vector<1x16xf32> to vector<16xf32>
        %swap3A_394 = vector.shape_cast %add3A_389 : vector<16xf32> to vector<1x16xf32>
        tpu.vector_store %arg8[%swap3A_390, %swap3A_391], %swap3A_394 {strides = array<i32>} : memref<128x128xf32, #tpu.memory_space<vmem>>, vector<1x16xf32>,
        %mul3A_395 = arith.constant 4 : i32
        %mul3A_396 = arith.muli %scan3A_311, %mul3A_395 : i32
        %add3A_397 = arith.constant 1 : i32
        %add3A_398 = arith.addi %mul3A_396, %add3A_397 : i32
        %get3A_399 = arith.index_cast %add3A_398 : i32 to index
        %get3A_400 = arith.constant 0 : index
        %get3A_401 = tpu.vector_load %arg8[%get3A_399, %get3A_400] {strides = array<i32>} : memref<128x128xf32, #tpu.memory_space<vmem>>, vector<1x16xf32>,
        %get3A_402 = vector.shape_cast %get3A_401 : vector<1x16xf32> to vector<16xf32>
        %add3A_403 = arith.addf %get3A_402, %get3A_76 : vector<16xf32>
        %swap3A_404 = arith.index_cast %add3A_398 : i32 to index
        %swap3A_405 = arith.constant 0 : index
        %swap3A_406 = tpu.vector_load %arg8[%swap3A_404, %swap3A_405] {strides = array<i32>} : memref<128x128xf32, #tpu.memory_space<vmem>>, vector<1x16xf32>,
        %swap3A_407 = vector.shape_cast %swap3A_406 : vector<1x16xf32> to vector<16xf32>
        %swap3A_408 = vector.shape_cast %add3A_403 : vector<16xf32> to vector<1x16xf32>
        tpu.vector_store %arg8[%swap3A_404, %swap3A_405], %swap3A_408 {strides = array<i32>} : memref<128x128xf32, #tpu.memory_space<vmem>>, vector<1x16xf32>,
        %get3A_409 = arith.index_cast %add3A_398 : i32 to index
        %get3A_410 = arith.constant 16 : index
        %get3A_411 = tpu.vector_load %arg8[%get3A_409, %get3A_410] {strides = array<i32>} : memref<128x128xf32, #tpu.memory_space<vmem>>, vector<1x16xf32>,
        %get3A_412 = vector.shape_cast %get3A_411 : vector<1x16xf32> to vector<16xf32>
        %add3A_413 = arith.addf %get3A_412, %get3A_80 : vector<16xf32>
        %swap3A_414 = arith.index_cast %add3A_398 : i32 to index
        %swap3A_415 = arith.constant 16 : index
        %swap3A_416 = tpu.vector_load %arg8[%swap3A_414, %swap3A_415] {strides = array<i32>} : memref<128x128xf32, #tpu.memory_space<vmem>>, vector<1x16xf32>,
        %swap3A_417 = vector.shape_cast %swap3A_416 : vector<1x16xf32> to vector<16xf32>
        %swap3A_418 = vector.shape_cast %add3A_413 : vector<16xf32> to vector<1x16xf32>
        tpu.vector_store %arg8[%swap3A_414, %swap3A_415], %swap3A_418 {strides = array<i32>} : memref<128x128xf32, #tpu.memory_space<vmem>>, vector<1x16xf32>,
        %get3A_419 = arith.index_cast %add3A_398 : i32 to index
        %get3A_420 = arith.constant 32 : index
        %get3A_421 = tpu.vector_load %arg8[%get3A_419, %get3A_420] {strides = array<i32>} : memref<128x128xf32, #tpu.memory_space<vmem>>, vector<1x16xf32>,
        %get3A_422 = vector.shape_cast %get3A_421 : vector<1x16xf32> to vector<16xf32>
        %add3A_423 = arith.addf %get3A_422, %get3A_84 : vector<16xf32>
        %swap3A_424 = arith.index_cast %add3A_398 : i32 to index
        %swap3A_425 = arith.constant 32 : index
        %swap3A_426 = tpu.vector_load %arg8[%swap3A_424, %swap3A_425] {strides = array<i32>} : memref<128x128xf32, #tpu.memory_space<vmem>>, vector<1x16xf32>,
        %swap3A_427 = vector.shape_cast %swap3A_426 : vector<1x16xf32> to vector<16xf32>
        %swap3A_428 = vector.shape_cast %add3A_423 : vector<16xf32> to vector<1x16xf32>
        tpu.vector_store %arg8[%swap3A_424, %swap3A_425], %swap3A_428 {strides = array<i32>} : memref<128x128xf32, #tpu.memory_space<vmem>>, vector<1x16xf32>,
        %get3A_429 = arith.index_cast %add3A_398 : i32 to index
        %get3A_430 = arith.constant 48 : index
        %get3A_431 = tpu.vector_load %arg8[%get3A_429, %get3A_430] {strides = array<i32>} : memref<128x128xf32, #tpu.memory_space<vmem>>, vector<1x16xf32>,
        %get3A_432 = vector.shape_cast %get3A_431 : vector<1x16xf32> to vector<16xf32>
        %add3A_433 = arith.addf %get3A_432, %get3A_88 : vector<16xf32>
        %swap3A_434 = arith.index_cast %add3A_398 : i32 to index
        %swap3A_435 = arith.constant 48 : index
        %swap3A_436 = tpu.vector_load %arg8[%swap3A_434, %swap3A_435] {strides = array<i32>} : memref<128x128xf32, #tpu.memory_space<vmem>>, vector<1x16xf32>,
        %swap3A_437 = vector.shape_cast %swap3A_436 : vector<1x16xf32> to vector<16xf32>
        %swap3A_438 = vector.shape_cast %add3A_433 : vector<16xf32> to vector<1x16xf32>
        tpu.vector_store %arg8[%swap3A_434, %swap3A_435], %swap3A_438 {strides = array<i32>} : memref<128x128xf32, #tpu.memory_space<vmem>>, vector<1x16xf32>,
        %get3A_439 = arith.index_cast %add3A_398 : i32 to index
        %get3A_440 = arith.constant 64 : index
        %get3A_441 = tpu.vector_load %arg8[%get3A_439, %get3A_440] {strides = array<i32>} : memref<128x128xf32, #tpu.memory_space<vmem>>, vector<1x16xf32>,
        %get3A_442 = vector.shape_cast %get3A_441 : vector<1x16xf32> to vector<16xf32>
        %add3A_443 = arith.addf %get3A_442, %get3A_92 : vector<16xf32>
        %swap3A_444 = arith.index_cast %add3A_398 : i32 to index
        %swap3A_445 = arith.constant 64 : index
        %swap3A_446 = tpu.vector_load %arg8[%swap3A_444, %swap3A_445] {strides = array<i32>} : memref<128x128xf32, #tpu.memory_space<vmem>>, vector<1x16xf32>,
        %swap3A_447 = vector.shape_cast %swap3A_446 : vector<1x16xf32> to vector<16xf32>
        %swap3A_448 = vector.shape_cast %add3A_443 : vector<16xf32> to vector<1x16xf32>
        tpu.vector_store %arg8[%swap3A_444, %swap3A_445], %swap3A_448 {strides = array<i32>} : memref<128x128xf32, #tpu.memory_space<vmem>>, vector<1x16xf32>,
        %get3A_449 = arith.index_cast %add3A_398 : i32 to index
        %get3A_450 = arith.constant 80 : index
        %get3A_451 = tpu.vector_load %arg8[%get3A_449, %get3A_450] {strides = array<i32>} : memref<128x128xf32, #tpu.memory_space<vmem>>, vector<1x16xf32>,
        %get3A_452 = vector.shape_cast %get3A_451 : vector<1x16xf32> to vector<16xf32>
        %add3A_453 = arith.addf %get3A_452, %get3A_96 : vector<16xf32>
        %swap3A_454 = arith.index_cast %add3A_398 : i32 to index
        %swap3A_455 = arith.constant 80 : index
        %swap3A_456 = tpu.vector_load %arg8[%swap3A_454, %swap3A_455] {strides = array<i32>} : memref<128x128xf32, #tpu.memory_space<vmem>>, vector<1x16xf32>,
        %swap3A_457 = vector.shape_cast %swap3A_456 : vector<1x16xf32> to vector<16xf32>
        %swap3A_458 = vector.shape_cast %add3A_453 : vector<16xf32> to vector<1x16xf32>
        tpu.vector_store %arg8[%swap3A_454, %swap3A_455], %swap3A_458 {strides = array<i32>} : memref<128x128xf32, #tpu.memory_space<vmem>>, vector<1x16xf32>,
        %get3A_459 = arith.index_cast %add3A_398 : i32 to index
        %get3A_460 = arith.constant 96 : index
        %get3A_461 = tpu.vector_load %arg8[%get3A_459, %get3A_460] {strides = array<i32>} : memref<128x128xf32, #tpu.memory_space<vmem>>, vector<1x16xf32>,
        %get3A_462 = vector.shape_cast %get3A_461 : vector<1x16xf32> to vector<16xf32>
        %add3A_463 = arith.addf %get3A_462, %get3A_100 : vector<16xf32>
        %swap3A_464 = arith.index_cast %add3A_398 : i32 to index
        %swap3A_465 = arith.constant 96 : index
        %swap3A_466 = tpu.vector_load %arg8[%swap3A_464, %swap3A_465] {strides = array<i32>} : memref<128x128xf32, #tpu.memory_space<vmem>>, vector<1x16xf32>,
        %swap3A_467 = vector.shape_cast %swap3A_466 : vector<1x16xf32> to vector<16xf32>
        %swap3A_468 = vector.shape_cast %add3A_463 : vector<16xf32> to vector<1x16xf32>
        tpu.vector_store %arg8[%swap3A_464, %swap3A_465], %swap3A_468 {strides = array<i32>} : memref<128x128xf32, #tpu.memory_space<vmem>>, vector<1x16xf32>,
        %get3A_469 = arith.index_cast %add3A_398 : i32 to index
        %get3A_470 = arith.constant 112 : index
        %get3A_471 = tpu.vector_load %arg8[%get3A_469, %get3A_470] {strides = array<i32>} : memref<128x128xf32, #tpu.memory_space<vmem>>, vector<1x16xf32>,
        %get3A_472 = vector.shape_cast %get3A_471 : vector<1x16xf32> to vector<16xf32>
        %add3A_473 = arith.addf %get3A_472, %get3A_104 : vector<16xf32>
        %swap3A_474 = arith.index_cast %add3A_398 : i32 to index
        %swap3A_475 = arith.constant 112 : index
        %swap3A_476 = tpu.vector_load %arg8[%swap3A_474, %swap3A_475] {strides = array<i32>} : memref<128x128xf32, #tpu.memory_space<vmem>>, vector<1x16xf32>,
        %swap3A_477 = vector.shape_cast %swap3A_476 : vector<1x16xf32> to vector<16xf32>
        %swap3A_478 = vector.shape_cast %add3A_473 : vector<16xf32> to vector<1x16xf32>
        tpu.vector_store %arg8[%swap3A_474, %swap3A_475], %swap3A_478 {strides = array<i32>} : memref<128x128xf32, #tpu.memory_space<vmem>>, vector<1x16xf32>,
        %mul3A_479 = arith.constant 4 : i32
        %mul3A_480 = arith.muli %scan3A_311, %mul3A_479 : i32
        %add3A_481 = arith.constant 2 : i32
        %add3A_482 = arith.addi %mul3A_480, %add3A_481 : i32
        %get3A_483 = arith.index_cast %add3A_482 : i32 to index
        %get3A_484 = arith.constant 0 : index
        %get3A_485 = tpu.vector_load %arg8[%get3A_483, %get3A_484] {strides = array<i32>} : memref<128x128xf32, #tpu.memory_space<vmem>>, vector<1x16xf32>,
        %get3A_486 = vector.shape_cast %get3A_485 : vector<1x16xf32> to vector<16xf32>
        %add3A_487 = arith.addf %get3A_486, %get3A_76 : vector<16xf32>
        %swap3A_488 = arith.index_cast %add3A_482 : i32 to index
        %swap3A_489 = arith.constant 0 : index
        %swap3A_490 = tpu.vector_load %arg8[%swap3A_488, %swap3A_489] {strides = array<i32>} : memref<128x128xf32, #tpu.memory_space<vmem>>, vector<1x16xf32>,
        %swap3A_491 = vector.shape_cast %swap3A_490 : vector<1x16xf32> to vector<16xf32>
        %swap3A_492 = vector.shape_cast %add3A_487 : vector<16xf32> to vector<1x16xf32>
        tpu.vector_store %arg8[%swap3A_488, %swap3A_489], %swap3A_492 {strides = array<i32>} : memref<128x128xf32, #tpu.memory_space<vmem>>, vector<1x16xf32>,
        %get3A_493 = arith.index_cast %add3A_482 : i32 to index
        %get3A_494 = arith.constant 16 : index
        %get3A_495 = tpu.vector_load %arg8[%get3A_493, %get3A_494] {strides = array<i32>} : memref<128x128xf32, #tpu.memory_space<vmem>>, vector<1x16xf32>,
        %get3A_496 = vector.shape_cast %get3A_495 : vector<1x16xf32> to vector<16xf32>
        %add3A_497 = arith.addf %get3A_496, %get3A_80 : vector<16xf32>
        %swap3A_498 = arith.index_cast %add3A_482 : i32 to index
        %swap3A_499 = arith.constant 16 : index
        %swap3A_500 = tpu.vector_load %arg8[%swap3A_498, %swap3A_499] {strides = array<i32>} : memref<128x128xf32, #tpu.memory_space<vmem>>, vector<1x16xf32>,
        %swap3A_501 = vector.shape_cast %swap3A_500 : vector<1x16xf32> to vector<16xf32>
        %swap3A_502 = vector.shape_cast %add3A_497 : vector<16xf32> to vector<1x16xf32>
        tpu.vector_store %arg8[%swap3A_498, %swap3A_499], %swap3A_502 {strides = array<i32>} : memref<128x128xf32, #tpu.memory_space<vmem>>, vector<1x16xf32>,
        %get3A_503 = arith.index_cast %add3A_482 : i32 to index
        %get3A_504 = arith.constant 32 : index
        %get3A_505 = tpu.vector_load %arg8[%get3A_503, %get3A_504] {strides = array<i32>} : memref<128x128xf32, #tpu.memory_space<vmem>>, vector<1x16xf32>,
        %get3A_506 = vector.shape_cast %get3A_505 : vector<1x16xf32> to vector<16xf32>
        %add3A_507 = arith.addf %get3A_506, %get3A_84 : vector<16xf32>
        %swap3A_508 = arith.index_cast %add3A_482 : i32 to index
        %swap3A_509 = arith.constant 32 : index
        %swap3A_510 = tpu.vector_load %arg8[%swap3A_508, %swap3A_509] {strides = array<i32>} : memref<128x128xf32, #tpu.memory_space<vmem>>, vector<1x16xf32>,
        %swap3A_511 = vector.shape_cast %swap3A_510 : vector<1x16xf32> to vector<16xf32>
        %swap3A_512 = vector.shape_cast %add3A_507 : vector<16xf32> to vector<1x16xf32>
        tpu.vector_store %arg8[%swap3A_508, %swap3A_509], %swap3A_512 {strides = array<i32>} : memref<128x128xf32, #tpu.memory_space<vmem>>, vector<1x16xf32>,
        %get3A_513 = arith.index_cast %add3A_482 : i32 to index
        %get3A_514 = arith.constant 48 : index
        %get3A_515 = tpu.vector_load %arg8[%get3A_513, %get3A_514] {strides = array<i32>} : memref<128x128xf32, #tpu.memory_space<vmem>>, vector<1x16xf32>,
        %get3A_516 = vector.shape_cast %get3A_515 : vector<1x16xf32> to vector<16xf32>
        %add3A_517 = arith.addf %get3A_516, %get3A_88 : vector<16xf32>
        %swap3A_518 = arith.index_cast %add3A_482 : i32 to index
        %swap3A_519 = arith.constant 48 : index
        %swap3A_520 = tpu.vector_load %arg8[%swap3A_518, %swap3A_519] {strides = array<i32>} : memref<128x128xf32, #tpu.memory_space<vmem>>, vector<1x16xf32>,
        %swap3A_521 = vector.shape_cast %swap3A_520 : vector<1x16xf32> to vector<16xf32>
        %swap3A_522 = vector.shape_cast %add3A_517 : vector<16xf32> to vector<1x16xf32>
        tpu.vector_store %arg8[%swap3A_518, %swap3A_519], %swap3A_522 {strides = array<i32>} : memref<128x128xf32, #tpu.memory_space<vmem>>, vector<1x16xf32>,
        %get3A_523 = arith.index_cast %add3A_482 : i32 to index
        %get3A_524 = arith.constant 64 : index
        %get3A_525 = tpu.vector_load %arg8[%get3A_523, %get3A_524] {strides = array<i32>} : memref<128x128xf32, #tpu.memory_space<vmem>>, vector<1x16xf32>,
        %get3A_526 = vector.shape_cast %get3A_525 : vector<1x16xf32> to vector<16xf32>
        %add3A_527 = arith.addf %get3A_526, %get3A_92 : vector<16xf32>
        %swap3A_528 = arith.index_cast %add3A_482 : i32 to index
        %swap3A_529 = arith.constant 64 : index
        %swap3A_530 = tpu.vector_load %arg8[%swap3A_528, %swap3A_529] {strides = array<i32>} : memref<128x128xf32, #tpu.memory_space<vmem>>, vector<1x16xf32>,
        %swap3A_531 = vector.shape_cast %swap3A_530 : vector<1x16xf32> to vector<16xf32>
        %swap3A_532 = vector.shape_cast %add3A_527 : vector<16xf32> to vector<1x16xf32>
        tpu.vector_store %arg8[%swap3A_528, %swap3A_529], %swap3A_532 {strides = array<i32>} : memref<128x128xf32, #tpu.memory_space<vmem>>, vector<1x16xf32>,
        %get3A_533 = arith.index_cast %add3A_482 : i32 to index
        %get3A_534 = arith.constant 80 : index
        %get3A_535 = tpu.vector_load %arg8[%get3A_533, %get3A_534] {strides = array<i32>} : memref<128x128xf32, #tpu.memory_space<vmem>>, vector<1x16xf32>,
        %get3A_536 = vector.shape_cast %get3A_535 : vector<1x16xf32> to vector<16xf32>
        %add3A_537 = arith.addf %get3A_536, %get3A_96 : vector<16xf32>
        %swap3A_538 = arith.index_cast %add3A_482 : i32 to index
        %swap3A_539 = arith.constant 80 : index
        %swap3A_540 = tpu.vector_load %arg8[%swap3A_538, %swap3A_539] {strides = array<i32>} : memref<128x128xf32, #tpu.memory_space<vmem>>, vector<1x16xf32>,
        %swap3A_541 = vector.shape_cast %swap3A_540 : vector<1x16xf32> to vector<16xf32>
        %swap3A_542 = vector.shape_cast %add3A_537 : vector<16xf32> to vector<1x16xf32>
        tpu.vector_store %arg8[%swap3A_538, %swap3A_539], %swap3A_542 {strides = array<i32>} : memref<128x128xf32, #tpu.memory_space<vmem>>, vector<1x16xf32>,
        %get3A_543 = arith.index_cast %add3A_482 : i32 to index
        %get3A_544 = arith.constant 96 : index
        %get3A_545 = tpu.vector_load %arg8[%get3A_543, %get3A_544] {strides = array<i32>} : memref<128x128xf32, #tpu.memory_space<vmem>>, vector<1x16xf32>,
        %get3A_546 = vector.shape_cast %get3A_545 : vector<1x16xf32> to vector<16xf32>
        %add3A_547 = arith.addf %get3A_546, %get3A_100 : vector<16xf32>
        %swap3A_548 = arith.index_cast %add3A_482 : i32 to index
        %swap3A_549 = arith.constant 96 : index
        %swap3A_550 = tpu.vector_load %arg8[%swap3A_548, %swap3A_549] {strides = array<i32>} : memref<128x128xf32, #tpu.memory_space<vmem>>, vector<1x16xf32>,
        %swap3A_551 = vector.shape_cast %swap3A_550 : vector<1x16xf32> to vector<16xf32>
        %swap3A_552 = vector.shape_cast %add3A_547 : vector<16xf32> to vector<1x16xf32>
        tpu.vector_store %arg8[%swap3A_548, %swap3A_549], %swap3A_552 {strides = array<i32>} : memref<128x128xf32, #tpu.memory_space<vmem>>, vector<1x16xf32>,
        %get3A_553 = arith.index_cast %add3A_482 : i32 to index
        %get3A_554 = arith.constant 112 : index
        %get3A_555 = tpu.vector_load %arg8[%get3A_553, %get3A_554] {strides = array<i32>} : memref<128x128xf32, #tpu.memory_space<vmem>>, vector<1x16xf32>,
        %get3A_556 = vector.shape_cast %get3A_555 : vector<1x16xf32> to vector<16xf32>
        %add3A_557 = arith.addf %get3A_556, %get3A_104 : vector<16xf32>
        %swap3A_558 = arith.index_cast %add3A_482 : i32 to index
        %swap3A_559 = arith.constant 112 : index
        %swap3A_560 = tpu.vector_load %arg8[%swap3A_558, %swap3A_559] {strides = array<i32>} : memref<128x128xf32, #tpu.memory_space<vmem>>, vector<1x16xf32>,
        %swap3A_561 = vector.shape_cast %swap3A_560 : vector<1x16xf32> to vector<16xf32>
        %swap3A_562 = vector.shape_cast %add3A_557 : vector<16xf32> to vector<1x16xf32>
        tpu.vector_store %arg8[%swap3A_558, %swap3A_559], %swap3A_562 {strides = array<i32>} : memref<128x128xf32, #tpu.memory_space<vmem>>, vector<1x16xf32>,
        %mul3A_563 = arith.constant 4 : i32
        %mul3A_564 = arith.muli %scan3A_311, %mul3A_563 : i32
        %add3A_565 = arith.constant 3 : i32
        %add3A_566 = arith.addi %mul3A_564, %add3A_565 : i32
        %get3A_567 = arith.index_cast %add3A_566 : i32 to index
        %get3A_568 = arith.constant 0 : index
        %get3A_569 = tpu.vector_load %arg8[%get3A_567, %get3A_568] {strides = array<i32>} : memref<128x128xf32, #tpu.memory_space<vmem>>, vector<1x16xf32>,
        %get3A_570 = vector.shape_cast %get3A_569 : vector<1x16xf32> to vector<16xf32>
        %add3A_571 = arith.addf %get3A_570, %get3A_76 : vector<16xf32>
        %swap3A_572 = arith.index_cast %add3A_566 : i32 to index
        %swap3A_573 = arith.constant 0 : index
        %swap3A_574 = tpu.vector_load %arg8[%swap3A_572, %swap3A_573] {strides = array<i32>} : memref<128x128xf32, #tpu.memory_space<vmem>>, vector<1x16xf32>,
        %swap3A_575 = vector.shape_cast %swap3A_574 : vector<1x16xf32> to vector<16xf32>
        %swap3A_576 = vector.shape_cast %add3A_571 : vector<16xf32> to vector<1x16xf32>
        tpu.vector_store %arg8[%swap3A_572, %swap3A_573], %swap3A_576 {strides = array<i32>} : memref<128x128xf32, #tpu.memory_space<vmem>>, vector<1x16xf32>,
        %get3A_577 = arith.index_cast %add3A_566 : i32 to index
        %get3A_578 = arith.constant 16 : index
        %get3A_579 = tpu.vector_load %arg8[%get3A_577, %get3A_578] {strides = array<i32>} : memref<128x128xf32, #tpu.memory_space<vmem>>, vector<1x16xf32>,
        %get3A_580 = vector.shape_cast %get3A_579 : vector<1x16xf32> to vector<16xf32>
        %add3A_581 = arith.addf %get3A_580, %get3A_80 : vector<16xf32>
        %swap3A_582 = arith.index_cast %add3A_566 : i32 to index
        %swap3A_583 = arith.constant 16 : index
        %swap3A_584 = tpu.vector_load %arg8[%swap3A_582, %swap3A_583] {strides = array<i32>} : memref<128x128xf32, #tpu.memory_space<vmem>>, vector<1x16xf32>,
        %swap3A_585 = vector.shape_cast %swap3A_584 : vector<1x16xf32> to vector<16xf32>
        %swap3A_586 = vector.shape_cast %add3A_581 : vector<16xf32> to vector<1x16xf32>
        tpu.vector_store %arg8[%swap3A_582, %swap3A_583], %swap3A_586 {strides = array<i32>} : memref<128x128xf32, #tpu.memory_space<vmem>>, vector<1x16xf32>,
        %get3A_587 = arith.index_cast %add3A_566 : i32 to index
        %get3A_588 = arith.constant 32 : index
        %get3A_589 = tpu.vector_load %arg8[%get3A_587, %get3A_588] {strides = array<i32>} : memref<128x128xf32, #tpu.memory_space<vmem>>, vector<1x16xf32>,
        %get3A_590 = vector.shape_cast %get3A_589 : vector<1x16xf32> to vector<16xf32>
        %add3A_591 = arith.addf %get3A_590, %get3A_84 : vector<16xf32>
        %swap3A_592 = arith.index_cast %add3A_566 : i32 to index
        %swap3A_593 = arith.constant 32 : index
        %swap3A_594 = tpu.vector_load %arg8[%swap3A_592, %swap3A_593] {strides = array<i32>} : memref<128x128xf32, #tpu.memory_space<vmem>>, vector<1x16xf32>,
        %swap3A_595 = vector.shape_cast %swap3A_594 : vector<1x16xf32> to vector<16xf32>
        %swap3A_596 = vector.shape_cast %add3A_591 : vector<16xf32> to vector<1x16xf32>
        tpu.vector_store %arg8[%swap3A_592, %swap3A_593], %swap3A_596 {strides = array<i32>} : memref<128x128xf32, #tpu.memory_space<vmem>>, vector<1x16xf32>,
        %get3A_597 = arith.index_cast %add3A_566 : i32 to index
        %get3A_598 = arith.constant 48 : index
        %get3A_599 = tpu.vector_load %arg8[%get3A_597, %get3A_598] {strides = array<i32>} : memref<128x128xf32, #tpu.memory_space<vmem>>, vector<1x16xf32>,
        %get3A_600 = vector.shape_cast %get3A_599 : vector<1x16xf32> to vector<16xf32>
        %add3A_601 = arith.addf %get3A_600, %get3A_88 : vector<16xf32>
        %swap3A_602 = arith.index_cast %add3A_566 : i32 to index
        %swap3A_603 = arith.constant 48 : index
        %swap3A_604 = tpu.vector_load %arg8[%swap3A_602, %swap3A_603] {strides = array<i32>} : memref<128x128xf32, #tpu.memory_space<vmem>>, vector<1x16xf32>,
        %swap3A_605 = vector.shape_cast %swap3A_604 : vector<1x16xf32> to vector<16xf32>
        %swap3A_606 = vector.shape_cast %add3A_601 : vector<16xf32> to vector<1x16xf32>
        tpu.vector_store %arg8[%swap3A_602, %swap3A_603], %swap3A_606 {strides = array<i32>} : memref<128x128xf32, #tpu.memory_space<vmem>>, vector<1x16xf32>,
        %get3A_607 = arith.index_cast %add3A_566 : i32 to index
        %get3A_608 = arith.constant 64 : index
        %get3A_609 = tpu.vector_load %arg8[%get3A_607, %get3A_608] {strides = array<i32>} : memref<128x128xf32, #tpu.memory_space<vmem>>, vector<1x16xf32>,
        %get3A_610 = vector.shape_cast %get3A_609 : vector<1x16xf32> to vector<16xf32>
        %add3A_611 = arith.addf %get3A_610, %get3A_92 : vector<16xf32>
        %swap3A_612 = arith.index_cast %add3A_566 : i32 to index
        %swap3A_613 = arith.constant 64 : index
        %swap3A_614 = tpu.vector_load %arg8[%swap3A_612, %swap3A_613] {strides = array<i32>} : memref<128x128xf32, #tpu.memory_space<vmem>>, vector<1x16xf32>,
        %swap3A_615 = vector.shape_cast %swap3A_614 : vector<1x16xf32> to vector<16xf32>
        %swap3A_616 = vector.shape_cast %add3A_611 : vector<16xf32> to vector<1x16xf32>
        tpu.vector_store %arg8[%swap3A_612, %swap3A_613], %swap3A_616 {strides = array<i32>} : memref<128x128xf32, #tpu.memory_space<vmem>>, vector<1x16xf32>,
        %get3A_617 = arith.index_cast %add3A_566 : i32 to index
        %get3A_618 = arith.constant 80 : index
        %get3A_619 = tpu.vector_load %arg8[%get3A_617, %get3A_618] {strides = array<i32>} : memref<128x128xf32, #tpu.memory_space<vmem>>, vector<1x16xf32>,
        %get3A_620 = vector.shape_cast %get3A_619 : vector<1x16xf32> to vector<16xf32>
        %add3A_621 = arith.addf %get3A_620, %get3A_96 : vector<16xf32>
        %swap3A_622 = arith.index_cast %add3A_566 : i32 to index
        %swap3A_623 = arith.constant 80 : index
        %swap3A_624 = tpu.vector_load %arg8[%swap3A_622, %swap3A_623] {strides = array<i32>} : memref<128x128xf32, #tpu.memory_space<vmem>>, vector<1x16xf32>,
        %swap3A_625 = vector.shape_cast %swap3A_624 : vector<1x16xf32> to vector<16xf32>
        %swap3A_626 = vector.shape_cast %add3A_621 : vector<16xf32> to vector<1x16xf32>
        tpu.vector_store %arg8[%swap3A_622, %swap3A_623], %swap3A_626 {strides = array<i32>} : memref<128x128xf32, #tpu.memory_space<vmem>>, vector<1x16xf32>,
        %get3A_627 = arith.index_cast %add3A_566 : i32 to index
        %get3A_628 = arith.constant 96 : index
        %get3A_629 = tpu.vector_load %arg8[%get3A_627, %get3A_628] {strides = array<i32>} : memref<128x128xf32, #tpu.memory_space<vmem>>, vector<1x16xf32>,
        %get3A_630 = vector.shape_cast %get3A_629 : vector<1x16xf32> to vector<16xf32>
        %add3A_631 = arith.addf %get3A_630, %get3A_100 : vector<16xf32>
        %swap3A_632 = arith.index_cast %add3A_566 : i32 to index
        %swap3A_633 = arith.constant 96 : index
        %swap3A_634 = tpu.vector_load %arg8[%swap3A_632, %swap3A_633] {strides = array<i32>} : memref<128x128xf32, #tpu.memory_space<vmem>>, vector<1x16xf32>,
        %swap3A_635 = vector.shape_cast %swap3A_634 : vector<1x16xf32> to vector<16xf32>
        %swap3A_636 = vector.shape_cast %add3A_631 : vector<16xf32> to vector<1x16xf32>
        tpu.vector_store %arg8[%swap3A_632, %swap3A_633], %swap3A_636 {strides = array<i32>} : memref<128x128xf32, #tpu.memory_space<vmem>>, vector<1x16xf32>,
        %get3A_637 = arith.index_cast %add3A_566 : i32 to index
        %get3A_638 = arith.constant 112 : index
        %get3A_639 = tpu.vector_load %arg8[%get3A_637, %get3A_638] {strides = array<i32>} : memref<128x128xf32, #tpu.memory_space<vmem>>, vector<1x16xf32>,
        %get3A_640 = vector.shape_cast %get3A_639 : vector<1x16xf32> to vector<16xf32>
        %add3A_641 = arith.addf %get3A_640, %get3A_104 : vector<16xf32>
        %swap3A_642 = arith.index_cast %add3A_566 : i32 to index
        %swap3A_643 = arith.constant 112 : index
        %swap3A_644 = tpu.vector_load %arg8[%swap3A_642, %swap3A_643] {strides = array<i32>} : memref<128x128xf32, #tpu.memory_space<vmem>>, vector<1x16xf32>,
        %swap3A_645 = vector.shape_cast %swap3A_644 : vector<1x16xf32> to vector<16xf32>
        %swap3A_646 = vector.shape_cast %add3A_641 : vector<16xf32> to vector<1x16xf32>
        tpu.vector_store %arg8[%swap3A_642, %swap3A_643], %swap3A_646 {strides = array<i32>} : memref<128x128xf32, #tpu.memory_space<vmem>>, vector<1x16xf32>,
      }
      %scan3A_110 = arith.constant 32 : i32
      %dma_start3A_111 = arith.constant 0 : i32
      %dma_start3A_112 = tpu.memref_slice %arg5[%mul3A_2, %add3A_67, %dma_start3A_111] : memref<4096x200x128xf32, #tpu.memory_space<hbm>> -> memref<128x1x128xf32, #tpu.memory_space<hbm>>
      %dma_start3A_113 = tpu.memref_squeeze %dma_start3A_112 : memref<128x1x128xf32, #tpu.memory_space<hbm>> -> memref<128x128xf32, #tpu.memory_space<hbm>>
      %dma_start3A_114 = arith.constant 0 : i32
      %dma_start3A_115 = tpu.memref_slice %arg5[%mul3A_2, %add3A_67, %dma_start3A_114] : memref<4096x200x128xf32, #tpu.memory_space<hbm>> -> memref<128x1x128xf32, #tpu.memory_space<hbm>>
      %dma_start3A_116 = tpu.memref_squeeze %dma_start3A_115 : memref<128x1x128xf32, #tpu.memory_space<hbm>> -> memref<128x128xf32, #tpu.memory_space<hbm>>
      tpu.enqueue_dma source(%arg8 : memref<128x128xf32, #tpu.memory_space<vmem>>) target(%dma_start3A_116 : memref<128x128xf32, #tpu.memory_space<hbm>>) target_semaphore(%arg16 : memref<!tpu.dma_semaphore, #tpu.memory_space<semaphore_mem>>)
      %add3A_117 = arith.constant 4 : i32
      %add3A_118 = arith.addi %add3A_67, %add3A_117 : i32
      %sub3A = arith.constant 1 : i32
      %sub3A_119 = arith.subi %add3A_118, %sub3A : i32
      %lt3A = arith.constant 200 : i32
      %lt3A_120 = arith.cmpi slt, %sub3A_119, %lt3A : i32
      %convert_element_type3A = arith.extui %lt3A_120 : i1 to i32
      %cond3A = arith.constant 0 : i32
      %cond3A_121 = arith.cmpi ne, %convert_element_type3A, %cond3A : i32
      scf.if %cond3A_121 {
        %gt3A = arith.constant 0 : i32
        %gt3A_311 = arith.cmpi sgt, %add3A_67, %gt3A : i32
        %convert_element_type3A_312 = arith.extui %gt3A_311 : i1 to i32
        %cond3A_313 = arith.constant 0 : i32
        %cond3A_314 = arith.cmpi ne, %convert_element_type3A_312, %cond3A_313 : i32
        scf.if %cond3A_314 {
          %dma_wait3A_325 = arith.constant 0 : i32
          %dma_wait3A_326 = arith.constant 0 : i32
          %dma_wait3A_327 = arith.constant 0 : i32
          %dma_wait3A_328 = tpu.memref_slice %arg5[%dma_wait3A_326, %dma_wait3A_325, %dma_wait3A_327] : memref<4096x200x128xf32, #tpu.memory_space<hbm>> -> memref<128x1x128xf32, #tpu.memory_space<hbm>>
          %dma_wait3A_329 = tpu.memref_squeeze %dma_wait3A_328 : memref<128x1x128xf32, #tpu.memory_space<hbm>> -> memref<128x128xf32, #tpu.memory_space<hbm>>
          %dma_wait3A_330 = arith.constant 0 : i32
          %dma_wait3A_331 = arith.constant 0 : i32
          %dma_wait3A_332 = tpu.memref_slice %arg5[%dma_wait3A_330, %dma_wait3A_325, %dma_wait3A_331] : memref<4096x200x128xf32, #tpu.memory_space<hbm>> -> memref<128x1x128xf32, #tpu.memory_space<hbm>>
          %dma_wait3A_333 = tpu.memref_squeeze %dma_wait3A_332 : memref<128x1x128xf32, #tpu.memory_space<hbm>> -> memref<128x128xf32, #tpu.memory_space<hbm>>
          tpu.wait_dma2 semaphore(%arg19 : memref<!tpu.dma_semaphore, #tpu.memory_space<semaphore_mem>>) src(%arg11 : memref<128x128xf32, #tpu.memory_space<vmem>>) dst(%dma_wait3A_333 : memref<128x128xf32, #tpu.memory_space<hbm>>)
        } else {
        }
        %add3A_315 = arith.constant 4 : i32
        %add3A_316 = arith.addi %add3A_67, %add3A_315 : i32
        %sub3A_317 = arith.constant 1 : i32
        %sub3A_318 = arith.subi %add3A_316, %sub3A_317 : i32
        %dma_start3A_319 = arith.constant 0 : i32
        %dma_start3A_320 = tpu.memref_slice %arg6[%sub3A_318, %dma_start3A_319] : memref<200x128xi32, #tpu.memory_space<vmem>> -> memref<1x128xi32, #tpu.memory_space<vmem>>
        %dma_start3A_321 = tpu.memref_squeeze %dma_start3A_320 : memref<1x128xi32, #tpu.memory_space<vmem>> -> memref<128xi32, #tpu.memory_space<vmem>>
        %dma_start3A_322 = arith.constant 0 : i32
        %dma_start3A_323 = arith.constant 0 : i32
        %dma_start3A_324 = tpu.memref_slice %arg3[%dma_start3A_322, %dma_start3A_323] : memref<100000x128xf32, #tpu.memory_space<hbm>> -> memref<100000x128xf32, #tpu.memory_space<hbm>>
        tpu.enqueue_indirect_dma source(%dma_start3A_324 : memref<100000x128xf32, #tpu.memory_space<hbm>>) target(%arg11 : memref<128x128xf32, #tpu.memory_space<vmem>>) offsets(%dma_start3A_321 : memref<128xi32, #tpu.memory_space<vmem>>) semaphore(%arg15 : memref<!tpu.dma_semaphore, #tpu.memory_space<semaphore_mem>>)
      } else {
      }
      %mul3A_122 = arith.constant 4 : i32
      %mul3A_123 = arith.muli %scan3A_63, %mul3A_122 : i32
      %add3A_124 = arith.constant 1 : i32
      %add3A_125 = arith.addi %mul3A_123, %add3A_124 : i32
      %dma_wait3A_126 = arith.constant 0 : i32
      %dma_wait3A_127 = tpu.memref_slice %arg6[%add3A_125, %dma_wait3A_126] : memref<200x128xi32, #tpu.memory_space<vmem>> -> memref<1x128xi32, #tpu.memory_space<vmem>>
      %dma_wait3A_128 = tpu.memref_squeeze %dma_wait3A_127 : memref<1x128xi32, #tpu.memory_space<vmem>> -> memref<128xi32, #tpu.memory_space<vmem>>
      %dma_wait3A_129 = arith.constant 0 : i32
      %dma_wait3A_130 = arith.constant 0 : i32
      %dma_wait3A_131 = tpu.memref_slice %arg3[%dma_wait3A_129, %dma_wait3A_130] : memref<100000x128xf32, #tpu.memory_space<hbm>> -> memref<100000x128xf32, #tpu.memory_space<hbm>>
      tpu.wait_indirect_dma semaphore(%arg13 : memref<!tpu.dma_semaphore, #tpu.memory_space<semaphore_mem>>) src(%dma_wait3A_131 : memref<100000x128xf32, #tpu.memory_space<hbm>>) dst(%arg9 : memref<128x128xf32, #tpu.memory_space<vmem>>)
      %get3A_132 = arith.index_cast %add3A_125 : i32 to index
      %get3A_133 = arith.constant 0 : index
      %get3A_134 = tpu.vector_load %arg7[%get3A_132, %get3A_133] {strides = array<i32>} : memref<200x128xf32, #tpu.memory_space<vmem>>, vector<1x16xf32>,
      %get3A_135 = vector.shape_cast %get3A_134 : vector<1x16xf32> to vector<16xf32>
      %get3A_136 = arith.index_cast %add3A_125 : i32 to index
      %get3A_137 = arith.constant 16 : index
      %get3A_138 = tpu.vector_load %arg7[%get3A_136, %get3A_137] {strides = array<i32>} : memref<200x128xf32, #tpu.memory_space<vmem>>, vector<1x16xf32>,
      %get3A_139 = vector.shape_cast %get3A_138 : vector<1x16xf32> to vector<16xf32>
      %get3A_140 = arith.index_cast %add3A_125 : i32 to index
      %get3A_141 = arith.constant 32 : index
      %get3A_142 = tpu.vector_load %arg7[%get3A_140, %get3A_141] {strides = array<i32>} : memref<200x128xf32, #tpu.memory_space<vmem>>, vector<1x16xf32>,
      %get3A_143 = vector.shape_cast %get3A_142 : vector<1x16xf32> to vector<16xf32>
      %get3A_144 = arith.index_cast %add3A_125 : i32 to index
      %get3A_145 = arith.constant 48 : index
      %get3A_146 = tpu.vector_load %arg7[%get3A_144, %get3A_145] {strides = array<i32>} : memref<200x128xf32, #tpu.memory_space<vmem>>, vector<1x16xf32>,
      %get3A_147 = vector.shape_cast %get3A_146 : vector<1x16xf32> to vector<16xf32>
      %get3A_148 = arith.index_cast %add3A_125 : i32 to index
      %get3A_149 = arith.constant 64 : index
      %get3A_150 = tpu.vector_load %arg7[%get3A_148, %get3A_149] {strides = array<i32>} : memref<200x128xf32, #tpu.memory_space<vmem>>, vector<1x16xf32>,
      %get3A_151 = vector.shape_cast %get3A_150 : vector<1x16xf32> to vector<16xf32>
      %get3A_152 = arith.index_cast %add3A_125 : i32 to index
      %get3A_153 = arith.constant 80 : index
      %get3A_154 = tpu.vector_load %arg7[%get3A_152, %get3A_153] {strides = array<i32>} : memref<200x128xf32, #tpu.memory_space<vmem>>, vector<1x16xf32>,
      %get3A_155 = vector.shape_cast %get3A_154 : vector<1x16xf32> to vector<16xf32>
      %get3A_156 = arith.index_cast %add3A_125 : i32 to index
      %get3A_157 = arith.constant 96 : index
      %get3A_158 = tpu.vector_load %arg7[%get3A_156, %get3A_157] {strides = array<i32>} : memref<200x128xf32, #tpu.memory_space<vmem>>, vector<1x16xf32>,
      %get3A_159 = vector.shape_cast %get3A_158 : vector<1x16xf32> to vector<16xf32>
      %get3A_160 = arith.index_cast %add3A_125 : i32 to index
      %get3A_161 = arith.constant 112 : index
      %get3A_162 = tpu.vector_load %arg7[%get3A_160, %get3A_161] {strides = array<i32>} : memref<200x128xf32, #tpu.memory_space<vmem>>, vector<1x16xf32>,
      %get3A_163 = vector.shape_cast %get3A_162 : vector<1x16xf32> to vector<16xf32>
      %scan3A_164 = arith.constant 0 : i32
      %scan3A_165 = arith.constant 0 : i32
      %scan3A_166 = arith.constant 32 : i32
      %scan3A_167 = arith.addi %scan3A_165, %scan3A_166 : i32
      %scan3A_168 = arith.constant 1 : i32
      scf.for %scan3A_311 = %scan3A_165 to %scan3A_167 step %scan3A_168  : i32 {
        %mul3A_312 = arith.constant 4 : i32
        %mul3A_313 = arith.muli %scan3A_311, %mul3A_312 : i32
        %add3A_314 = arith.constant 0 : i32
        %add3A_315 = arith.addi %mul3A_313, %add3A_314 : i32
        %get3A_316 = arith.index_cast %add3A_315 : i32 to index
        %get3A_317 = arith.constant 0 : index
        %get3A_318 = tpu.vector_load %arg9[%get3A_316, %get3A_317] {strides = array<i32>} : memref<128x128xf32, #tpu.memory_space<vmem>>, vector<1x16xf32>,
        %get3A_319 = vector.shape_cast %get3A_318 : vector<1x16xf32> to vector<16xf32>
        %add3A_320 = arith.addf %get3A_319, %get3A_135 : vector<16xf32>
        %swap3A = arith.index_cast %add3A_315 : i32 to index
        %swap3A_321 = arith.constant 0 : index
        %swap3A_322 = tpu.vector_load %arg9[%swap3A, %swap3A_321] {strides = array<i32>} : memref<128x128xf32, #tpu.memory_space<vmem>>, vector<1x16xf32>,
        %swap3A_323 = vector.shape_cast %swap3A_322 : vector<1x16xf32> to vector<16xf32>
        %swap3A_324 = vector.shape_cast %add3A_320 : vector<16xf32> to vector<1x16xf32>
        tpu.vector_store %arg9[%swap3A, %swap3A_321], %swap3A_324 {strides = array<i32>} : memref<128x128xf32, #tpu.memory_space<vmem>>, vector<1x16xf32>,
        %get3A_325 = arith.index_cast %add3A_315 : i32 to index
        %get3A_326 = arith.constant 16 : index
        %get3A_327 = tpu.vector_load %arg9[%get3A_325, %get3A_326] {strides = array<i32>} : memref<128x128xf32, #tpu.memory_space<vmem>>, vector<1x16xf32>,
        %get3A_328 = vector.shape_cast %get3A_327 : vector<1x16xf32> to vector<16xf32>
        %add3A_329 = arith.addf %get3A_328, %get3A_139 : vector<16xf32>
        %swap3A_330 = arith.index_cast %add3A_315 : i32 to index
        %swap3A_331 = arith.constant 16 : index
        %swap3A_332 = tpu.vector_load %arg9[%swap3A_330, %swap3A_331] {strides = array<i32>} : memref<128x128xf32, #tpu.memory_space<vmem>>, vector<1x16xf32>,
        %swap3A_333 = vector.shape_cast %swap3A_332 : vector<1x16xf32> to vector<16xf32>
        %swap3A_334 = vector.shape_cast %add3A_329 : vector<16xf32> to vector<1x16xf32>
        tpu.vector_store %arg9[%swap3A_330, %swap3A_331], %swap3A_334 {strides = array<i32>} : memref<128x128xf32, #tpu.memory_space<vmem>>, vector<1x16xf32>,
        %get3A_335 = arith.index_cast %add3A_315 : i32 to index
        %get3A_336 = arith.constant 32 : index
        %get3A_337 = tpu.vector_load %arg9[%get3A_335, %get3A_336] {strides = array<i32>} : memref<128x128xf32, #tpu.memory_space<vmem>>, vector<1x16xf32>,
        %get3A_338 = vector.shape_cast %get3A_337 : vector<1x16xf32> to vector<16xf32>
        %add3A_339 = arith.addf %get3A_338, %get3A_143 : vector<16xf32>
        %swap3A_340 = arith.index_cast %add3A_315 : i32 to index
        %swap3A_341 = arith.constant 32 : index
        %swap3A_342 = tpu.vector_load %arg9[%swap3A_340, %swap3A_341] {strides = array<i32>} : memref<128x128xf32, #tpu.memory_space<vmem>>, vector<1x16xf32>,
        %swap3A_343 = vector.shape_cast %swap3A_342 : vector<1x16xf32> to vector<16xf32>
        %swap3A_344 = vector.shape_cast %add3A_339 : vector<16xf32> to vector<1x16xf32>
        tpu.vector_store %arg9[%swap3A_340, %swap3A_341], %swap3A_344 {strides = array<i32>} : memref<128x128xf32, #tpu.memory_space<vmem>>, vector<1x16xf32>,
        %get3A_345 = arith.index_cast %add3A_315 : i32 to index
        %get3A_346 = arith.constant 48 : index
        %get3A_347 = tpu.vector_load %arg9[%get3A_345, %get3A_346] {strides = array<i32>} : memref<128x128xf32, #tpu.memory_space<vmem>>, vector<1x16xf32>,
        %get3A_348 = vector.shape_cast %get3A_347 : vector<1x16xf32> to vector<16xf32>
        %add3A_349 = arith.addf %get3A_348, %get3A_147 : vector<16xf32>
        %swap3A_350 = arith.index_cast %add3A_315 : i32 to index
        %swap3A_351 = arith.constant 48 : index
        %swap3A_352 = tpu.vector_load %arg9[%swap3A_350, %swap3A_351] {strides = array<i32>} : memref<128x128xf32, #tpu.memory_space<vmem>>, vector<1x16xf32>,
        %swap3A_353 = vector.shape_cast %swap3A_352 : vector<1x16xf32> to vector<16xf32>
        %swap3A_354 = vector.shape_cast %add3A_349 : vector<16xf32> to vector<1x16xf32>
        tpu.vector_store %arg9[%swap3A_350, %swap3A_351], %swap3A_354 {strides = array<i32>} : memref<128x128xf32, #tpu.memory_space<vmem>>, vector<1x16xf32>,
        %get3A_355 = arith.index_cast %add3A_315 : i32 to index
        %get3A_356 = arith.constant 64 : index
        %get3A_357 = tpu.vector_load %arg9[%get3A_355, %get3A_356] {strides = array<i32>} : memref<128x128xf32, #tpu.memory_space<vmem>>, vector<1x16xf32>,
        %get3A_358 = vector.shape_cast %get3A_357 : vector<1x16xf32> to vector<16xf32>
        %add3A_359 = arith.addf %get3A_358, %get3A_151 : vector<16xf32>
        %swap3A_360 = arith.index_cast %add3A_315 : i32 to index
        %swap3A_361 = arith.constant 64 : index
        %swap3A_362 = tpu.vector_load %arg9[%swap3A_360, %swap3A_361] {strides = array<i32>} : memref<128x128xf32, #tpu.memory_space<vmem>>, vector<1x16xf32>,
        %swap3A_363 = vector.shape_cast %swap3A_362 : vector<1x16xf32> to vector<16xf32>
        %swap3A_364 = vector.shape_cast %add3A_359 : vector<16xf32> to vector<1x16xf32>
        tpu.vector_store %arg9[%swap3A_360, %swap3A_361], %swap3A_364 {strides = array<i32>} : memref<128x128xf32, #tpu.memory_space<vmem>>, vector<1x16xf32>,
        %get3A_365 = arith.index_cast %add3A_315 : i32 to index
        %get3A_366 = arith.constant 80 : index
        %get3A_367 = tpu.vector_load %arg9[%get3A_365, %get3A_366] {strides = array<i32>} : memref<128x128xf32, #tpu.memory_space<vmem>>, vector<1x16xf32>,
        %get3A_368 = vector.shape_cast %get3A_367 : vector<1x16xf32> to vector<16xf32>
        %add3A_369 = arith.addf %get3A_368, %get3A_155 : vector<16xf32>
        %swap3A_370 = arith.index_cast %add3A_315 : i32 to index
        %swap3A_371 = arith.constant 80 : index
        %swap3A_372 = tpu.vector_load %arg9[%swap3A_370, %swap3A_371] {strides = array<i32>} : memref<128x128xf32, #tpu.memory_space<vmem>>, vector<1x16xf32>,
        %swap3A_373 = vector.shape_cast %swap3A_372 : vector<1x16xf32> to vector<16xf32>
        %swap3A_374 = vector.shape_cast %add3A_369 : vector<16xf32> to vector<1x16xf32>
        tpu.vector_store %arg9[%swap3A_370, %swap3A_371], %swap3A_374 {strides = array<i32>} : memref<128x128xf32, #tpu.memory_space<vmem>>, vector<1x16xf32>,
        %get3A_375 = arith.index_cast %add3A_315 : i32 to index
        %get3A_376 = arith.constant 96 : index
        %get3A_377 = tpu.vector_load %arg9[%get3A_375, %get3A_376] {strides = array<i32>} : memref<128x128xf32, #tpu.memory_space<vmem>>, vector<1x16xf32>,
        %get3A_378 = vector.shape_cast %get3A_377 : vector<1x16xf32> to vector<16xf32>
        %add3A_379 = arith.addf %get3A_378, %get3A_159 : vector<16xf32>
        %swap3A_380 = arith.index_cast %add3A_315 : i32 to index
        %swap3A_381 = arith.constant 96 : index
        %swap3A_382 = tpu.vector_load %arg9[%swap3A_380, %swap3A_381] {strides = array<i32>} : memref<128x128xf32, #tpu.memory_space<vmem>>, vector<1x16xf32>,
        %swap3A_383 = vector.shape_cast %swap3A_382 : vector<1x16xf32> to vector<16xf32>
        %swap3A_384 = vector.shape_cast %add3A_379 : vector<16xf32> to vector<1x16xf32>
        tpu.vector_store %arg9[%swap3A_380, %swap3A_381], %swap3A_384 {strides = array<i32>} : memref<128x128xf32, #tpu.memory_space<vmem>>, vector<1x16xf32>,
        %get3A_385 = arith.index_cast %add3A_315 : i32 to index
        %get3A_386 = arith.constant 112 : index
        %get3A_387 = tpu.vector_load %arg9[%get3A_385, %get3A_386] {strides = array<i32>} : memref<128x128xf32, #tpu.memory_space<vmem>>, vector<1x16xf32>,
        %get3A_388 = vector.shape_cast %get3A_387 : vector<1x16xf32> to vector<16xf32>
        %add3A_389 = arith.addf %get3A_388, %get3A_163 : vector<16xf32>
        %swap3A_390 = arith.index_cast %add3A_315 : i32 to index
        %swap3A_391 = arith.constant 112 : index
        %swap3A_392 = tpu.vector_load %arg9[%swap3A_390, %swap3A_391] {strides = array<i32>} : memref<128x128xf32, #tpu.memory_space<vmem>>, vector<1x16xf32>,
        %swap3A_393 = vector.shape_cast %swap3A_392 : vector<1x16xf32> to vector<16xf32>
        %swap3A_394 = vector.shape_cast %add3A_389 : vector<16xf32> to vector<1x16xf32>
        tpu.vector_store %arg9[%swap3A_390, %swap3A_391], %swap3A_394 {strides = array<i32>} : memref<128x128xf32, #tpu.memory_space<vmem>>, vector<1x16xf32>,
        %mul3A_395 = arith.constant 4 : i32
        %mul3A_396 = arith.muli %scan3A_311, %mul3A_395 : i32
        %add3A_397 = arith.constant 1 : i32
        %add3A_398 = arith.addi %mul3A_396, %add3A_397 : i32
        %get3A_399 = arith.index_cast %add3A_398 : i32 to index
        %get3A_400 = arith.constant 0 : index
        %get3A_401 = tpu.vector_load %arg9[%get3A_399, %get3A_400] {strides = array<i32>} : memref<128x128xf32, #tpu.memory_space<vmem>>, vector<1x16xf32>,
        %get3A_402 = vector.shape_cast %get3A_401 : vector<1x16xf32> to vector<16xf32>
        %add3A_403 = arith.addf %get3A_402, %get3A_135 : vector<16xf32>
        %swap3A_404 = arith.index_cast %add3A_398 : i32 to index
        %swap3A_405 = arith.constant 0 : index
        %swap3A_406 = tpu.vector_load %arg9[%swap3A_404, %swap3A_405] {strides = array<i32>} : memref<128x128xf32, #tpu.memory_space<vmem>>, vector<1x16xf32>,
        %swap3A_407 = vector.shape_cast %swap3A_406 : vector<1x16xf32> to vector<16xf32>
        %swap3A_408 = vector.shape_cast %add3A_403 : vector<16xf32> to vector<1x16xf32>
        tpu.vector_store %arg9[%swap3A_404, %swap3A_405], %swap3A_408 {strides = array<i32>} : memref<128x128xf32, #tpu.memory_space<vmem>>, vector<1x16xf32>,
        %get3A_409 = arith.index_cast %add3A_398 : i32 to index
        %get3A_410 = arith.constant 16 : index
        %get3A_411 = tpu.vector_load %arg9[%get3A_409, %get3A_410] {strides = array<i32>} : memref<128x128xf32, #tpu.memory_space<vmem>>, vector<1x16xf32>,
        %get3A_412 = vector.shape_cast %get3A_411 : vector<1x16xf32> to vector<16xf32>
        %add3A_413 = arith.addf %get3A_412, %get3A_139 : vector<16xf32>
        %swap3A_414 = arith.index_cast %add3A_398 : i32 to index
        %swap3A_415 = arith.constant 16 : index
        %swap3A_416 = tpu.vector_load %arg9[%swap3A_414, %swap3A_415] {strides = array<i32>} : memref<128x128xf32, #tpu.memory_space<vmem>>, vector<1x16xf32>,
        %swap3A_417 = vector.shape_cast %swap3A_416 : vector<1x16xf32> to vector<16xf32>
        %swap3A_418 = vector.shape_cast %add3A_413 : vector<16xf32> to vector<1x16xf32>
        tpu.vector_store %arg9[%swap3A_414, %swap3A_415], %swap3A_418 {strides = array<i32>} : memref<128x128xf32, #tpu.memory_space<vmem>>, vector<1x16xf32>,
        %get3A_419 = arith.index_cast %add3A_398 : i32 to index
        %get3A_420 = arith.constant 32 : index
        %get3A_421 = tpu.vector_load %arg9[%get3A_419, %get3A_420] {strides = array<i32>} : memref<128x128xf32, #tpu.memory_space<vmem>>, vector<1x16xf32>,
        %get3A_422 = vector.shape_cast %get3A_421 : vector<1x16xf32> to vector<16xf32>
        %add3A_423 = arith.addf %get3A_422, %get3A_143 : vector<16xf32>
        %swap3A_424 = arith.index_cast %add3A_398 : i32 to index
        %swap3A_425 = arith.constant 32 : index
        %swap3A_426 = tpu.vector_load %arg9[%swap3A_424, %swap3A_425] {strides = array<i32>} : memref<128x128xf32, #tpu.memory_space<vmem>>, vector<1x16xf32>,
        %swap3A_427 = vector.shape_cast %swap3A_426 : vector<1x16xf32> to vector<16xf32>
        %swap3A_428 = vector.shape_cast %add3A_423 : vector<16xf32> to vector<1x16xf32>
        tpu.vector_store %arg9[%swap3A_424, %swap3A_425], %swap3A_428 {strides = array<i32>} : memref<128x128xf32, #tpu.memory_space<vmem>>, vector<1x16xf32>,
        %get3A_429 = arith.index_cast %add3A_398 : i32 to index
        %get3A_430 = arith.constant 48 : index
        %get3A_431 = tpu.vector_load %arg9[%get3A_429, %get3A_430] {strides = array<i32>} : memref<128x128xf32, #tpu.memory_space<vmem>>, vector<1x16xf32>,
        %get3A_432 = vector.shape_cast %get3A_431 : vector<1x16xf32> to vector<16xf32>
        %add3A_433 = arith.addf %get3A_432, %get3A_147 : vector<16xf32>
        %swap3A_434 = arith.index_cast %add3A_398 : i32 to index
        %swap3A_435 = arith.constant 48 : index
        %swap3A_436 = tpu.vector_load %arg9[%swap3A_434, %swap3A_435] {strides = array<i32>} : memref<128x128xf32, #tpu.memory_space<vmem>>, vector<1x16xf32>,
        %swap3A_437 = vector.shape_cast %swap3A_436 : vector<1x16xf32> to vector<16xf32>
        %swap3A_438 = vector.shape_cast %add3A_433 : vector<16xf32> to vector<1x16xf32>
        tpu.vector_store %arg9[%swap3A_434, %swap3A_435], %swap3A_438 {strides = array<i32>} : memref<128x128xf32, #tpu.memory_space<vmem>>, vector<1x16xf32>,
        %get3A_439 = arith.index_cast %add3A_398 : i32 to index
        %get3A_440 = arith.constant 64 : index
        %get3A_441 = tpu.vector_load %arg9[%get3A_439, %get3A_440] {strides = array<i32>} : memref<128x128xf32, #tpu.memory_space<vmem>>, vector<1x16xf32>,
        %get3A_442 = vector.shape_cast %get3A_441 : vector<1x16xf32> to vector<16xf32>
        %add3A_443 = arith.addf %get3A_442, %get3A_151 : vector<16xf32>
        %swap3A_444 = arith.index_cast %add3A_398 : i32 to index
        %swap3A_445 = arith.constant 64 : index
        %swap3A_446 = tpu.vector_load %arg9[%swap3A_444, %swap3A_445] {strides = array<i32>} : memref<128x128xf32, #tpu.memory_space<vmem>>, vector<1x16xf32>,
        %swap3A_447 = vector.shape_cast %swap3A_446 : vector<1x16xf32> to vector<16xf32>
        %swap3A_448 = vector.shape_cast %add3A_443 : vector<16xf32> to vector<1x16xf32>
        tpu.vector_store %arg9[%swap3A_444, %swap3A_445], %swap3A_448 {strides = array<i32>} : memref<128x128xf32, #tpu.memory_space<vmem>>, vector<1x16xf32>,
        %get3A_449 = arith.index_cast %add3A_398 : i32 to index
        %get3A_450 = arith.constant 80 : index
        %get3A_451 = tpu.vector_load %arg9[%get3A_449, %get3A_450] {strides = array<i32>} : memref<128x128xf32, #tpu.memory_space<vmem>>, vector<1x16xf32>,
        %get3A_452 = vector.shape_cast %get3A_451 : vector<1x16xf32> to vector<16xf32>
        %add3A_453 = arith.addf %get3A_452, %get3A_155 : vector<16xf32>
        %swap3A_454 = arith.index_cast %add3A_398 : i32 to index
        %swap3A_455 = arith.constant 80 : index
        %swap3A_456 = tpu.vector_load %arg9[%swap3A_454, %swap3A_455] {strides = array<i32>} : memref<128x128xf32, #tpu.memory_space<vmem>>, vector<1x16xf32>,
        %swap3A_457 = vector.shape_cast %swap3A_456 : vector<1x16xf32> to vector<16xf32>
        %swap3A_458 = vector.shape_cast %add3A_453 : vector<16xf32> to vector<1x16xf32>
        tpu.vector_store %arg9[%swap3A_454, %swap3A_455], %swap3A_458 {strides = array<i32>} : memref<128x128xf32, #tpu.memory_space<vmem>>, vector<1x16xf32>,
        %get3A_459 = arith.index_cast %add3A_398 : i32 to index
        %get3A_460 = arith.constant 96 : index
        %get3A_461 = tpu.vector_load %arg9[%get3A_459, %get3A_460] {strides = array<i32>} : memref<128x128xf32, #tpu.memory_space<vmem>>, vector<1x16xf32>,
        %get3A_462 = vector.shape_cast %get3A_461 : vector<1x16xf32> to vector<16xf32>
        %add3A_463 = arith.addf %get3A_462, %get3A_159 : vector<16xf32>
        %swap3A_464 = arith.index_cast %add3A_398 : i32 to index
        %swap3A_465 = arith.constant 96 : index
        %swap3A_466 = tpu.vector_load %arg9[%swap3A_464, %swap3A_465] {strides = array<i32>} : memref<128x128xf32, #tpu.memory_space<vmem>>, vector<1x16xf32>,
        %swap3A_467 = vector.shape_cast %swap3A_466 : vector<1x16xf32> to vector<16xf32>
        %swap3A_468 = vector.shape_cast %add3A_463 : vector<16xf32> to vector<1x16xf32>
        tpu.vector_store %arg9[%swap3A_464, %swap3A_465], %swap3A_468 {strides = array<i32>} : memref<128x128xf32, #tpu.memory_space<vmem>>, vector<1x16xf32>,
        %get3A_469 = arith.index_cast %add3A_398 : i32 to index
        %get3A_470 = arith.constant 112 : index
        %get3A_471 = tpu.vector_load %arg9[%get3A_469, %get3A_470] {strides = array<i32>} : memref<128x128xf32, #tpu.memory_space<vmem>>, vector<1x16xf32>,
        %get3A_472 = vector.shape_cast %get3A_471 : vector<1x16xf32> to vector<16xf32>
        %add3A_473 = arith.addf %get3A_472, %get3A_163 : vector<16xf32>
        %swap3A_474 = arith.index_cast %add3A_398 : i32 to index
        %swap3A_475 = arith.constant 112 : index
        %swap3A_476 = tpu.vector_load %arg9[%swap3A_474, %swap3A_475] {strides = array<i32>} : memref<128x128xf32, #tpu.memory_space<vmem>>, vector<1x16xf32>,
        %swap3A_477 = vector.shape_cast %swap3A_476 : vector<1x16xf32> to vector<16xf32>
        %swap3A_478 = vector.shape_cast %add3A_473 : vector<16xf32> to vector<1x16xf32>
        tpu.vector_store %arg9[%swap3A_474, %swap3A_475], %swap3A_478 {strides = array<i32>} : memref<128x128xf32, #tpu.memory_space<vmem>>, vector<1x16xf32>,
        %mul3A_479 = arith.constant 4 : i32
        %mul3A_480 = arith.muli %scan3A_311, %mul3A_479 : i32
        %add3A_481 = arith.constant 2 : i32
        %add3A_482 = arith.addi %mul3A_480, %add3A_481 : i32
        %get3A_483 = arith.index_cast %add3A_482 : i32 to index
        %get3A_484 = arith.constant 0 : index
        %get3A_485 = tpu.vector_load %arg9[%get3A_483, %get3A_484] {strides = array<i32>} : memref<128x128xf32, #tpu.memory_space<vmem>>, vector<1x16xf32>,
        %get3A_486 = vector.shape_cast %get3A_485 : vector<1x16xf32> to vector<16xf32>
        %add3A_487 = arith.addf %get3A_486, %get3A_135 : vector<16xf32>
        %swap3A_488 = arith.index_cast %add3A_482 : i32 to index
        %swap3A_489 = arith.constant 0 : index
        %swap3A_490 = tpu.vector_load %arg9[%swap3A_488, %swap3A_489] {strides = array<i32>} : memref<128x128xf32, #tpu.memory_space<vmem>>, vector<1x16xf32>,
        %swap3A_491 = vector.shape_cast %swap3A_490 : vector<1x16xf32> to vector<16xf32>
        %swap3A_492 = vector.shape_cast %add3A_487 : vector<16xf32> to vector<1x16xf32>
        tpu.vector_store %arg9[%swap3A_488, %swap3A_489], %swap3A_492 {strides = array<i32>} : memref<128x128xf32, #tpu.memory_space<vmem>>, vector<1x16xf32>,
        %get3A_493 = arith.index_cast %add3A_482 : i32 to index
        %get3A_494 = arith.constant 16 : index
        %get3A_495 = tpu.vector_load %arg9[%get3A_493, %get3A_494] {strides = array<i32>} : memref<128x128xf32, #tpu.memory_space<vmem>>, vector<1x16xf32>,
        %get3A_496 = vector.shape_cast %get3A_495 : vector<1x16xf32> to vector<16xf32>
        %add3A_497 = arith.addf %get3A_496, %get3A_139 : vector<16xf32>
        %swap3A_498 = arith.index_cast %add3A_482 : i32 to index
        %swap3A_499 = arith.constant 16 : index
        %swap3A_500 = tpu.vector_load %arg9[%swap3A_498, %swap3A_499] {strides = array<i32>} : memref<128x128xf32, #tpu.memory_space<vmem>>, vector<1x16xf32>,
        %swap3A_501 = vector.shape_cast %swap3A_500 : vector<1x16xf32> to vector<16xf32>
        %swap3A_502 = vector.shape_cast %add3A_497 : vector<16xf32> to vector<1x16xf32>
        tpu.vector_store %arg9[%swap3A_498, %swap3A_499], %swap3A_502 {strides = array<i32>} : memref<128x128xf32, #tpu.memory_space<vmem>>, vector<1x16xf32>,
        %get3A_503 = arith.index_cast %add3A_482 : i32 to index
        %get3A_504 = arith.constant 32 : index
        %get3A_505 = tpu.vector_load %arg9[%get3A_503, %get3A_504] {strides = array<i32>} : memref<128x128xf32, #tpu.memory_space<vmem>>, vector<1x16xf32>,
        %get3A_506 = vector.shape_cast %get3A_505 : vector<1x16xf32> to vector<16xf32>
        %add3A_507 = arith.addf %get3A_506, %get3A_143 : vector<16xf32>
        %swap3A_508 = arith.index_cast %add3A_482 : i32 to index
        %swap3A_509 = arith.constant 32 : index
        %swap3A_510 = tpu.vector_load %arg9[%swap3A_508, %swap3A_509] {strides = array<i32>} : memref<128x128xf32, #tpu.memory_space<vmem>>, vector<1x16xf32>,
        %swap3A_511 = vector.shape_cast %swap3A_510 : vector<1x16xf32> to vector<16xf32>
        %swap3A_512 = vector.shape_cast %add3A_507 : vector<16xf32> to vector<1x16xf32>
        tpu.vector_store %arg9[%swap3A_508, %swap3A_509], %swap3A_512 {strides = array<i32>} : memref<128x128xf32, #tpu.memory_space<vmem>>, vector<1x16xf32>,
        %get3A_513 = arith.index_cast %add3A_482 : i32 to index
        %get3A_514 = arith.constant 48 : index
        %get3A_515 = tpu.vector_load %arg9[%get3A_513, %get3A_514] {strides = array<i32>} : memref<128x128xf32, #tpu.memory_space<vmem>>, vector<1x16xf32>,
        %get3A_516 = vector.shape_cast %get3A_515 : vector<1x16xf32> to vector<16xf32>
        %add3A_517 = arith.addf %get3A_516, %get3A_147 : vector<16xf32>
        %swap3A_518 = arith.index_cast %add3A_482 : i32 to index
        %swap3A_519 = arith.constant 48 : index
        %swap3A_520 = tpu.vector_load %arg9[%swap3A_518, %swap3A_519] {strides = array<i32>} : memref<128x128xf32, #tpu.memory_space<vmem>>, vector<1x16xf32>,
        %swap3A_521 = vector.shape_cast %swap3A_520 : vector<1x16xf32> to vector<16xf32>
        %swap3A_522 = vector.shape_cast %add3A_517 : vector<16xf32> to vector<1x16xf32>
        tpu.vector_store %arg9[%swap3A_518, %swap3A_519], %swap3A_522 {strides = array<i32>} : memref<128x128xf32, #tpu.memory_space<vmem>>, vector<1x16xf32>,
        %get3A_523 = arith.index_cast %add3A_482 : i32 to index
        %get3A_524 = arith.constant 64 : index
        %get3A_525 = tpu.vector_load %arg9[%get3A_523, %get3A_524] {strides = array<i32>} : memref<128x128xf32, #tpu.memory_space<vmem>>, vector<1x16xf32>,
        %get3A_526 = vector.shape_cast %get3A_525 : vector<1x16xf32> to vector<16xf32>
        %add3A_527 = arith.addf %get3A_526, %get3A_151 : vector<16xf32>
        %swap3A_528 = arith.index_cast %add3A_482 : i32 to index
        %swap3A_529 = arith.constant 64 : index
        %swap3A_530 = tpu.vector_load %arg9[%swap3A_528, %swap3A_529] {strides = array<i32>} : memref<128x128xf32, #tpu.memory_space<vmem>>, vector<1x16xf32>,
        %swap3A_531 = vector.shape_cast %swap3A_530 : vector<1x16xf32> to vector<16xf32>
        %swap3A_532 = vector.shape_cast %add3A_527 : vector<16xf32> to vector<1x16xf32>
        tpu.vector_store %arg9[%swap3A_528, %swap3A_529], %swap3A_532 {strides = array<i32>} : memref<128x128xf32, #tpu.memory_space<vmem>>, vector<1x16xf32>,
        %get3A_533 = arith.index_cast %add3A_482 : i32 to index
        %get3A_534 = arith.constant 80 : index
        %get3A_535 = tpu.vector_load %arg9[%get3A_533, %get3A_534] {strides = array<i32>} : memref<128x128xf32, #tpu.memory_space<vmem>>, vector<1x16xf32>,
        %get3A_536 = vector.shape_cast %get3A_535 : vector<1x16xf32> to vector<16xf32>
        %add3A_537 = arith.addf %get3A_536, %get3A_155 : vector<16xf32>
        %swap3A_538 = arith.index_cast %add3A_482 : i32 to index
        %swap3A_539 = arith.constant 80 : index
        %swap3A_540 = tpu.vector_load %arg9[%swap3A_538, %swap3A_539] {strides = array<i32>} : memref<128x128xf32, #tpu.memory_space<vmem>>, vector<1x16xf32>,
        %swap3A_541 = vector.shape_cast %swap3A_540 : vector<1x16xf32> to vector<16xf32>
        %swap3A_542 = vector.shape_cast %add3A_537 : vector<16xf32> to vector<1x16xf32>
        tpu.vector_store %arg9[%swap3A_538, %swap3A_539], %swap3A_542 {strides = array<i32>} : memref<128x128xf32, #tpu.memory_space<vmem>>, vector<1x16xf32>,
        %get3A_543 = arith.index_cast %add3A_482 : i32 to index
        %get3A_544 = arith.constant 96 : index
        %get3A_545 = tpu.vector_load %arg9[%get3A_543, %get3A_544] {strides = array<i32>} : memref<128x128xf32, #tpu.memory_space<vmem>>, vector<1x16xf32>,
        %get3A_546 = vector.shape_cast %get3A_545 : vector<1x16xf32> to vector<16xf32>
        %add3A_547 = arith.addf %get3A_546, %get3A_159 : vector<16xf32>
        %swap3A_548 = arith.index_cast %add3A_482 : i32 to index
        %swap3A_549 = arith.constant 96 : index
        %swap3A_550 = tpu.vector_load %arg9[%swap3A_548, %swap3A_549] {strides = array<i32>} : memref<128x128xf32, #tpu.memory_space<vmem>>, vector<1x16xf32>,
        %swap3A_551 = vector.shape_cast %swap3A_550 : vector<1x16xf32> to vector<16xf32>
        %swap3A_552 = vector.shape_cast %add3A_547 : vector<16xf32> to vector<1x16xf32>
        tpu.vector_store %arg9[%swap3A_548, %swap3A_549], %swap3A_552 {strides = array<i32>} : memref<128x128xf32, #tpu.memory_space<vmem>>, vector<1x16xf32>,
        %get3A_553 = arith.index_cast %add3A_482 : i32 to index
        %get3A_554 = arith.constant 112 : index
        %get3A_555 = tpu.vector_load %arg9[%get3A_553, %get3A_554] {strides = array<i32>} : memref<128x128xf32, #tpu.memory_space<vmem>>, vector<1x16xf32>,
        %get3A_556 = vector.shape_cast %get3A_555 : vector<1x16xf32> to vector<16xf32>
        %add3A_557 = arith.addf %get3A_556, %get3A_163 : vector<16xf32>
        %swap3A_558 = arith.index_cast %add3A_482 : i32 to index
        %swap3A_559 = arith.constant 112 : index
        %swap3A_560 = tpu.vector_load %arg9[%swap3A_558, %swap3A_559] {strides = array<i32>} : memref<128x128xf32, #tpu.memory_space<vmem>>, vector<1x16xf32>,
        %swap3A_561 = vector.shape_cast %swap3A_560 : vector<1x16xf32> to vector<16xf32>
        %swap3A_562 = vector.shape_cast %add3A_557 : vector<16xf32> to vector<1x16xf32>
        tpu.vector_store %arg9[%swap3A_558, %swap3A_559], %swap3A_562 {strides = array<i32>} : memref<128x128xf32, #tpu.memory_space<vmem>>, vector<1x16xf32>,
        %mul3A_563 = arith.constant 4 : i32
        %mul3A_564 = arith.muli %scan3A_311, %mul3A_563 : i32
        %add3A_565 = arith.constant 3 : i32
        %add3A_566 = arith.addi %mul3A_564, %add3A_565 : i32
        %get3A_567 = arith.index_cast %add3A_566 : i32 to index
        %get3A_568 = arith.constant 0 : index
        %get3A_569 = tpu.vector_load %arg9[%get3A_567, %get3A_568] {strides = array<i32>} : memref<128x128xf32, #tpu.memory_space<vmem>>, vector<1x16xf32>,
        %get3A_570 = vector.shape_cast %get3A_569 : vector<1x16xf32> to vector<16xf32>
        %add3A_571 = arith.addf %get3A_570, %get3A_135 : vector<16xf32>
        %swap3A_572 = arith.index_cast %add3A_566 : i32 to index
        %swap3A_573 = arith.constant 0 : index
        %swap3A_574 = tpu.vector_load %arg9[%swap3A_572, %swap3A_573] {strides = array<i32>} : memref<128x128xf32, #tpu.memory_space<vmem>>, vector<1x16xf32>,
        %swap3A_575 = vector.shape_cast %swap3A_574 : vector<1x16xf32> to vector<16xf32>
        %swap3A_576 = vector.shape_cast %add3A_571 : vector<16xf32> to vector<1x16xf32>
        tpu.vector_store %arg9[%swap3A_572, %swap3A_573], %swap3A_576 {strides = array<i32>} : memref<128x128xf32, #tpu.memory_space<vmem>>, vector<1x16xf32>,
        %get3A_577 = arith.index_cast %add3A_566 : i32 to index
        %get3A_578 = arith.constant 16 : index
        %get3A_579 = tpu.vector_load %arg9[%get3A_577, %get3A_578] {strides = array<i32>} : memref<128x128xf32, #tpu.memory_space<vmem>>, vector<1x16xf32>,
        %get3A_580 = vector.shape_cast %get3A_579 : vector<1x16xf32> to vector<16xf32>
        %add3A_581 = arith.addf %get3A_580, %get3A_139 : vector<16xf32>
        %swap3A_582 = arith.index_cast %add3A_566 : i32 to index
        %swap3A_583 = arith.constant 16 : index
        %swap3A_584 = tpu.vector_load %arg9[%swap3A_582, %swap3A_583] {strides = array<i32>} : memref<128x128xf32, #tpu.memory_space<vmem>>, vector<1x16xf32>,
        %swap3A_585 = vector.shape_cast %swap3A_584 : vector<1x16xf32> to vector<16xf32>
        %swap3A_586 = vector.shape_cast %add3A_581 : vector<16xf32> to vector<1x16xf32>
        tpu.vector_store %arg9[%swap3A_582, %swap3A_583], %swap3A_586 {strides = array<i32>} : memref<128x128xf32, #tpu.memory_space<vmem>>, vector<1x16xf32>,
        %get3A_587 = arith.index_cast %add3A_566 : i32 to index
        %get3A_588 = arith.constant 32 : index
        %get3A_589 = tpu.vector_load %arg9[%get3A_587, %get3A_588] {strides = array<i32>} : memref<128x128xf32, #tpu.memory_space<vmem>>, vector<1x16xf32>,
        %get3A_590 = vector.shape_cast %get3A_589 : vector<1x16xf32> to vector<16xf32>
        %add3A_591 = arith.addf %get3A_590, %get3A_143 : vector<16xf32>
        %swap3A_592 = arith.index_cast %add3A_566 : i32 to index
        %swap3A_593 = arith.constant 32 : index
        %swap3A_594 = tpu.vector_load %arg9[%swap3A_592, %swap3A_593] {strides = array<i32>} : memref<128x128xf32, #tpu.memory_space<vmem>>, vector<1x16xf32>,
        %swap3A_595 = vector.shape_cast %swap3A_594 : vector<1x16xf32> to vector<16xf32>
        %swap3A_596 = vector.shape_cast %add3A_591 : vector<16xf32> to vector<1x16xf32>
        tpu.vector_store %arg9[%swap3A_592, %swap3A_593], %swap3A_596 {strides = array<i32>} : memref<128x128xf32, #tpu.memory_space<vmem>>, vector<1x16xf32>,
        %get3A_597 = arith.index_cast %add3A_566 : i32 to index
        %get3A_598 = arith.constant 48 : index
        %get3A_599 = tpu.vector_load %arg9[%get3A_597, %get3A_598] {strides = array<i32>} : memref<128x128xf32, #tpu.memory_space<vmem>>, vector<1x16xf32>,
        %get3A_600 = vector.shape_cast %get3A_599 : vector<1x16xf32> to vector<16xf32>
        %add3A_601 = arith.addf %get3A_600, %get3A_147 : vector<16xf32>
        %swap3A_602 = arith.index_cast %add3A_566 : i32 to index
        %swap3A_603 = arith.constant 48 : index
        %swap3A_604 = tpu.vector_load %arg9[%swap3A_602, %swap3A_603] {strides = array<i32>} : memref<128x128xf32, #tpu.memory_space<vmem>>, vector<1x16xf32>,
        %swap3A_605 = vector.shape_cast %swap3A_604 : vector<1x16xf32> to vector<16xf32>
        %swap3A_606 = vector.shape_cast %add3A_601 : vector<16xf32> to vector<1x16xf32>
        tpu.vector_store %arg9[%swap3A_602, %swap3A_603], %swap3A_606 {strides = array<i32>} : memref<128x128xf32, #tpu.memory_space<vmem>>, vector<1x16xf32>,
        %get3A_607 = arith.index_cast %add3A_566 : i32 to index
        %get3A_608 = arith.constant 64 : index
        %get3A_609 = tpu.vector_load %arg9[%get3A_607, %get3A_608] {strides = array<i32>} : memref<128x128xf32, #tpu.memory_space<vmem>>, vector<1x16xf32>,
        %get3A_610 = vector.shape_cast %get3A_609 : vector<1x16xf32> to vector<16xf32>
        %add3A_611 = arith.addf %get3A_610, %get3A_151 : vector<16xf32>
        %swap3A_612 = arith.index_cast %add3A_566 : i32 to index
        %swap3A_613 = arith.constant 64 : index
        %swap3A_614 = tpu.vector_load %arg9[%swap3A_612, %swap3A_613] {strides = array<i32>} : memref<128x128xf32, #tpu.memory_space<vmem>>, vector<1x16xf32>,
        %swap3A_615 = vector.shape_cast %swap3A_614 : vector<1x16xf32> to vector<16xf32>
        %swap3A_616 = vector.shape_cast %add3A_611 : vector<16xf32> to vector<1x16xf32>
        tpu.vector_store %arg9[%swap3A_612, %swap3A_613], %swap3A_616 {strides = array<i32>} : memref<128x128xf32, #tpu.memory_space<vmem>>, vector<1x16xf32>,
        %get3A_617 = arith.index_cast %add3A_566 : i32 to index
        %get3A_618 = arith.constant 80 : index
        %get3A_619 = tpu.vector_load %arg9[%get3A_617, %get3A_618] {strides = array<i32>} : memref<128x128xf32, #tpu.memory_space<vmem>>, vector<1x16xf32>,
        %get3A_620 = vector.shape_cast %get3A_619 : vector<1x16xf32> to vector<16xf32>
        %add3A_621 = arith.addf %get3A_620, %get3A_155 : vector<16xf32>
        %swap3A_622 = arith.index_cast %add3A_566 : i32 to index
        %swap3A_623 = arith.constant 80 : index
        %swap3A_624 = tpu.vector_load %arg9[%swap3A_622, %swap3A_623] {strides = array<i32>} : memref<128x128xf32, #tpu.memory_space<vmem>>, vector<1x16xf32>,
        %swap3A_625 = vector.shape_cast %swap3A_624 : vector<1x16xf32> to vector<16xf32>
        %swap3A_626 = vector.shape_cast %add3A_621 : vector<16xf32> to vector<1x16xf32>
        tpu.vector_store %arg9[%swap3A_622, %swap3A_623], %swap3A_626 {strides = array<i32>} : memref<128x128xf32, #tpu.memory_space<vmem>>, vector<1x16xf32>,
        %get3A_627 = arith.index_cast %add3A_566 : i32 to index
        %get3A_628 = arith.constant 96 : index
        %get3A_629 = tpu.vector_load %arg9[%get3A_627, %get3A_628] {strides = array<i32>} : memref<128x128xf32, #tpu.memory_space<vmem>>, vector<1x16xf32>,
        %get3A_630 = vector.shape_cast %get3A_629 : vector<1x16xf32> to vector<16xf32>
        %add3A_631 = arith.addf %get3A_630, %get3A_159 : vector<16xf32>
        %swap3A_632 = arith.index_cast %add3A_566 : i32 to index
        %swap3A_633 = arith.constant 96 : index
        %swap3A_634 = tpu.vector_load %arg9[%swap3A_632, %swap3A_633] {strides = array<i32>} : memref<128x128xf32, #tpu.memory_space<vmem>>, vector<1x16xf32>,
        %swap3A_635 = vector.shape_cast %swap3A_634 : vector<1x16xf32> to vector<16xf32>
        %swap3A_636 = vector.shape_cast %add3A_631 : vector<16xf32> to vector<1x16xf32>
        tpu.vector_store %arg9[%swap3A_632, %swap3A_633], %swap3A_636 {strides = array<i32>} : memref<128x128xf32, #tpu.memory_space<vmem>>, vector<1x16xf32>,
        %get3A_637 = arith.index_cast %add3A_566 : i32 to index
        %get3A_638 = arith.constant 112 : index
        %get3A_639 = tpu.vector_load %arg9[%get3A_637, %get3A_638] {strides = array<i32>} : memref<128x128xf32, #tpu.memory_space<vmem>>, vector<1x16xf32>,
        %get3A_640 = vector.shape_cast %get3A_639 : vector<1x16xf32> to vector<16xf32>
        %add3A_641 = arith.addf %get3A_640, %get3A_163 : vector<16xf32>
        %swap3A_642 = arith.index_cast %add3A_566 : i32 to index
        %swap3A_643 = arith.constant 112 : index
        %swap3A_644 = tpu.vector_load %arg9[%swap3A_642, %swap3A_643] {strides = array<i32>} : memref<128x128xf32, #tpu.memory_space<vmem>>, vector<1x16xf32>,
        %swap3A_645 = vector.shape_cast %swap3A_644 : vector<1x16xf32> to vector<16xf32>
        %swap3A_646 = vector.shape_cast %add3A_641 : vector<16xf32> to vector<1x16xf32>
        tpu.vector_store %arg9[%swap3A_642, %swap3A_643], %swap3A_646 {strides = array<i32>} : memref<128x128xf32, #tpu.memory_space<vmem>>, vector<1x16xf32>,
      }
      %scan3A_169 = arith.constant 32 : i32
      %dma_start3A_170 = arith.constant 0 : i32
      %dma_start3A_171 = tpu.memref_slice %arg5[%mul3A_2, %add3A_125, %dma_start3A_170] : memref<4096x200x128xf32, #tpu.memory_space<hbm>> -> memref<128x1x128xf32, #tpu.memory_space<hbm>>
      %dma_start3A_172 = tpu.memref_squeeze %dma_start3A_171 : memref<128x1x128xf32, #tpu.memory_space<hbm>> -> memref<128x128xf32, #tpu.memory_space<hbm>>
      %dma_start3A_173 = arith.constant 0 : i32
      %dma_start3A_174 = tpu.memref_slice %arg5[%mul3A_2, %add3A_125, %dma_start3A_173] : memref<4096x200x128xf32, #tpu.memory_space<hbm>> -> memref<128x1x128xf32, #tpu.memory_space<hbm>>
      %dma_start3A_175 = tpu.memref_squeeze %dma_start3A_174 : memref<128x1x128xf32, #tpu.memory_space<hbm>> -> memref<128x128xf32, #tpu.memory_space<hbm>>
      tpu.enqueue_dma source(%arg9 : memref<128x128xf32, #tpu.memory_space<vmem>>) target(%dma_start3A_175 : memref<128x128xf32, #tpu.memory_space<hbm>>) target_semaphore(%arg17 : memref<!tpu.dma_semaphore, #tpu.memory_space<semaphore_mem>>)
      %add3A_176 = arith.constant 4 : i32
      %add3A_177 = arith.addi %add3A_125, %add3A_176 : i32
      %sub3A_178 = arith.constant 1 : i32
      %sub3A_179 = arith.subi %add3A_177, %sub3A_178 : i32
      %lt3A_180 = arith.constant 200 : i32
      %lt3A_181 = arith.cmpi slt, %sub3A_179, %lt3A_180 : i32
      %convert_element_type3A_182 = arith.extui %lt3A_181 : i1 to i32
      %cond3A_183 = arith.constant 0 : i32
      %cond3A_184 = arith.cmpi ne, %convert_element_type3A_182, %cond3A_183 : i32
      scf.if %cond3A_184 {
        %gt3A = arith.constant 0 : i32
        %gt3A_311 = arith.cmpi sgt, %add3A_125, %gt3A : i32
        %convert_element_type3A_312 = arith.extui %gt3A_311 : i1 to i32
        %cond3A_313 = arith.constant 0 : i32
        %cond3A_314 = arith.cmpi ne, %convert_element_type3A_312, %cond3A_313 : i32
        scf.if %cond3A_314 {
          %dma_wait3A_325 = arith.constant 0 : i32
          %dma_wait3A_326 = arith.constant 0 : i32
          %dma_wait3A_327 = arith.constant 0 : i32
          %dma_wait3A_328 = tpu.memref_slice %arg5[%dma_wait3A_326, %dma_wait3A_325, %dma_wait3A_327] : memref<4096x200x128xf32, #tpu.memory_space<hbm>> -> memref<128x1x128xf32, #tpu.memory_space<hbm>>
          %dma_wait3A_329 = tpu.memref_squeeze %dma_wait3A_328 : memref<128x1x128xf32, #tpu.memory_space<hbm>> -> memref<128x128xf32, #tpu.memory_space<hbm>>
          %dma_wait3A_330 = arith.constant 0 : i32
          %dma_wait3A_331 = arith.constant 0 : i32
          %dma_wait3A_332 = tpu.memref_slice %arg5[%dma_wait3A_330, %dma_wait3A_325, %dma_wait3A_331] : memref<4096x200x128xf32, #tpu.memory_space<hbm>> -> memref<128x1x128xf32, #tpu.memory_space<hbm>>
          %dma_wait3A_333 = tpu.memref_squeeze %dma_wait3A_332 : memref<128x1x128xf32, #tpu.memory_space<hbm>> -> memref<128x128xf32, #tpu.memory_space<hbm>>
          tpu.wait_dma2 semaphore(%arg16 : memref<!tpu.dma_semaphore, #tpu.memory_space<semaphore_mem>>) src(%arg8 : memref<128x128xf32, #tpu.memory_space<vmem>>) dst(%dma_wait3A_333 : memref<128x128xf32, #tpu.memory_space<hbm>>)
        } else {
        }
        %add3A_315 = arith.constant 4 : i32
        %add3A_316 = arith.addi %add3A_125, %add3A_315 : i32
        %sub3A_317 = arith.constant 1 : i32
        %sub3A_318 = arith.subi %add3A_316, %sub3A_317 : i32
        %dma_start3A_319 = arith.constant 0 : i32
        %dma_start3A_320 = tpu.memref_slice %arg6[%sub3A_318, %dma_start3A_319] : memref<200x128xi32, #tpu.memory_space<vmem>> -> memref<1x128xi32, #tpu.memory_space<vmem>>
        %dma_start3A_321 = tpu.memref_squeeze %dma_start3A_320 : memref<1x128xi32, #tpu.memory_space<vmem>> -> memref<128xi32, #tpu.memory_space<vmem>>
        %dma_start3A_322 = arith.constant 0 : i32
        %dma_start3A_323 = arith.constant 0 : i32
        %dma_start3A_324 = tpu.memref_slice %arg3[%dma_start3A_322, %dma_start3A_323] : memref<100000x128xf32, #tpu.memory_space<hbm>> -> memref<100000x128xf32, #tpu.memory_space<hbm>>
        tpu.enqueue_indirect_dma source(%dma_start3A_324 : memref<100000x128xf32, #tpu.memory_space<hbm>>) target(%arg8 : memref<128x128xf32, #tpu.memory_space<vmem>>) offsets(%dma_start3A_321 : memref<128xi32, #tpu.memory_space<vmem>>) semaphore(%arg12 : memref<!tpu.dma_semaphore, #tpu.memory_space<semaphore_mem>>)
      } else {
      }
      %mul3A_185 = arith.constant 4 : i32
      %mul3A_186 = arith.muli %scan3A_63, %mul3A_185 : i32
      %add3A_187 = arith.constant 2 : i32
      %add3A_188 = arith.addi %mul3A_186, %add3A_187 : i32
      %dma_wait3A_189 = arith.constant 0 : i32
      %dma_wait3A_190 = tpu.memref_slice %arg6[%add3A_188, %dma_wait3A_189] : memref<200x128xi32, #tpu.memory_space<vmem>> -> memref<1x128xi32, #tpu.memory_space<vmem>>
      %dma_wait3A_191 = tpu.memref_squeeze %dma_wait3A_190 : memref<1x128xi32, #tpu.memory_space<vmem>> -> memref<128xi32, #tpu.memory_space<vmem>>
      %dma_wait3A_192 = arith.constant 0 : i32
      %dma_wait3A_193 = arith.constant 0 : i32
      %dma_wait3A_194 = tpu.memref_slice %arg3[%dma_wait3A_192, %dma_wait3A_193] : memref<100000x128xf32, #tpu.memory_space<hbm>> -> memref<100000x128xf32, #tpu.memory_space<hbm>>
      tpu.wait_indirect_dma semaphore(%arg14 : memref<!tpu.dma_semaphore, #tpu.memory_space<semaphore_mem>>) src(%dma_wait3A_194 : memref<100000x128xf32, #tpu.memory_space<hbm>>) dst(%arg10 : memref<128x128xf32, #tpu.memory_space<vmem>>)
      %get3A_195 = arith.index_cast %add3A_188 : i32 to index
      %get3A_196 = arith.constant 0 : index
      %get3A_197 = tpu.vector_load %arg7[%get3A_195, %get3A_196] {strides = array<i32>} : memref<200x128xf32, #tpu.memory_space<vmem>>, vector<1x16xf32>,
      %get3A_198 = vector.shape_cast %get3A_197 : vector<1x16xf32> to vector<16xf32>
      %get3A_199 = arith.index_cast %add3A_188 : i32 to index
      %get3A_200 = arith.constant 16 : index
      %get3A_201 = tpu.vector_load %arg7[%get3A_199, %get3A_200] {strides = array<i32>} : memref<200x128xf32, #tpu.memory_space<vmem>>, vector<1x16xf32>,
      %get3A_202 = vector.shape_cast %get3A_201 : vector<1x16xf32> to vector<16xf32>
      %get3A_203 = arith.index_cast %add3A_188 : i32 to index
      %get3A_204 = arith.constant 32 : index
      %get3A_205 = tpu.vector_load %arg7[%get3A_203, %get3A_204] {strides = array<i32>} : memref<200x128xf32, #tpu.memory_space<vmem>>, vector<1x16xf32>,
      %get3A_206 = vector.shape_cast %get3A_205 : vector<1x16xf32> to vector<16xf32>
      %get3A_207 = arith.index_cast %add3A_188 : i32 to index
      %get3A_208 = arith.constant 48 : index
      %get3A_209 = tpu.vector_load %arg7[%get3A_207, %get3A_208] {strides = array<i32>} : memref<200x128xf32, #tpu.memory_space<vmem>>, vector<1x16xf32>,
      %get3A_210 = vector.shape_cast %get3A_209 : vector<1x16xf32> to vector<16xf32>
      %get3A_211 = arith.index_cast %add3A_188 : i32 to index
      %get3A_212 = arith.constant 64 : index
      %get3A_213 = tpu.vector_load %arg7[%get3A_211, %get3A_212] {strides = array<i32>} : memref<200x128xf32, #tpu.memory_space<vmem>>, vector<1x16xf32>,
      %get3A_214 = vector.shape_cast %get3A_213 : vector<1x16xf32> to vector<16xf32>
      %get3A_215 = arith.index_cast %add3A_188 : i32 to index
      %get3A_216 = arith.constant 80 : index
      %get3A_217 = tpu.vector_load %arg7[%get3A_215, %get3A_216] {strides = array<i32>} : memref<200x128xf32, #tpu.memory_space<vmem>>, vector<1x16xf32>,
      %get3A_218 = vector.shape_cast %get3A_217 : vector<1x16xf32> to vector<16xf32>
      %get3A_219 = arith.index_cast %add3A_188 : i32 to index
      %get3A_220 = arith.constant 96 : index
      %get3A_221 = tpu.vector_load %arg7[%get3A_219, %get3A_220] {strides = array<i32>} : memref<200x128xf32, #tpu.memory_space<vmem>>, vector<1x16xf32>,
      %get3A_222 = vector.shape_cast %get3A_221 : vector<1x16xf32> to vector<16xf32>
      %get3A_223 = arith.index_cast %add3A_188 : i32 to index
      %get3A_224 = arith.constant 112 : index
      %get3A_225 = tpu.vector_load %arg7[%get3A_223, %get3A_224] {strides = array<i32>} : memref<200x128xf32, #tpu.memory_space<vmem>>, vector<1x16xf32>,
      %get3A_226 = vector.shape_cast %get3A_225 : vector<1x16xf32> to vector<16xf32>
      %scan3A_227 = arith.constant 0 : i32
      %scan3A_228 = arith.constant 0 : i32
      %scan3A_229 = arith.constant 32 : i32
      %scan3A_230 = arith.addi %scan3A_228, %scan3A_229 : i32
      %scan3A_231 = arith.constant 1 : i32
      scf.for %scan3A_311 = %scan3A_228 to %scan3A_230 step %scan3A_231  : i32 {
        %mul3A_312 = arith.constant 4 : i32
        %mul3A_313 = arith.muli %scan3A_311, %mul3A_312 : i32
        %add3A_314 = arith.constant 0 : i32
        %add3A_315 = arith.addi %mul3A_313, %add3A_314 : i32
        %get3A_316 = arith.index_cast %add3A_315 : i32 to index
        %get3A_317 = arith.constant 0 : index
        %get3A_318 = tpu.vector_load %arg10[%get3A_316, %get3A_317] {strides = array<i32>} : memref<128x128xf32, #tpu.memory_space<vmem>>, vector<1x16xf32>,
        %get3A_319 = vector.shape_cast %get3A_318 : vector<1x16xf32> to vector<16xf32>
        %add3A_320 = arith.addf %get3A_319, %get3A_198 : vector<16xf32>
        %swap3A = arith.index_cast %add3A_315 : i32 to index
        %swap3A_321 = arith.constant 0 : index
        %swap3A_322 = tpu.vector_load %arg10[%swap3A, %swap3A_321] {strides = array<i32>} : memref<128x128xf32, #tpu.memory_space<vmem>>, vector<1x16xf32>,
        %swap3A_323 = vector.shape_cast %swap3A_322 : vector<1x16xf32> to vector<16xf32>
        %swap3A_324 = vector.shape_cast %add3A_320 : vector<16xf32> to vector<1x16xf32>
        tpu.vector_store %arg10[%swap3A, %swap3A_321], %swap3A_324 {strides = array<i32>} : memref<128x128xf32, #tpu.memory_space<vmem>>, vector<1x16xf32>,
        %get3A_325 = arith.index_cast %add3A_315 : i32 to index
        %get3A_326 = arith.constant 16 : index
        %get3A_327 = tpu.vector_load %arg10[%get3A_325, %get3A_326] {strides = array<i32>} : memref<128x128xf32, #tpu.memory_space<vmem>>, vector<1x16xf32>,
        %get3A_328 = vector.shape_cast %get3A_327 : vector<1x16xf32> to vector<16xf32>
        %add3A_329 = arith.addf %get3A_328, %get3A_202 : vector<16xf32>
        %swap3A_330 = arith.index_cast %add3A_315 : i32 to index
        %swap3A_331 = arith.constant 16 : index
        %swap3A_332 = tpu.vector_load %arg10[%swap3A_330, %swap3A_331] {strides = array<i32>} : memref<128x128xf32, #tpu.memory_space<vmem>>, vector<1x16xf32>,
        %swap3A_333 = vector.shape_cast %swap3A_332 : vector<1x16xf32> to vector<16xf32>
        %swap3A_334 = vector.shape_cast %add3A_329 : vector<16xf32> to vector<1x16xf32>
        tpu.vector_store %arg10[%swap3A_330, %swap3A_331], %swap3A_334 {strides = array<i32>} : memref<128x128xf32, #tpu.memory_space<vmem>>, vector<1x16xf32>,
        %get3A_335 = arith.index_cast %add3A_315 : i32 to index
        %get3A_336 = arith.constant 32 : index
        %get3A_337 = tpu.vector_load %arg10[%get3A_335, %get3A_336] {strides = array<i32>} : memref<128x128xf32, #tpu.memory_space<vmem>>, vector<1x16xf32>,
        %get3A_338 = vector.shape_cast %get3A_337 : vector<1x16xf32> to vector<16xf32>
        %add3A_339 = arith.addf %get3A_338, %get3A_206 : vector<16xf32>
        %swap3A_340 = arith.index_cast %add3A_315 : i32 to index
        %swap3A_341 = arith.constant 32 : index
        %swap3A_342 = tpu.vector_load %arg10[%swap3A_340, %swap3A_341] {strides = array<i32>} : memref<128x128xf32, #tpu.memory_space<vmem>>, vector<1x16xf32>,
        %swap3A_343 = vector.shape_cast %swap3A_342 : vector<1x16xf32> to vector<16xf32>
        %swap3A_344 = vector.shape_cast %add3A_339 : vector<16xf32> to vector<1x16xf32>
        tpu.vector_store %arg10[%swap3A_340, %swap3A_341], %swap3A_344 {strides = array<i32>} : memref<128x128xf32, #tpu.memory_space<vmem>>, vector<1x16xf32>,
        %get3A_345 = arith.index_cast %add3A_315 : i32 to index
        %get3A_346 = arith.constant 48 : index
        %get3A_347 = tpu.vector_load %arg10[%get3A_345, %get3A_346] {strides = array<i32>} : memref<128x128xf32, #tpu.memory_space<vmem>>, vector<1x16xf32>,
        %get3A_348 = vector.shape_cast %get3A_347 : vector<1x16xf32> to vector<16xf32>
        %add3A_349 = arith.addf %get3A_348, %get3A_210 : vector<16xf32>
        %swap3A_350 = arith.index_cast %add3A_315 : i32 to index
        %swap3A_351 = arith.constant 48 : index
        %swap3A_352 = tpu.vector_load %arg10[%swap3A_350, %swap3A_351] {strides = array<i32>} : memref<128x128xf32, #tpu.memory_space<vmem>>, vector<1x16xf32>,
        %swap3A_353 = vector.shape_cast %swap3A_352 : vector<1x16xf32> to vector<16xf32>
        %swap3A_354 = vector.shape_cast %add3A_349 : vector<16xf32> to vector<1x16xf32>
        tpu.vector_store %arg10[%swap3A_350, %swap3A_351], %swap3A_354 {strides = array<i32>} : memref<128x128xf32, #tpu.memory_space<vmem>>, vector<1x16xf32>,
        %get3A_355 = arith.index_cast %add3A_315 : i32 to index
        %get3A_356 = arith.constant 64 : index
        %get3A_357 = tpu.vector_load %arg10[%get3A_355, %get3A_356] {strides = array<i32>} : memref<128x128xf32, #tpu.memory_space<vmem>>, vector<1x16xf32>,
        %get3A_358 = vector.shape_cast %get3A_357 : vector<1x16xf32> to vector<16xf32>
        %add3A_359 = arith.addf %get3A_358, %get3A_214 : vector<16xf32>
        %swap3A_360 = arith.index_cast %add3A_315 : i32 to index
        %swap3A_361 = arith.constant 64 : index
        %swap3A_362 = tpu.vector_load %arg10[%swap3A_360, %swap3A_361] {strides = array<i32>} : memref<128x128xf32, #tpu.memory_space<vmem>>, vector<1x16xf32>,
        %swap3A_363 = vector.shape_cast %swap3A_362 : vector<1x16xf32> to vector<16xf32>
        %swap3A_364 = vector.shape_cast %add3A_359 : vector<16xf32> to vector<1x16xf32>
        tpu.vector_store %arg10[%swap3A_360, %swap3A_361], %swap3A_364 {strides = array<i32>} : memref<128x128xf32, #tpu.memory_space<vmem>>, vector<1x16xf32>,
        %get3A_365 = arith.index_cast %add3A_315 : i32 to index
        %get3A_366 = arith.constant 80 : index
        %get3A_367 = tpu.vector_load %arg10[%get3A_365, %get3A_366] {strides = array<i32>} : memref<128x128xf32, #tpu.memory_space<vmem>>, vector<1x16xf32>,
        %get3A_368 = vector.shape_cast %get3A_367 : vector<1x16xf32> to vector<16xf32>
        %add3A_369 = arith.addf %get3A_368, %get3A_218 : vector<16xf32>
        %swap3A_370 = arith.index_cast %add3A_315 : i32 to index
        %swap3A_371 = arith.constant 80 : index
        %swap3A_372 = tpu.vector_load %arg10[%swap3A_370, %swap3A_371] {strides = array<i32>} : memref<128x128xf32, #tpu.memory_space<vmem>>, vector<1x16xf32>,
        %swap3A_373 = vector.shape_cast %swap3A_372 : vector<1x16xf32> to vector<16xf32>
        %swap3A_374 = vector.shape_cast %add3A_369 : vector<16xf32> to vector<1x16xf32>
        tpu.vector_store %arg10[%swap3A_370, %swap3A_371], %swap3A_374 {strides = array<i32>} : memref<128x128xf32, #tpu.memory_space<vmem>>, vector<1x16xf32>,
        %get3A_375 = arith.index_cast %add3A_315 : i32 to index
        %get3A_376 = arith.constant 96 : index
        %get3A_377 = tpu.vector_load %arg10[%get3A_375, %get3A_376] {strides = array<i32>} : memref<128x128xf32, #tpu.memory_space<vmem>>, vector<1x16xf32>,
        %get3A_378 = vector.shape_cast %get3A_377 : vector<1x16xf32> to vector<16xf32>
        %add3A_379 = arith.addf %get3A_378, %get3A_222 : vector<16xf32>
        %swap3A_380 = arith.index_cast %add3A_315 : i32 to index
        %swap3A_381 = arith.constant 96 : index
        %swap3A_382 = tpu.vector_load %arg10[%swap3A_380, %swap3A_381] {strides = array<i32>} : memref<128x128xf32, #tpu.memory_space<vmem>>, vector<1x16xf32>,
        %swap3A_383 = vector.shape_cast %swap3A_382 : vector<1x16xf32> to vector<16xf32>
        %swap3A_384 = vector.shape_cast %add3A_379 : vector<16xf32> to vector<1x16xf32>
        tpu.vector_store %arg10[%swap3A_380, %swap3A_381], %swap3A_384 {strides = array<i32>} : memref<128x128xf32, #tpu.memory_space<vmem>>, vector<1x16xf32>,
        %get3A_385 = arith.index_cast %add3A_315 : i32 to index
        %get3A_386 = arith.constant 112 : index
        %get3A_387 = tpu.vector_load %arg10[%get3A_385, %get3A_386] {strides = array<i32>} : memref<128x128xf32, #tpu.memory_space<vmem>>, vector<1x16xf32>,
        %get3A_388 = vector.shape_cast %get3A_387 : vector<1x16xf32> to vector<16xf32>
        %add3A_389 = arith.addf %get3A_388, %get3A_226 : vector<16xf32>
        %swap3A_390 = arith.index_cast %add3A_315 : i32 to index
        %swap3A_391 = arith.constant 112 : index
        %swap3A_392 = tpu.vector_load %arg10[%swap3A_390, %swap3A_391] {strides = array<i32>} : memref<128x128xf32, #tpu.memory_space<vmem>>, vector<1x16xf32>,
        %swap3A_393 = vector.shape_cast %swap3A_392 : vector<1x16xf32> to vector<16xf32>
        %swap3A_394 = vector.shape_cast %add3A_389 : vector<16xf32> to vector<1x16xf32>
        tpu.vector_store %arg10[%swap3A_390, %swap3A_391], %swap3A_394 {strides = array<i32>} : memref<128x128xf32, #tpu.memory_space<vmem>>, vector<1x16xf32>,
        %mul3A_395 = arith.constant 4 : i32
        %mul3A_396 = arith.muli %scan3A_311, %mul3A_395 : i32
        %add3A_397 = arith.constant 1 : i32
        %add3A_398 = arith.addi %mul3A_396, %add3A_397 : i32
        %get3A_399 = arith.index_cast %add3A_398 : i32 to index
        %get3A_400 = arith.constant 0 : index
        %get3A_401 = tpu.vector_load %arg10[%get3A_399, %get3A_400] {strides = array<i32>} : memref<128x128xf32, #tpu.memory_space<vmem>>, vector<1x16xf32>,
        %get3A_402 = vector.shape_cast %get3A_401 : vector<1x16xf32> to vector<16xf32>
        %add3A_403 = arith.addf %get3A_402, %get3A_198 : vector<16xf32>
        %swap3A_404 = arith.index_cast %add3A_398 : i32 to index
        %swap3A_405 = arith.constant 0 : index
        %swap3A_406 = tpu.vector_load %arg10[%swap3A_404, %swap3A_405] {strides = array<i32>} : memref<128x128xf32, #tpu.memory_space<vmem>>, vector<1x16xf32>,
        %swap3A_407 = vector.shape_cast %swap3A_406 : vector<1x16xf32> to vector<16xf32>
        %swap3A_408 = vector.shape_cast %add3A_403 : vector<16xf32> to vector<1x16xf32>
        tpu.vector_store %arg10[%swap3A_404, %swap3A_405], %swap3A_408 {strides = array<i32>} : memref<128x128xf32, #tpu.memory_space<vmem>>, vector<1x16xf32>,
        %get3A_409 = arith.index_cast %add3A_398 : i32 to index
        %get3A_410 = arith.constant 16 : index
        %get3A_411 = tpu.vector_load %arg10[%get3A_409, %get3A_410] {strides = array<i32>} : memref<128x128xf32, #tpu.memory_space<vmem>>, vector<1x16xf32>,
        %get3A_412 = vector.shape_cast %get3A_411 : vector<1x16xf32> to vector<16xf32>
        %add3A_413 = arith.addf %get3A_412, %get3A_202 : vector<16xf32>
        %swap3A_414 = arith.index_cast %add3A_398 : i32 to index
        %swap3A_415 = arith.constant 16 : index
        %swap3A_416 = tpu.vector_load %arg10[%swap3A_414, %swap3A_415] {strides = array<i32>} : memref<128x128xf32, #tpu.memory_space<vmem>>, vector<1x16xf32>,
        %swap3A_417 = vector.shape_cast %swap3A_416 : vector<1x16xf32> to vector<16xf32>
        %swap3A_418 = vector.shape_cast %add3A_413 : vector<16xf32> to vector<1x16xf32>
        tpu.vector_store %arg10[%swap3A_414, %swap3A_415], %swap3A_418 {strides = array<i32>} : memref<128x128xf32, #tpu.memory_space<vmem>>, vector<1x16xf32>,
        %get3A_419 = arith.index_cast %add3A_398 : i32 to index
        %get3A_420 = arith.constant 32 : index
        %get3A_421 = tpu.vector_load %arg10[%get3A_419, %get3A_420] {strides = array<i32>} : memref<128x128xf32, #tpu.memory_space<vmem>>, vector<1x16xf32>,
        %get3A_422 = vector.shape_cast %get3A_421 : vector<1x16xf32> to vector<16xf32>
        %add3A_423 = arith.addf %get3A_422, %get3A_206 : vector<16xf32>
        %swap3A_424 = arith.index_cast %add3A_398 : i32 to index
        %swap3A_425 = arith.constant 32 : index
        %swap3A_426 = tpu.vector_load %arg10[%swap3A_424, %swap3A_425] {strides = array<i32>} : memref<128x128xf32, #tpu.memory_space<vmem>>, vector<1x16xf32>,
        %swap3A_427 = vector.shape_cast %swap3A_426 : vector<1x16xf32> to vector<16xf32>
        %swap3A_428 = vector.shape_cast %add3A_423 : vector<16xf32> to vector<1x16xf32>
        tpu.vector_store %arg10[%swap3A_424, %swap3A_425], %swap3A_428 {strides = array<i32>} : memref<128x128xf32, #tpu.memory_space<vmem>>, vector<1x16xf32>,
        %get3A_429 = arith.index_cast %add3A_398 : i32 to index
        %get3A_430 = arith.constant 48 : index
        %get3A_431 = tpu.vector_load %arg10[%get3A_429, %get3A_430] {strides = array<i32>} : memref<128x128xf32, #tpu.memory_space<vmem>>, vector<1x16xf32>,
        %get3A_432 = vector.shape_cast %get3A_431 : vector<1x16xf32> to vector<16xf32>
        %add3A_433 = arith.addf %get3A_432, %get3A_210 : vector<16xf32>
        %swap3A_434 = arith.index_cast %add3A_398 : i32 to index
        %swap3A_435 = arith.constant 48 : index
        %swap3A_436 = tpu.vector_load %arg10[%swap3A_434, %swap3A_435] {strides = array<i32>} : memref<128x128xf32, #tpu.memory_space<vmem>>, vector<1x16xf32>,
        %swap3A_437 = vector.shape_cast %swap3A_436 : vector<1x16xf32> to vector<16xf32>
        %swap3A_438 = vector.shape_cast %add3A_433 : vector<16xf32> to vector<1x16xf32>
        tpu.vector_store %arg10[%swap3A_434, %swap3A_435], %swap3A_438 {strides = array<i32>} : memref<128x128xf32, #tpu.memory_space<vmem>>, vector<1x16xf32>,
        %get3A_439 = arith.index_cast %add3A_398 : i32 to index
        %get3A_440 = arith.constant 64 : index
        %get3A_441 = tpu.vector_load %arg10[%get3A_439, %get3A_440] {strides = array<i32>} : memref<128x128xf32, #tpu.memory_space<vmem>>, vector<1x16xf32>,
        %get3A_442 = vector.shape_cast %get3A_441 : vector<1x16xf32> to vector<16xf32>
        %add3A_443 = arith.addf %get3A_442, %get3A_214 : vector<16xf32>
        %swap3A_444 = arith.index_cast %add3A_398 : i32 to index
        %swap3A_445 = arith.constant 64 : index
        %swap3A_446 = tpu.vector_load %arg10[%swap3A_444, %swap3A_445] {strides = array<i32>} : memref<128x128xf32, #tpu.memory_space<vmem>>, vector<1x16xf32>,
        %swap3A_447 = vector.shape_cast %swap3A_446 : vector<1x16xf32> to vector<16xf32>
        %swap3A_448 = vector.shape_cast %add3A_443 : vector<16xf32> to vector<1x16xf32>
        tpu.vector_store %arg10[%swap3A_444, %swap3A_445], %swap3A_448 {strides = array<i32>} : memref<128x128xf32, #tpu.memory_space<vmem>>, vector<1x16xf32>,
        %get3A_449 = arith.index_cast %add3A_398 : i32 to index
        %get3A_450 = arith.constant 80 : index
        %get3A_451 = tpu.vector_load %arg10[%get3A_449, %get3A_450] {strides = array<i32>} : memref<128x128xf32, #tpu.memory_space<vmem>>, vector<1x16xf32>,
        %get3A_452 = vector.shape_cast %get3A_451 : vector<1x16xf32> to vector<16xf32>
        %add3A_453 = arith.addf %get3A_452, %get3A_218 : vector<16xf32>
        %swap3A_454 = arith.index_cast %add3A_398 : i32 to index
        %swap3A_455 = arith.constant 80 : index
        %swap3A_456 = tpu.vector_load %arg10[%swap3A_454, %swap3A_455] {strides = array<i32>} : memref<128x128xf32, #tpu.memory_space<vmem>>, vector<1x16xf32>,
        %swap3A_457 = vector.shape_cast %swap3A_456 : vector<1x16xf32> to vector<16xf32>
        %swap3A_458 = vector.shape_cast %add3A_453 : vector<16xf32> to vector<1x16xf32>
        tpu.vector_store %arg10[%swap3A_454, %swap3A_455], %swap3A_458 {strides = array<i32>} : memref<128x128xf32, #tpu.memory_space<vmem>>, vector<1x16xf32>,
        %get3A_459 = arith.index_cast %add3A_398 : i32 to index
        %get3A_460 = arith.constant 96 : index
        %get3A_461 = tpu.vector_load %arg10[%get3A_459, %get3A_460] {strides = array<i32>} : memref<128x128xf32, #tpu.memory_space<vmem>>, vector<1x16xf32>,
        %get3A_462 = vector.shape_cast %get3A_461 : vector<1x16xf32> to vector<16xf32>
        %add3A_463 = arith.addf %get3A_462, %get3A_222 : vector<16xf32>
        %swap3A_464 = arith.index_cast %add3A_398 : i32 to index
        %swap3A_465 = arith.constant 96 : index
        %swap3A_466 = tpu.vector_load %arg10[%swap3A_464, %swap3A_465] {strides = array<i32>} : memref<128x128xf32, #tpu.memory_space<vmem>>, vector<1x16xf32>,
        %swap3A_467 = vector.shape_cast %swap3A_466 : vector<1x16xf32> to vector<16xf32>
        %swap3A_468 = vector.shape_cast %add3A_463 : vector<16xf32> to vector<1x16xf32>
        tpu.vector_store %arg10[%swap3A_464, %swap3A_465], %swap3A_468 {strides = array<i32>} : memref<128x128xf32, #tpu.memory_space<vmem>>, vector<1x16xf32>,
        %get3A_469 = arith.index_cast %add3A_398 : i32 to index
        %get3A_470 = arith.constant 112 : index
        %get3A_471 = tpu.vector_load %arg10[%get3A_469, %get3A_470] {strides = array<i32>} : memref<128x128xf32, #tpu.memory_space<vmem>>, vector<1x16xf32>,
        %get3A_472 = vector.shape_cast %get3A_471 : vector<1x16xf32> to vector<16xf32>
        %add3A_473 = arith.addf %get3A_472, %get3A_226 : vector<16xf32>
        %swap3A_474 = arith.index_cast %add3A_398 : i32 to index
        %swap3A_475 = arith.constant 112 : index
        %swap3A_476 = tpu.vector_load %arg10[%swap3A_474, %swap3A_475] {strides = array<i32>} : memref<128x128xf32, #tpu.memory_space<vmem>>, vector<1x16xf32>,
        %swap3A_477 = vector.shape_cast %swap3A_476 : vector<1x16xf32> to vector<16xf32>
        %swap3A_478 = vector.shape_cast %add3A_473 : vector<16xf32> to vector<1x16xf32>
        tpu.vector_store %arg10[%swap3A_474, %swap3A_475], %swap3A_478 {strides = array<i32>} : memref<128x128xf32, #tpu.memory_space<vmem>>, vector<1x16xf32>,
        %mul3A_479 = arith.constant 4 : i32
        %mul3A_480 = arith.muli %scan3A_311, %mul3A_479 : i32
        %add3A_481 = arith.constant 2 : i32
        %add3A_482 = arith.addi %mul3A_480, %add3A_481 : i32
        %get3A_483 = arith.index_cast %add3A_482 : i32 to index
        %get3A_484 = arith.constant 0 : index
        %get3A_485 = tpu.vector_load %arg10[%get3A_483, %get3A_484] {strides = array<i32>} : memref<128x128xf32, #tpu.memory_space<vmem>>, vector<1x16xf32>,
        %get3A_486 = vector.shape_cast %get3A_485 : vector<1x16xf32> to vector<16xf32>
        %add3A_487 = arith.addf %get3A_486, %get3A_198 : vector<16xf32>
        %swap3A_488 = arith.index_cast %add3A_482 : i32 to index
        %swap3A_489 = arith.constant 0 : index
        %swap3A_490 = tpu.vector_load %arg10[%swap3A_488, %swap3A_489] {strides = array<i32>} : memref<128x128xf32, #tpu.memory_space<vmem>>, vector<1x16xf32>,
        %swap3A_491 = vector.shape_cast %swap3A_490 : vector<1x16xf32> to vector<16xf32>
        %swap3A_492 = vector.shape_cast %add3A_487 : vector<16xf32> to vector<1x16xf32>
        tpu.vector_store %arg10[%swap3A_488, %swap3A_489], %swap3A_492 {strides = array<i32>} : memref<128x128xf32, #tpu.memory_space<vmem>>, vector<1x16xf32>,
        %get3A_493 = arith.index_cast %add3A_482 : i32 to index
        %get3A_494 = arith.constant 16 : index
        %get3A_495 = tpu.vector_load %arg10[%get3A_493, %get3A_494] {strides = array<i32>} : memref<128x128xf32, #tpu.memory_space<vmem>>, vector<1x16xf32>,
        %get3A_496 = vector.shape_cast %get3A_495 : vector<1x16xf32> to vector<16xf32>
        %add3A_497 = arith.addf %get3A_496, %get3A_202 : vector<16xf32>
        %swap3A_498 = arith.index_cast %add3A_482 : i32 to index
        %swap3A_499 = arith.constant 16 : index
        %swap3A_500 = tpu.vector_load %arg10[%swap3A_498, %swap3A_499] {strides = array<i32>} : memref<128x128xf32, #tpu.memory_space<vmem>>, vector<1x16xf32>,
        %swap3A_501 = vector.shape_cast %swap3A_500 : vector<1x16xf32> to vector<16xf32>
        %swap3A_502 = vector.shape_cast %add3A_497 : vector<16xf32> to vector<1x16xf32>
        tpu.vector_store %arg10[%swap3A_498, %swap3A_499], %swap3A_502 {strides = array<i32>} : memref<128x128xf32, #tpu.memory_space<vmem>>, vector<1x16xf32>,
        %get3A_503 = arith.index_cast %add3A_482 : i32 to index
        %get3A_504 = arith.constant 32 : index
        %get3A_505 = tpu.vector_load %arg10[%get3A_503, %get3A_504] {strides = array<i32>} : memref<128x128xf32, #tpu.memory_space<vmem>>, vector<1x16xf32>,
        %get3A_506 = vector.shape_cast %get3A_505 : vector<1x16xf32> to vector<16xf32>
        %add3A_507 = arith.addf %get3A_506, %get3A_206 : vector<16xf32>
        %swap3A_508 = arith.index_cast %add3A_482 : i32 to index
        %swap3A_509 = arith.constant 32 : index
        %swap3A_510 = tpu.vector_load %arg10[%swap3A_508, %swap3A_509] {strides = array<i32>} : memref<128x128xf32, #tpu.memory_space<vmem>>, vector<1x16xf32>,
        %swap3A_511 = vector.shape_cast %swap3A_510 : vector<1x16xf32> to vector<16xf32>
        %swap3A_512 = vector.shape_cast %add3A_507 : vector<16xf32> to vector<1x16xf32>
        tpu.vector_store %arg10[%swap3A_508, %swap3A_509], %swap3A_512 {strides = array<i32>} : memref<128x128xf32, #tpu.memory_space<vmem>>, vector<1x16xf32>,
        %get3A_513 = arith.index_cast %add3A_482 : i32 to index
        %get3A_514 = arith.constant 48 : index
        %get3A_515 = tpu.vector_load %arg10[%get3A_513, %get3A_514] {strides = array<i32>} : memref<128x128xf32, #tpu.memory_space<vmem>>, vector<1x16xf32>,
        %get3A_516 = vector.shape_cast %get3A_515 : vector<1x16xf32> to vector<16xf32>
        %add3A_517 = arith.addf %get3A_516, %get3A_210 : vector<16xf32>
        %swap3A_518 = arith.index_cast %add3A_482 : i32 to index
        %swap3A_519 = arith.constant 48 : index
        %swap3A_520 = tpu.vector_load %arg10[%swap3A_518, %swap3A_519] {strides = array<i32>} : memref<128x128xf32, #tpu.memory_space<vmem>>, vector<1x16xf32>,
        %swap3A_521 = vector.shape_cast %swap3A_520 : vector<1x16xf32> to vector<16xf32>
        %swap3A_522 = vector.shape_cast %add3A_517 : vector<16xf32> to vector<1x16xf32>
        tpu.vector_store %arg10[%swap3A_518, %swap3A_519], %swap3A_522 {strides = array<i32>} : memref<128x128xf32, #tpu.memory_space<vmem>>, vector<1x16xf32>,
        %get3A_523 = arith.index_cast %add3A_482 : i32 to index
        %get3A_524 = arith.constant 64 : index
        %get3A_525 = tpu.vector_load %arg10[%get3A_523, %get3A_524] {strides = array<i32>} : memref<128x128xf32, #tpu.memory_space<vmem>>, vector<1x16xf32>,
        %get3A_526 = vector.shape_cast %get3A_525 : vector<1x16xf32> to vector<16xf32>
        %add3A_527 = arith.addf %get3A_526, %get3A_214 : vector<16xf32>
        %swap3A_528 = arith.index_cast %add3A_482 : i32 to index
        %swap3A_529 = arith.constant 64 : index
        %swap3A_530 = tpu.vector_load %arg10[%swap3A_528, %swap3A_529] {strides = array<i32>} : memref<128x128xf32, #tpu.memory_space<vmem>>, vector<1x16xf32>,
        %swap3A_531 = vector.shape_cast %swap3A_530 : vector<1x16xf32> to vector<16xf32>
        %swap3A_532 = vector.shape_cast %add3A_527 : vector<16xf32> to vector<1x16xf32>
        tpu.vector_store %arg10[%swap3A_528, %swap3A_529], %swap3A_532 {strides = array<i32>} : memref<128x128xf32, #tpu.memory_space<vmem>>, vector<1x16xf32>,
        %get3A_533 = arith.index_cast %add3A_482 : i32 to index
        %get3A_534 = arith.constant 80 : index
        %get3A_535 = tpu.vector_load %arg10[%get3A_533, %get3A_534] {strides = array<i32>} : memref<128x128xf32, #tpu.memory_space<vmem>>, vector<1x16xf32>,
        %get3A_536 = vector.shape_cast %get3A_535 : vector<1x16xf32> to vector<16xf32>
        %add3A_537 = arith.addf %get3A_536, %get3A_218 : vector<16xf32>
        %swap3A_538 = arith.index_cast %add3A_482 : i32 to index
        %swap3A_539 = arith.constant 80 : index
        %swap3A_540 = tpu.vector_load %arg10[%swap3A_538, %swap3A_539] {strides = array<i32>} : memref<128x128xf32, #tpu.memory_space<vmem>>, vector<1x16xf32>,
        %swap3A_541 = vector.shape_cast %swap3A_540 : vector<1x16xf32> to vector<16xf32>
        %swap3A_542 = vector.shape_cast %add3A_537 : vector<16xf32> to vector<1x16xf32>
        tpu.vector_store %arg10[%swap3A_538, %swap3A_539], %swap3A_542 {strides = array<i32>} : memref<128x128xf32, #tpu.memory_space<vmem>>, vector<1x16xf32>,
        %get3A_543 = arith.index_cast %add3A_482 : i32 to index
        %get3A_544 = arith.constant 96 : index
        %get3A_545 = tpu.vector_load %arg10[%get3A_543, %get3A_544] {strides = array<i32>} : memref<128x128xf32, #tpu.memory_space<vmem>>, vector<1x16xf32>,
        %get3A_546 = vector.shape_cast %get3A_545 : vector<1x16xf32> to vector<16xf32>
        %add3A_547 = arith.addf %get3A_546, %get3A_222 : vector<16xf32>
        %swap3A_548 = arith.index_cast %add3A_482 : i32 to index
        %swap3A_549 = arith.constant 96 : index
        %swap3A_550 = tpu.vector_load %arg10[%swap3A_548, %swap3A_549] {strides = array<i32>} : memref<128x128xf32, #tpu.memory_space<vmem>>, vector<1x16xf32>,
        %swap3A_551 = vector.shape_cast %swap3A_550 : vector<1x16xf32> to vector<16xf32>
        %swap3A_552 = vector.shape_cast %add3A_547 : vector<16xf32> to vector<1x16xf32>
        tpu.vector_store %arg10[%swap3A_548, %swap3A_549], %swap3A_552 {strides = array<i32>} : memref<128x128xf32, #tpu.memory_space<vmem>>, vector<1x16xf32>,
        %get3A_553 = arith.index_cast %add3A_482 : i32 to index
        %get3A_554 = arith.constant 112 : index
        %get3A_555 = tpu.vector_load %arg10[%get3A_553, %get3A_554] {strides = array<i32>} : memref<128x128xf32, #tpu.memory_space<vmem>>, vector<1x16xf32>,
        %get3A_556 = vector.shape_cast %get3A_555 : vector<1x16xf32> to vector<16xf32>
        %add3A_557 = arith.addf %get3A_556, %get3A_226 : vector<16xf32>
        %swap3A_558 = arith.index_cast %add3A_482 : i32 to index
        %swap3A_559 = arith.constant 112 : index
        %swap3A_560 = tpu.vector_load %arg10[%swap3A_558, %swap3A_559] {strides = array<i32>} : memref<128x128xf32, #tpu.memory_space<vmem>>, vector<1x16xf32>,
        %swap3A_561 = vector.shape_cast %swap3A_560 : vector<1x16xf32> to vector<16xf32>
        %swap3A_562 = vector.shape_cast %add3A_557 : vector<16xf32> to vector<1x16xf32>
        tpu.vector_store %arg10[%swap3A_558, %swap3A_559], %swap3A_562 {strides = array<i32>} : memref<128x128xf32, #tpu.memory_space<vmem>>, vector<1x16xf32>,
        %mul3A_563 = arith.constant 4 : i32
        %mul3A_564 = arith.muli %scan3A_311, %mul3A_563 : i32
        %add3A_565 = arith.constant 3 : i32
        %add3A_566 = arith.addi %mul3A_564, %add3A_565 : i32
        %get3A_567 = arith.index_cast %add3A_566 : i32 to index
        %get3A_568 = arith.constant 0 : index
        %get3A_569 = tpu.vector_load %arg10[%get3A_567, %get3A_568] {strides = array<i32>} : memref<128x128xf32, #tpu.memory_space<vmem>>, vector<1x16xf32>,
        %get3A_570 = vector.shape_cast %get3A_569 : vector<1x16xf32> to vector<16xf32>
        %add3A_571 = arith.addf %get3A_570, %get3A_198 : vector<16xf32>
        %swap3A_572 = arith.index_cast %add3A_566 : i32 to index
        %swap3A_573 = arith.constant 0 : index
        %swap3A_574 = tpu.vector_load %arg10[%swap3A_572, %swap3A_573] {strides = array<i32>} : memref<128x128xf32, #tpu.memory_space<vmem>>, vector<1x16xf32>,
        %swap3A_575 = vector.shape_cast %swap3A_574 : vector<1x16xf32> to vector<16xf32>
        %swap3A_576 = vector.shape_cast %add3A_571 : vector<16xf32> to vector<1x16xf32>
        tpu.vector_store %arg10[%swap3A_572, %swap3A_573], %swap3A_576 {strides = array<i32>} : memref<128x128xf32, #tpu.memory_space<vmem>>, vector<1x16xf32>,
        %get3A_577 = arith.index_cast %add3A_566 : i32 to index
        %get3A_578 = arith.constant 16 : index
        %get3A_579 = tpu.vector_load %arg10[%get3A_577, %get3A_578] {strides = array<i32>} : memref<128x128xf32, #tpu.memory_space<vmem>>, vector<1x16xf32>,
        %get3A_580 = vector.shape_cast %get3A_579 : vector<1x16xf32> to vector<16xf32>
        %add3A_581 = arith.addf %get3A_580, %get3A_202 : vector<16xf32>
        %swap3A_582 = arith.index_cast %add3A_566 : i32 to index
        %swap3A_583 = arith.constant 16 : index
        %swap3A_584 = tpu.vector_load %arg10[%swap3A_582, %swap3A_583] {strides = array<i32>} : memref<128x128xf32, #tpu.memory_space<vmem>>, vector<1x16xf32>,
        %swap3A_585 = vector.shape_cast %swap3A_584 : vector<1x16xf32> to vector<16xf32>
        %swap3A_586 = vector.shape_cast %add3A_581 : vector<16xf32> to vector<1x16xf32>
        tpu.vector_store %arg10[%swap3A_582, %swap3A_583], %swap3A_586 {strides = array<i32>} : memref<128x128xf32, #tpu.memory_space<vmem>>, vector<1x16xf32>,
        %get3A_587 = arith.index_cast %add3A_566 : i32 to index
        %get3A_588 = arith.constant 32 : index
        %get3A_589 = tpu.vector_load %arg10[%get3A_587, %get3A_588] {strides = array<i32>} : memref<128x128xf32, #tpu.memory_space<vmem>>, vector<1x16xf32>,
        %get3A_590 = vector.shape_cast %get3A_589 : vector<1x16xf32> to vector<16xf32>
        %add3A_591 = arith.addf %get3A_590, %get3A_206 : vector<16xf32>
        %swap3A_592 = arith.index_cast %add3A_566 : i32 to index
        %swap3A_593 = arith.constant 32 : index
        %swap3A_594 = tpu.vector_load %arg10[%swap3A_592, %swap3A_593] {strides = array<i32>} : memref<128x128xf32, #tpu.memory_space<vmem>>, vector<1x16xf32>,
        %swap3A_595 = vector.shape_cast %swap3A_594 : vector<1x16xf32> to vector<16xf32>
        %swap3A_596 = vector.shape_cast %add3A_591 : vector<16xf32> to vector<1x16xf32>
        tpu.vector_store %arg10[%swap3A_592, %swap3A_593], %swap3A_596 {strides = array<i32>} : memref<128x128xf32, #tpu.memory_space<vmem>>, vector<1x16xf32>,
        %get3A_597 = arith.index_cast %add3A_566 : i32 to index
        %get3A_598 = arith.constant 48 : index
        %get3A_599 = tpu.vector_load %arg10[%get3A_597, %get3A_598] {strides = array<i32>} : memref<128x128xf32, #tpu.memory_space<vmem>>, vector<1x16xf32>,
        %get3A_600 = vector.shape_cast %get3A_599 : vector<1x16xf32> to vector<16xf32>
        %add3A_601 = arith.addf %get3A_600, %get3A_210 : vector<16xf32>
        %swap3A_602 = arith.index_cast %add3A_566 : i32 to index
        %swap3A_603 = arith.constant 48 : index
        %swap3A_604 = tpu.vector_load %arg10[%swap3A_602, %swap3A_603] {strides = array<i32>} : memref<128x128xf32, #tpu.memory_space<vmem>>, vector<1x16xf32>,
        %swap3A_605 = vector.shape_cast %swap3A_604 : vector<1x16xf32> to vector<16xf32>
        %swap3A_606 = vector.shape_cast %add3A_601 : vector<16xf32> to vector<1x16xf32>
        tpu.vector_store %arg10[%swap3A_602, %swap3A_603], %swap3A_606 {strides = array<i32>} : memref<128x128xf32, #tpu.memory_space<vmem>>, vector<1x16xf32>,
        %get3A_607 = arith.index_cast %add3A_566 : i32 to index
        %get3A_608 = arith.constant 64 : index
        %get3A_609 = tpu.vector_load %arg10[%get3A_607, %get3A_608] {strides = array<i32>} : memref<128x128xf32, #tpu.memory_space<vmem>>, vector<1x16xf32>,
        %get3A_610 = vector.shape_cast %get3A_609 : vector<1x16xf32> to vector<16xf32>
        %add3A_611 = arith.addf %get3A_610, %get3A_214 : vector<16xf32>
        %swap3A_612 = arith.index_cast %add3A_566 : i32 to index
        %swap3A_613 = arith.constant 64 : index
        %swap3A_614 = tpu.vector_load %arg10[%swap3A_612, %swap3A_613] {strides = array<i32>} : memref<128x128xf32, #tpu.memory_space<vmem>>, vector<1x16xf32>,
        %swap3A_615 = vector.shape_cast %swap3A_614 : vector<1x16xf32> to vector<16xf32>
        %swap3A_616 = vector.shape_cast %add3A_611 : vector<16xf32> to vector<1x16xf32>
        tpu.vector_store %arg10[%swap3A_612, %swap3A_613], %swap3A_616 {strides = array<i32>} : memref<128x128xf32, #tpu.memory_space<vmem>>, vector<1x16xf32>,
        %get3A_617 = arith.index_cast %add3A_566 : i32 to index
        %get3A_618 = arith.constant 80 : index
        %get3A_619 = tpu.vector_load %arg10[%get3A_617, %get3A_618] {strides = array<i32>} : memref<128x128xf32, #tpu.memory_space<vmem>>, vector<1x16xf32>,
        %get3A_620 = vector.shape_cast %get3A_619 : vector<1x16xf32> to vector<16xf32>
        %add3A_621 = arith.addf %get3A_620, %get3A_218 : vector<16xf32>
        %swap3A_622 = arith.index_cast %add3A_566 : i32 to index
        %swap3A_623 = arith.constant 80 : index
        %swap3A_624 = tpu.vector_load %arg10[%swap3A_622, %swap3A_623] {strides = array<i32>} : memref<128x128xf32, #tpu.memory_space<vmem>>, vector<1x16xf32>,
        %swap3A_625 = vector.shape_cast %swap3A_624 : vector<1x16xf32> to vector<16xf32>
        %swap3A_626 = vector.shape_cast %add3A_621 : vector<16xf32> to vector<1x16xf32>
        tpu.vector_store %arg10[%swap3A_622, %swap3A_623], %swap3A_626 {strides = array<i32>} : memref<128x128xf32, #tpu.memory_space<vmem>>, vector<1x16xf32>,
        %get3A_627 = arith.index_cast %add3A_566 : i32 to index
        %get3A_628 = arith.constant 96 : index
        %get3A_629 = tpu.vector_load %arg10[%get3A_627, %get3A_628] {strides = array<i32>} : memref<128x128xf32, #tpu.memory_space<vmem>>, vector<1x16xf32>,
        %get3A_630 = vector.shape_cast %get3A_629 : vector<1x16xf32> to vector<16xf32>
        %add3A_631 = arith.addf %get3A_630, %get3A_222 : vector<16xf32>
        %swap3A_632 = arith.index_cast %add3A_566 : i32 to index
        %swap3A_633 = arith.constant 96 : index
        %swap3A_634 = tpu.vector_load %arg10[%swap3A_632, %swap3A_633] {strides = array<i32>} : memref<128x128xf32, #tpu.memory_space<vmem>>, vector<1x16xf32>,
        %swap3A_635 = vector.shape_cast %swap3A_634 : vector<1x16xf32> to vector<16xf32>
        %swap3A_636 = vector.shape_cast %add3A_631 : vector<16xf32> to vector<1x16xf32>
        tpu.vector_store %arg10[%swap3A_632, %swap3A_633], %swap3A_636 {strides = array<i32>} : memref<128x128xf32, #tpu.memory_space<vmem>>, vector<1x16xf32>,
        %get3A_637 = arith.index_cast %add3A_566 : i32 to index
        %get3A_638 = arith.constant 112 : index
        %get3A_639 = tpu.vector_load %arg10[%get3A_637, %get3A_638] {strides = array<i32>} : memref<128x128xf32, #tpu.memory_space<vmem>>, vector<1x16xf32>,
        %get3A_640 = vector.shape_cast %get3A_639 : vector<1x16xf32> to vector<16xf32>
        %add3A_641 = arith.addf %get3A_640, %get3A_226 : vector<16xf32>
        %swap3A_642 = arith.index_cast %add3A_566 : i32 to index
        %swap3A_643 = arith.constant 112 : index
        %swap3A_644 = tpu.vector_load %arg10[%swap3A_642, %swap3A_643] {strides = array<i32>} : memref<128x128xf32, #tpu.memory_space<vmem>>, vector<1x16xf32>,
        %swap3A_645 = vector.shape_cast %swap3A_644 : vector<1x16xf32> to vector<16xf32>
        %swap3A_646 = vector.shape_cast %add3A_641 : vector<16xf32> to vector<1x16xf32>
        tpu.vector_store %arg10[%swap3A_642, %swap3A_643], %swap3A_646 {strides = array<i32>} : memref<128x128xf32, #tpu.memory_space<vmem>>, vector<1x16xf32>,
      }
      %scan3A_232 = arith.constant 32 : i32
      %dma_start3A_233 = arith.constant 0 : i32
      %dma_start3A_234 = tpu.memref_slice %arg5[%mul3A_2, %add3A_188, %dma_start3A_233] : memref<4096x200x128xf32, #tpu.memory_space<hbm>> -> memref<128x1x128xf32, #tpu.memory_space<hbm>>
      %dma_start3A_235 = tpu.memref_squeeze %dma_start3A_234 : memref<128x1x128xf32, #tpu.memory_space<hbm>> -> memref<128x128xf32, #tpu.memory_space<hbm>>
      %dma_start3A_236 = arith.constant 0 : i32
      %dma_start3A_237 = tpu.memref_slice %arg5[%mul3A_2, %add3A_188, %dma_start3A_236] : memref<4096x200x128xf32, #tpu.memory_space<hbm>> -> memref<128x1x128xf32, #tpu.memory_space<hbm>>
      %dma_start3A_238 = tpu.memref_squeeze %dma_start3A_237 : memref<128x1x128xf32, #tpu.memory_space<hbm>> -> memref<128x128xf32, #tpu.memory_space<hbm>>
      tpu.enqueue_dma source(%arg10 : memref<128x128xf32, #tpu.memory_space<vmem>>) target(%dma_start3A_238 : memref<128x128xf32, #tpu.memory_space<hbm>>) target_semaphore(%arg18 : memref<!tpu.dma_semaphore, #tpu.memory_space<semaphore_mem>>)
      %add3A_239 = arith.constant 4 : i32
      %add3A_240 = arith.addi %add3A_188, %add3A_239 : i32
      %sub3A_241 = arith.constant 1 : i32
      %sub3A_242 = arith.subi %add3A_240, %sub3A_241 : i32
      %lt3A_243 = arith.constant 200 : i32
      %lt3A_244 = arith.cmpi slt, %sub3A_242, %lt3A_243 : i32
      %convert_element_type3A_245 = arith.extui %lt3A_244 : i1 to i32
      %cond3A_246 = arith.constant 0 : i32
      %cond3A_247 = arith.cmpi ne, %convert_element_type3A_245, %cond3A_246 : i32
      scf.if %cond3A_247 {
        %gt3A = arith.constant 0 : i32
        %gt3A_311 = arith.cmpi sgt, %add3A_188, %gt3A : i32
        %convert_element_type3A_312 = arith.extui %gt3A_311 : i1 to i32
        %cond3A_313 = arith.constant 0 : i32
        %cond3A_314 = arith.cmpi ne, %convert_element_type3A_312, %cond3A_313 : i32
        scf.if %cond3A_314 {
          %dma_wait3A_325 = arith.constant 0 : i32
          %dma_wait3A_326 = arith.constant 0 : i32
          %dma_wait3A_327 = arith.constant 0 : i32
          %dma_wait3A_328 = tpu.memref_slice %arg5[%dma_wait3A_326, %dma_wait3A_325, %dma_wait3A_327] : memref<4096x200x128xf32, #tpu.memory_space<hbm>> -> memref<128x1x128xf32, #tpu.memory_space<hbm>>
          %dma_wait3A_329 = tpu.memref_squeeze %dma_wait3A_328 : memref<128x1x128xf32, #tpu.memory_space<hbm>> -> memref<128x128xf32, #tpu.memory_space<hbm>>
          %dma_wait3A_330 = arith.constant 0 : i32
          %dma_wait3A_331 = arith.constant 0 : i32
          %dma_wait3A_332 = tpu.memref_slice %arg5[%dma_wait3A_330, %dma_wait3A_325, %dma_wait3A_331] : memref<4096x200x128xf32, #tpu.memory_space<hbm>> -> memref<128x1x128xf32, #tpu.memory_space<hbm>>
          %dma_wait3A_333 = tpu.memref_squeeze %dma_wait3A_332 : memref<128x1x128xf32, #tpu.memory_space<hbm>> -> memref<128x128xf32, #tpu.memory_space<hbm>>
          tpu.wait_dma2 semaphore(%arg17 : memref<!tpu.dma_semaphore, #tpu.memory_space<semaphore_mem>>) src(%arg9 : memref<128x128xf32, #tpu.memory_space<vmem>>) dst(%dma_wait3A_333 : memref<128x128xf32, #tpu.memory_space<hbm>>)
        } else {
        }
        %add3A_315 = arith.constant 4 : i32
        %add3A_316 = arith.addi %add3A_188, %add3A_315 : i32
        %sub3A_317 = arith.constant 1 : i32
        %sub3A_318 = arith.subi %add3A_316, %sub3A_317 : i32
        %dma_start3A_319 = arith.constant 0 : i32
        %dma_start3A_320 = tpu.memref_slice %arg6[%sub3A_318, %dma_start3A_319] : memref<200x128xi32, #tpu.memory_space<vmem>> -> memref<1x128xi32, #tpu.memory_space<vmem>>
        %dma_start3A_321 = tpu.memref_squeeze %dma_start3A_320 : memref<1x128xi32, #tpu.memory_space<vmem>> -> memref<128xi32, #tpu.memory_space<vmem>>
        %dma_start3A_322 = arith.constant 0 : i32
        %dma_start3A_323 = arith.constant 0 : i32
        %dma_start3A_324 = tpu.memref_slice %arg3[%dma_start3A_322, %dma_start3A_323] : memref<100000x128xf32, #tpu.memory_space<hbm>> -> memref<100000x128xf32, #tpu.memory_space<hbm>>
        tpu.enqueue_indirect_dma source(%dma_start3A_324 : memref<100000x128xf32, #tpu.memory_space<hbm>>) target(%arg9 : memref<128x128xf32, #tpu.memory_space<vmem>>) offsets(%dma_start3A_321 : memref<128xi32, #tpu.memory_space<vmem>>) semaphore(%arg13 : memref<!tpu.dma_semaphore, #tpu.memory_space<semaphore_mem>>)
      } else {
      }
      %mul3A_248 = arith.constant 4 : i32
      %mul3A_249 = arith.muli %scan3A_63, %mul3A_248 : i32
      %add3A_250 = arith.constant 3 : i32
      %add3A_251 = arith.addi %mul3A_249, %add3A_250 : i32
      %dma_wait3A_252 = arith.constant 0 : i32
      %dma_wait3A_253 = tpu.memref_slice %arg6[%add3A_251, %dma_wait3A_252] : memref<200x128xi32, #tpu.memory_space<vmem>> -> memref<1x128xi32, #tpu.memory_space<vmem>>
      %dma_wait3A_254 = tpu.memref_squeeze %dma_wait3A_253 : memref<1x128xi32, #tpu.memory_space<vmem>> -> memref<128xi32, #tpu.memory_space<vmem>>
      %dma_wait3A_255 = arith.constant 0 : i32
      %dma_wait3A_256 = arith.constant 0 : i32
      %dma_wait3A_257 = tpu.memref_slice %arg3[%dma_wait3A_255, %dma_wait3A_256] : memref<100000x128xf32, #tpu.memory_space<hbm>> -> memref<100000x128xf32, #tpu.memory_space<hbm>>
      tpu.wait_indirect_dma semaphore(%arg15 : memref<!tpu.dma_semaphore, #tpu.memory_space<semaphore_mem>>) src(%dma_wait3A_257 : memref<100000x128xf32, #tpu.memory_space<hbm>>) dst(%arg11 : memref<128x128xf32, #tpu.memory_space<vmem>>)
      %get3A_258 = arith.index_cast %add3A_251 : i32 to index
      %get3A_259 = arith.constant 0 : index
      %get3A_260 = tpu.vector_load %arg7[%get3A_258, %get3A_259] {strides = array<i32>} : memref<200x128xf32, #tpu.memory_space<vmem>>, vector<1x16xf32>,
      %get3A_261 = vector.shape_cast %get3A_260 : vector<1x16xf32> to vector<16xf32>
      %get3A_262 = arith.index_cast %add3A_251 : i32 to index
      %get3A_263 = arith.constant 16 : index
      %get3A_264 = tpu.vector_load %arg7[%get3A_262, %get3A_263] {strides = array<i32>} : memref<200x128xf32, #tpu.memory_space<vmem>>, vector<1x16xf32>,
      %get3A_265 = vector.shape_cast %get3A_264 : vector<1x16xf32> to vector<16xf32>
      %get3A_266 = arith.index_cast %add3A_251 : i32 to index
      %get3A_267 = arith.constant 32 : index
      %get3A_268 = tpu.vector_load %arg7[%get3A_266, %get3A_267] {strides = array<i32>} : memref<200x128xf32, #tpu.memory_space<vmem>>, vector<1x16xf32>,
      %get3A_269 = vector.shape_cast %get3A_268 : vector<1x16xf32> to vector<16xf32>
      %get3A_270 = arith.index_cast %add3A_251 : i32 to index
      %get3A_271 = arith.constant 48 : index
      %get3A_272 = tpu.vector_load %arg7[%get3A_270, %get3A_271] {strides = array<i32>} : memref<200x128xf32, #tpu.memory_space<vmem>>, vector<1x16xf32>,
      %get3A_273 = vector.shape_cast %get3A_272 : vector<1x16xf32> to vector<16xf32>
      %get3A_274 = arith.index_cast %add3A_251 : i32 to index
      %get3A_275 = arith.constant 64 : index
      %get3A_276 = tpu.vector_load %arg7[%get3A_274, %get3A_275] {strides = array<i32>} : memref<200x128xf32, #tpu.memory_space<vmem>>, vector<1x16xf32>,
      %get3A_277 = vector.shape_cast %get3A_276 : vector<1x16xf32> to vector<16xf32>
      %get3A_278 = arith.index_cast %add3A_251 : i32 to index
      %get3A_279 = arith.constant 80 : index
      %get3A_280 = tpu.vector_load %arg7[%get3A_278, %get3A_279] {strides = array<i32>} : memref<200x128xf32, #tpu.memory_space<vmem>>, vector<1x16xf32>,
      %get3A_281 = vector.shape_cast %get3A_280 : vector<1x16xf32> to vector<16xf32>
      %get3A_282 = arith.index_cast %add3A_251 : i32 to index
      %get3A_283 = arith.constant 96 : index
      %get3A_284 = tpu.vector_load %arg7[%get3A_282, %get3A_283] {strides = array<i32>} : memref<200x128xf32, #tpu.memory_space<vmem>>, vector<1x16xf32>,
      %get3A_285 = vector.shape_cast %get3A_284 : vector<1x16xf32> to vector<16xf32>
      %get3A_286 = arith.index_cast %add3A_251 : i32 to index
      %get3A_287 = arith.constant 112 : index
      %get3A_288 = tpu.vector_load %arg7[%get3A_286, %get3A_287] {strides = array<i32>} : memref<200x128xf32, #tpu.memory_space<vmem>>, vector<1x16xf32>,
      %get3A_289 = vector.shape_cast %get3A_288 : vector<1x16xf32> to vector<16xf32>
      %scan3A_290 = arith.constant 0 : i32
      %scan3A_291 = arith.constant 0 : i32
      %scan3A_292 = arith.constant 32 : i32
      %scan3A_293 = arith.addi %scan3A_291, %scan3A_292 : i32
      %scan3A_294 = arith.constant 1 : i32
      scf.for %scan3A_311 = %scan3A_291 to %scan3A_293 step %scan3A_294  : i32 {
        %mul3A_312 = arith.constant 4 : i32
        %mul3A_313 = arith.muli %scan3A_311, %mul3A_312 : i32
        %add3A_314 = arith.constant 0 : i32
        %add3A_315 = arith.addi %mul3A_313, %add3A_314 : i32
        %get3A_316 = arith.index_cast %add3A_315 : i32 to index
        %get3A_317 = arith.constant 0 : index
        %get3A_318 = tpu.vector_load %arg11[%get3A_316, %get3A_317] {strides = array<i32>} : memref<128x128xf32, #tpu.memory_space<vmem>>, vector<1x16xf32>,
        %get3A_319 = vector.shape_cast %get3A_318 : vector<1x16xf32> to vector<16xf32>
        %add3A_320 = arith.addf %get3A_319, %get3A_261 : vector<16xf32>
        %swap3A = arith.index_cast %add3A_315 : i32 to index
        %swap3A_321 = arith.constant 0 : index
        %swap3A_322 = tpu.vector_load %arg11[%swap3A, %swap3A_321] {strides = array<i32>} : memref<128x128xf32, #tpu.memory_space<vmem>>, vector<1x16xf32>,
        %swap3A_323 = vector.shape_cast %swap3A_322 : vector<1x16xf32> to vector<16xf32>
        %swap3A_324 = vector.shape_cast %add3A_320 : vector<16xf32> to vector<1x16xf32>
        tpu.vector_store %arg11[%swap3A, %swap3A_321], %swap3A_324 {strides = array<i32>} : memref<128x128xf32, #tpu.memory_space<vmem>>, vector<1x16xf32>,
        %get3A_325 = arith.index_cast %add3A_315 : i32 to index
        %get3A_326 = arith.constant 16 : index
        %get3A_327 = tpu.vector_load %arg11[%get3A_325, %get3A_326] {strides = array<i32>} : memref<128x128xf32, #tpu.memory_space<vmem>>, vector<1x16xf32>,
        %get3A_328 = vector.shape_cast %get3A_327 : vector<1x16xf32> to vector<16xf32>
        %add3A_329 = arith.addf %get3A_328, %get3A_265 : vector<16xf32>
        %swap3A_330 = arith.index_cast %add3A_315 : i32 to index
        %swap3A_331 = arith.constant 16 : index
        %swap3A_332 = tpu.vector_load %arg11[%swap3A_330, %swap3A_331] {strides = array<i32>} : memref<128x128xf32, #tpu.memory_space<vmem>>, vector<1x16xf32>,
        %swap3A_333 = vector.shape_cast %swap3A_332 : vector<1x16xf32> to vector<16xf32>
        %swap3A_334 = vector.shape_cast %add3A_329 : vector<16xf32> to vector<1x16xf32>
        tpu.vector_store %arg11[%swap3A_330, %swap3A_331], %swap3A_334 {strides = array<i32>} : memref<128x128xf32, #tpu.memory_space<vmem>>, vector<1x16xf32>,
        %get3A_335 = arith.index_cast %add3A_315 : i32 to index
        %get3A_336 = arith.constant 32 : index
        %get3A_337 = tpu.vector_load %arg11[%get3A_335, %get3A_336] {strides = array<i32>} : memref<128x128xf32, #tpu.memory_space<vmem>>, vector<1x16xf32>,
        %get3A_338 = vector.shape_cast %get3A_337 : vector<1x16xf32> to vector<16xf32>
        %add3A_339 = arith.addf %get3A_338, %get3A_269 : vector<16xf32>
        %swap3A_340 = arith.index_cast %add3A_315 : i32 to index
        %swap3A_341 = arith.constant 32 : index
        %swap3A_342 = tpu.vector_load %arg11[%swap3A_340, %swap3A_341] {strides = array<i32>} : memref<128x128xf32, #tpu.memory_space<vmem>>, vector<1x16xf32>,
        %swap3A_343 = vector.shape_cast %swap3A_342 : vector<1x16xf32> to vector<16xf32>
        %swap3A_344 = vector.shape_cast %add3A_339 : vector<16xf32> to vector<1x16xf32>
        tpu.vector_store %arg11[%swap3A_340, %swap3A_341], %swap3A_344 {strides = array<i32>} : memref<128x128xf32, #tpu.memory_space<vmem>>, vector<1x16xf32>,
        %get3A_345 = arith.index_cast %add3A_315 : i32 to index
        %get3A_346 = arith.constant 48 : index
        %get3A_347 = tpu.vector_load %arg11[%get3A_345, %get3A_346] {strides = array<i32>} : memref<128x128xf32, #tpu.memory_space<vmem>>, vector<1x16xf32>,
        %get3A_348 = vector.shape_cast %get3A_347 : vector<1x16xf32> to vector<16xf32>
        %add3A_349 = arith.addf %get3A_348, %get3A_273 : vector<16xf32>
        %swap3A_350 = arith.index_cast %add3A_315 : i32 to index
        %swap3A_351 = arith.constant 48 : index
        %swap3A_352 = tpu.vector_load %arg11[%swap3A_350, %swap3A_351] {strides = array<i32>} : memref<128x128xf32, #tpu.memory_space<vmem>>, vector<1x16xf32>,
        %swap3A_353 = vector.shape_cast %swap3A_352 : vector<1x16xf32> to vector<16xf32>
        %swap3A_354 = vector.shape_cast %add3A_349 : vector<16xf32> to vector<1x16xf32>
        tpu.vector_store %arg11[%swap3A_350, %swap3A_351], %swap3A_354 {strides = array<i32>} : memref<128x128xf32, #tpu.memory_space<vmem>>, vector<1x16xf32>,
        %get3A_355 = arith.index_cast %add3A_315 : i32 to index
        %get3A_356 = arith.constant 64 : index
        %get3A_357 = tpu.vector_load %arg11[%get3A_355, %get3A_356] {strides = array<i32>} : memref<128x128xf32, #tpu.memory_space<vmem>>, vector<1x16xf32>,
        %get3A_358 = vector.shape_cast %get3A_357 : vector<1x16xf32> to vector<16xf32>
        %add3A_359 = arith.addf %get3A_358, %get3A_277 : vector<16xf32>
        %swap3A_360 = arith.index_cast %add3A_315 : i32 to index
        %swap3A_361 = arith.constant 64 : index
        %swap3A_362 = tpu.vector_load %arg11[%swap3A_360, %swap3A_361] {strides = array<i32>} : memref<128x128xf32, #tpu.memory_space<vmem>>, vector<1x16xf32>,
        %swap3A_363 = vector.shape_cast %swap3A_362 : vector<1x16xf32> to vector<16xf32>
        %swap3A_364 = vector.shape_cast %add3A_359 : vector<16xf32> to vector<1x16xf32>
        tpu.vector_store %arg11[%swap3A_360, %swap3A_361], %swap3A_364 {strides = array<i32>} : memref<128x128xf32, #tpu.memory_space<vmem>>, vector<1x16xf32>,
        %get3A_365 = arith.index_cast %add3A_315 : i32 to index
        %get3A_366 = arith.constant 80 : index
        %get3A_367 = tpu.vector_load %arg11[%get3A_365, %get3A_366] {strides = array<i32>} : memref<128x128xf32, #tpu.memory_space<vmem>>, vector<1x16xf32>,
        %get3A_368 = vector.shape_cast %get3A_367 : vector<1x16xf32> to vector<16xf32>
        %add3A_369 = arith.addf %get3A_368, %get3A_281 : vector<16xf32>
        %swap3A_370 = arith.index_cast %add3A_315 : i32 to index
        %swap3A_371 = arith.constant 80 : index
        %swap3A_372 = tpu.vector_load %arg11[%swap3A_370, %swap3A_371] {strides = array<i32>} : memref<128x128xf32, #tpu.memory_space<vmem>>, vector<1x16xf32>,
        %swap3A_373 = vector.shape_cast %swap3A_372 : vector<1x16xf32> to vector<16xf32>
        %swap3A_374 = vector.shape_cast %add3A_369 : vector<16xf32> to vector<1x16xf32>
        tpu.vector_store %arg11[%swap3A_370, %swap3A_371], %swap3A_374 {strides = array<i32>} : memref<128x128xf32, #tpu.memory_space<vmem>>, vector<1x16xf32>,
        %get3A_375 = arith.index_cast %add3A_315 : i32 to index
        %get3A_376 = arith.constant 96 : index
        %get3A_377 = tpu.vector_load %arg11[%get3A_375, %get3A_376] {strides = array<i32>} : memref<128x128xf32, #tpu.memory_space<vmem>>, vector<1x16xf32>,
        %get3A_378 = vector.shape_cast %get3A_377 : vector<1x16xf32> to vector<16xf32>
        %add3A_379 = arith.addf %get3A_378, %get3A_285 : vector<16xf32>
        %swap3A_380 = arith.index_cast %add3A_315 : i32 to index
        %swap3A_381 = arith.constant 96 : index
        %swap3A_382 = tpu.vector_load %arg11[%swap3A_380, %swap3A_381] {strides = array<i32>} : memref<128x128xf32, #tpu.memory_space<vmem>>, vector<1x16xf32>,
        %swap3A_383 = vector.shape_cast %swap3A_382 : vector<1x16xf32> to vector<16xf32>
        %swap3A_384 = vector.shape_cast %add3A_379 : vector<16xf32> to vector<1x16xf32>
        tpu.vector_store %arg11[%swap3A_380, %swap3A_381], %swap3A_384 {strides = array<i32>} : memref<128x128xf32, #tpu.memory_space<vmem>>, vector<1x16xf32>,
        %get3A_385 = arith.index_cast %add3A_315 : i32 to index
        %get3A_386 = arith.constant 112 : index
        %get3A_387 = tpu.vector_load %arg11[%get3A_385, %get3A_386] {strides = array<i32>} : memref<128x128xf32, #tpu.memory_space<vmem>>, vector<1x16xf32>,
        %get3A_388 = vector.shape_cast %get3A_387 : vector<1x16xf32> to vector<16xf32>
        %add3A_389 = arith.addf %get3A_388, %get3A_289 : vector<16xf32>
        %swap3A_390 = arith.index_cast %add3A_315 : i32 to index
        %swap3A_391 = arith.constant 112 : index
        %swap3A_392 = tpu.vector_load %arg11[%swap3A_390, %swap3A_391] {strides = array<i32>} : memref<128x128xf32, #tpu.memory_space<vmem>>, vector<1x16xf32>,
        %swap3A_393 = vector.shape_cast %swap3A_392 : vector<1x16xf32> to vector<16xf32>
        %swap3A_394 = vector.shape_cast %add3A_389 : vector<16xf32> to vector<1x16xf32>
        tpu.vector_store %arg11[%swap3A_390, %swap3A_391], %swap3A_394 {strides = array<i32>} : memref<128x128xf32, #tpu.memory_space<vmem>>, vector<1x16xf32>,
        %mul3A_395 = arith.constant 4 : i32
        %mul3A_396 = arith.muli %scan3A_311, %mul3A_395 : i32
        %add3A_397 = arith.constant 1 : i32
        %add3A_398 = arith.addi %mul3A_396, %add3A_397 : i32
        %get3A_399 = arith.index_cast %add3A_398 : i32 to index
        %get3A_400 = arith.constant 0 : index
        %get3A_401 = tpu.vector_load %arg11[%get3A_399, %get3A_400] {strides = array<i32>} : memref<128x128xf32, #tpu.memory_space<vmem>>, vector<1x16xf32>,
        %get3A_402 = vector.shape_cast %get3A_401 : vector<1x16xf32> to vector<16xf32>
        %add3A_403 = arith.addf %get3A_402, %get3A_261 : vector<16xf32>
        %swap3A_404 = arith.index_cast %add3A_398 : i32 to index
        %swap3A_405 = arith.constant 0 : index
        %swap3A_406 = tpu.vector_load %arg11[%swap3A_404, %swap3A_405] {strides = array<i32>} : memref<128x128xf32, #tpu.memory_space<vmem>>, vector<1x16xf32>,
        %swap3A_407 = vector.shape_cast %swap3A_406 : vector<1x16xf32> to vector<16xf32>
        %swap3A_408 = vector.shape_cast %add3A_403 : vector<16xf32> to vector<1x16xf32>
        tpu.vector_store %arg11[%swap3A_404, %swap3A_405], %swap3A_408 {strides = array<i32>} : memref<128x128xf32, #tpu.memory_space<vmem>>, vector<1x16xf32>,
        %get3A_409 = arith.index_cast %add3A_398 : i32 to index
        %get3A_410 = arith.constant 16 : index
        %get3A_411 = tpu.vector_load %arg11[%get3A_409, %get3A_410] {strides = array<i32>} : memref<128x128xf32, #tpu.memory_space<vmem>>, vector<1x16xf32>,
        %get3A_412 = vector.shape_cast %get3A_411 : vector<1x16xf32> to vector<16xf32>
        %add3A_413 = arith.addf %get3A_412, %get3A_265 : vector<16xf32>
        %swap3A_414 = arith.index_cast %add3A_398 : i32 to index
        %swap3A_415 = arith.constant 16 : index
        %swap3A_416 = tpu.vector_load %arg11[%swap3A_414, %swap3A_415] {strides = array<i32>} : memref<128x128xf32, #tpu.memory_space<vmem>>, vector<1x16xf32>,
        %swap3A_417 = vector.shape_cast %swap3A_416 : vector<1x16xf32> to vector<16xf32>
        %swap3A_418 = vector.shape_cast %add3A_413 : vector<16xf32> to vector<1x16xf32>
        tpu.vector_store %arg11[%swap3A_414, %swap3A_415], %swap3A_418 {strides = array<i32>} : memref<128x128xf32, #tpu.memory_space<vmem>>, vector<1x16xf32>,
        %get3A_419 = arith.index_cast %add3A_398 : i32 to index
        %get3A_420 = arith.constant 32 : index
        %get3A_421 = tpu.vector_load %arg11[%get3A_419, %get3A_420] {strides = array<i32>} : memref<128x128xf32, #tpu.memory_space<vmem>>, vector<1x16xf32>,
        %get3A_422 = vector.shape_cast %get3A_421 : vector<1x16xf32> to vector<16xf32>
        %add3A_423 = arith.addf %get3A_422, %get3A_269 : vector<16xf32>
        %swap3A_424 = arith.index_cast %add3A_398 : i32 to index
        %swap3A_425 = arith.constant 32 : index
        %swap3A_426 = tpu.vector_load %arg11[%swap3A_424, %swap3A_425] {strides = array<i32>} : memref<128x128xf32, #tpu.memory_space<vmem>>, vector<1x16xf32>,
        %swap3A_427 = vector.shape_cast %swap3A_426 : vector<1x16xf32> to vector<16xf32>
        %swap3A_428 = vector.shape_cast %add3A_423 : vector<16xf32> to vector<1x16xf32>
        tpu.vector_store %arg11[%swap3A_424, %swap3A_425], %swap3A_428 {strides = array<i32>} : memref<128x128xf32, #tpu.memory_space<vmem>>, vector<1x16xf32>,
        %get3A_429 = arith.index_cast %add3A_398 : i32 to index
        %get3A_430 = arith.constant 48 : index
        %get3A_431 = tpu.vector_load %arg11[%get3A_429, %get3A_430] {strides = array<i32>} : memref<128x128xf32, #tpu.memory_space<vmem>>, vector<1x16xf32>,
        %get3A_432 = vector.shape_cast %get3A_431 : vector<1x16xf32> to vector<16xf32>
        %add3A_433 = arith.addf %get3A_432, %get3A_273 : vector<16xf32>
        %swap3A_434 = arith.index_cast %add3A_398 : i32 to index
        %swap3A_435 = arith.constant 48 : index
        %swap3A_436 = tpu.vector_load %arg11[%swap3A_434, %swap3A_435] {strides = array<i32>} : memref<128x128xf32, #tpu.memory_space<vmem>>, vector<1x16xf32>,
        %swap3A_437 = vector.shape_cast %swap3A_436 : vector<1x16xf32> to vector<16xf32>
        %swap3A_438 = vector.shape_cast %add3A_433 : vector<16xf32> to vector<1x16xf32>
        tpu.vector_store %arg11[%swap3A_434, %swap3A_435], %swap3A_438 {strides = array<i32>} : memref<128x128xf32, #tpu.memory_space<vmem>>, vector<1x16xf32>,
        %get3A_439 = arith.index_cast %add3A_398 : i32 to index
        %get3A_440 = arith.constant 64 : index
        %get3A_441 = tpu.vector_load %arg11[%get3A_439, %get3A_440] {strides = array<i32>} : memref<128x128xf32, #tpu.memory_space<vmem>>, vector<1x16xf32>,
        %get3A_442 = vector.shape_cast %get3A_441 : vector<1x16xf32> to vector<16xf32>
        %add3A_443 = arith.addf %get3A_442, %get3A_277 : vector<16xf32>
        %swap3A_444 = arith.index_cast %add3A_398 : i32 to index
        %swap3A_445 = arith.constant 64 : index
        %swap3A_446 = tpu.vector_load %arg11[%swap3A_444, %swap3A_445] {strides = array<i32>} : memref<128x128xf32, #tpu.memory_space<vmem>>, vector<1x16xf32>,
        %swap3A_447 = vector.shape_cast %swap3A_446 : vector<1x16xf32> to vector<16xf32>
        %swap3A_448 = vector.shape_cast %add3A_443 : vector<16xf32> to vector<1x16xf32>
        tpu.vector_store %arg11[%swap3A_444, %swap3A_445], %swap3A_448 {strides = array<i32>} : memref<128x128xf32, #tpu.memory_space<vmem>>, vector<1x16xf32>,
        %get3A_449 = arith.index_cast %add3A_398 : i32 to index
        %get3A_450 = arith.constant 80 : index
        %get3A_451 = tpu.vector_load %arg11[%get3A_449, %get3A_450] {strides = array<i32>} : memref<128x128xf32, #tpu.memory_space<vmem>>, vector<1x16xf32>,
        %get3A_452 = vector.shape_cast %get3A_451 : vector<1x16xf32> to vector<16xf32>
        %add3A_453 = arith.addf %get3A_452, %get3A_281 : vector<16xf32>
        %swap3A_454 = arith.index_cast %add3A_398 : i32 to index
        %swap3A_455 = arith.constant 80 : index
        %swap3A_456 = tpu.vector_load %arg11[%swap3A_454, %swap3A_455] {strides = array<i32>} : memref<128x128xf32, #tpu.memory_space<vmem>>, vector<1x16xf32>,
        %swap3A_457 = vector.shape_cast %swap3A_456 : vector<1x16xf32> to vector<16xf32>
        %swap3A_458 = vector.shape_cast %add3A_453 : vector<16xf32> to vector<1x16xf32>
        tpu.vector_store %arg11[%swap3A_454, %swap3A_455], %swap3A_458 {strides = array<i32>} : memref<128x128xf32, #tpu.memory_space<vmem>>, vector<1x16xf32>,
        %get3A_459 = arith.index_cast %add3A_398 : i32 to index
        %get3A_460 = arith.constant 96 : index
        %get3A_461 = tpu.vector_load %arg11[%get3A_459, %get3A_460] {strides = array<i32>} : memref<128x128xf32, #tpu.memory_space<vmem>>, vector<1x16xf32>,
        %get3A_462 = vector.shape_cast %get3A_461 : vector<1x16xf32> to vector<16xf32>
        %add3A_463 = arith.addf %get3A_462, %get3A_285 : vector<16xf32>
        %swap3A_464 = arith.index_cast %add3A_398 : i32 to index
        %swap3A_465 = arith.constant 96 : index
        %swap3A_466 = tpu.vector_load %arg11[%swap3A_464, %swap3A_465] {strides = array<i32>} : memref<128x128xf32, #tpu.memory_space<vmem>>, vector<1x16xf32>,
        %swap3A_467 = vector.shape_cast %swap3A_466 : vector<1x16xf32> to vector<16xf32>
        %swap3A_468 = vector.shape_cast %add3A_463 : vector<16xf32> to vector<1x16xf32>
        tpu.vector_store %arg11[%swap3A_464, %swap3A_465], %swap3A_468 {strides = array<i32>} : memref<128x128xf32, #tpu.memory_space<vmem>>, vector<1x16xf32>,
        %get3A_469 = arith.index_cast %add3A_398 : i32 to index
        %get3A_470 = arith.constant 112 : index
        %get3A_471 = tpu.vector_load %arg11[%get3A_469, %get3A_470] {strides = array<i32>} : memref<128x128xf32, #tpu.memory_space<vmem>>, vector<1x16xf32>,
        %get3A_472 = vector.shape_cast %get3A_471 : vector<1x16xf32> to vector<16xf32>
        %add3A_473 = arith.addf %get3A_472, %get3A_289 : vector<16xf32>
        %swap3A_474 = arith.index_cast %add3A_398 : i32 to index
        %swap3A_475 = arith.constant 112 : index
        %swap3A_476 = tpu.vector_load %arg11[%swap3A_474, %swap3A_475] {strides = array<i32>} : memref<128x128xf32, #tpu.memory_space<vmem>>, vector<1x16xf32>,
        %swap3A_477 = vector.shape_cast %swap3A_476 : vector<1x16xf32> to vector<16xf32>
        %swap3A_478 = vector.shape_cast %add3A_473 : vector<16xf32> to vector<1x16xf32>
        tpu.vector_store %arg11[%swap3A_474, %swap3A_475], %swap3A_478 {strides = array<i32>} : memref<128x128xf32, #tpu.memory_space<vmem>>, vector<1x16xf32>,
        %mul3A_479 = arith.constant 4 : i32
        %mul3A_480 = arith.muli %scan3A_311, %mul3A_479 : i32
        %add3A_481 = arith.constant 2 : i32
        %add3A_482 = arith.addi %mul3A_480, %add3A_481 : i32
        %get3A_483 = arith.index_cast %add3A_482 : i32 to index
        %get3A_484 = arith.constant 0 : index
        %get3A_485 = tpu.vector_load %arg11[%get3A_483, %get3A_484] {strides = array<i32>} : memref<128x128xf32, #tpu.memory_space<vmem>>, vector<1x16xf32>,
        %get3A_486 = vector.shape_cast %get3A_485 : vector<1x16xf32> to vector<16xf32>
        %add3A_487 = arith.addf %get3A_486, %get3A_261 : vector<16xf32>
        %swap3A_488 = arith.index_cast %add3A_482 : i32 to index
        %swap3A_489 = arith.constant 0 : index
        %swap3A_490 = tpu.vector_load %arg11[%swap3A_488, %swap3A_489] {strides = array<i32>} : memref<128x128xf32, #tpu.memory_space<vmem>>, vector<1x16xf32>,
        %swap3A_491 = vector.shape_cast %swap3A_490 : vector<1x16xf32> to vector<16xf32>
        %swap3A_492 = vector.shape_cast %add3A_487 : vector<16xf32> to vector<1x16xf32>
        tpu.vector_store %arg11[%swap3A_488, %swap3A_489], %swap3A_492 {strides = array<i32>} : memref<128x128xf32, #tpu.memory_space<vmem>>, vector<1x16xf32>,
        %get3A_493 = arith.index_cast %add3A_482 : i32 to index
        %get3A_494 = arith.constant 16 : index
        %get3A_495 = tpu.vector_load %arg11[%get3A_493, %get3A_494] {strides = array<i32>} : memref<128x128xf32, #tpu.memory_space<vmem>>, vector<1x16xf32>,
        %get3A_496 = vector.shape_cast %get3A_495 : vector<1x16xf32> to vector<16xf32>
        %add3A_497 = arith.addf %get3A_496, %get3A_265 : vector<16xf32>
        %swap3A_498 = arith.index_cast %add3A_482 : i32 to index
        %swap3A_499 = arith.constant 16 : index
        %swap3A_500 = tpu.vector_load %arg11[%swap3A_498, %swap3A_499] {strides = array<i32>} : memref<128x128xf32, #tpu.memory_space<vmem>>, vector<1x16xf32>,
        %swap3A_501 = vector.shape_cast %swap3A_500 : vector<1x16xf32> to vector<16xf32>
        %swap3A_502 = vector.shape_cast %add3A_497 : vector<16xf32> to vector<1x16xf32>
        tpu.vector_store %arg11[%swap3A_498, %swap3A_499], %swap3A_502 {strides = array<i32>} : memref<128x128xf32, #tpu.memory_space<vmem>>, vector<1x16xf32>,
        %get3A_503 = arith.index_cast %add3A_482 : i32 to index
        %get3A_504 = arith.constant 32 : index
        %get3A_505 = tpu.vector_load %arg11[%get3A_503, %get3A_504] {strides = array<i32>} : memref<128x128xf32, #tpu.memory_space<vmem>>, vector<1x16xf32>,
        %get3A_506 = vector.shape_cast %get3A_505 : vector<1x16xf32> to vector<16xf32>
        %add3A_507 = arith.addf %get3A_506, %get3A_269 : vector<16xf32>
        %swap3A_508 = arith.index_cast %add3A_482 : i32 to index
        %swap3A_509 = arith.constant 32 : index
        %swap3A_510 = tpu.vector_load %arg11[%swap3A_508, %swap3A_509] {strides = array<i32>} : memref<128x128xf32, #tpu.memory_space<vmem>>, vector<1x16xf32>,
        %swap3A_511 = vector.shape_cast %swap3A_510 : vector<1x16xf32> to vector<16xf32>
        %swap3A_512 = vector.shape_cast %add3A_507 : vector<16xf32> to vector<1x16xf32>
        tpu.vector_store %arg11[%swap3A_508, %swap3A_509], %swap3A_512 {strides = array<i32>} : memref<128x128xf32, #tpu.memory_space<vmem>>, vector<1x16xf32>,
        %get3A_513 = arith.index_cast %add3A_482 : i32 to index
        %get3A_514 = arith.constant 48 : index
        %get3A_515 = tpu.vector_load %arg11[%get3A_513, %get3A_514] {strides = array<i32>} : memref<128x128xf32, #tpu.memory_space<vmem>>, vector<1x16xf32>,
        %get3A_516 = vector.shape_cast %get3A_515 : vector<1x16xf32> to vector<16xf32>
        %add3A_517 = arith.addf %get3A_516, %get3A_273 : vector<16xf32>
        %swap3A_518 = arith.index_cast %add3A_482 : i32 to index
        %swap3A_519 = arith.constant 48 : index
        %swap3A_520 = tpu.vector_load %arg11[%swap3A_518, %swap3A_519] {strides = array<i32>} : memref<128x128xf32, #tpu.memory_space<vmem>>, vector<1x16xf32>,
        %swap3A_521 = vector.shape_cast %swap3A_520 : vector<1x16xf32> to vector<16xf32>
        %swap3A_522 = vector.shape_cast %add3A_517 : vector<16xf32> to vector<1x16xf32>
        tpu.vector_store %arg11[%swap3A_518, %swap3A_519], %swap3A_522 {strides = array<i32>} : memref<128x128xf32, #tpu.memory_space<vmem>>, vector<1x16xf32>,
        %get3A_523 = arith.index_cast %add3A_482 : i32 to index
        %get3A_524 = arith.constant 64 : index
        %get3A_525 = tpu.vector_load %arg11[%get3A_523, %get3A_524] {strides = array<i32>} : memref<128x128xf32, #tpu.memory_space<vmem>>, vector<1x16xf32>,
        %get3A_526 = vector.shape_cast %get3A_525 : vector<1x16xf32> to vector<16xf32>
        %add3A_527 = arith.addf %get3A_526, %get3A_277 : vector<16xf32>
        %swap3A_528 = arith.index_cast %add3A_482 : i32 to index
        %swap3A_529 = arith.constant 64 : index
        %swap3A_530 = tpu.vector_load %arg11[%swap3A_528, %swap3A_529] {strides = array<i32>} : memref<128x128xf32, #tpu.memory_space<vmem>>, vector<1x16xf32>,
        %swap3A_531 = vector.shape_cast %swap3A_530 : vector<1x16xf32> to vector<16xf32>
        %swap3A_532 = vector.shape_cast %add3A_527 : vector<16xf32> to vector<1x16xf32>
        tpu.vector_store %arg11[%swap3A_528, %swap3A_529], %swap3A_532 {strides = array<i32>} : memref<128x128xf32, #tpu.memory_space<vmem>>, vector<1x16xf32>,
        %get3A_533 = arith.index_cast %add3A_482 : i32 to index
        %get3A_534 = arith.constant 80 : index
        %get3A_535 = tpu.vector_load %arg11[%get3A_533, %get3A_534] {strides = array<i32>} : memref<128x128xf32, #tpu.memory_space<vmem>>, vector<1x16xf32>,
        %get3A_536 = vector.shape_cast %get3A_535 : vector<1x16xf32> to vector<16xf32>
        %add3A_537 = arith.addf %get3A_536, %get3A_281 : vector<16xf32>
        %swap3A_538 = arith.index_cast %add3A_482 : i32 to index
        %swap3A_539 = arith.constant 80 : index
        %swap3A_540 = tpu.vector_load %arg11[%swap3A_538, %swap3A_539] {strides = array<i32>} : memref<128x128xf32, #tpu.memory_space<vmem>>, vector<1x16xf32>,
        %swap3A_541 = vector.shape_cast %swap3A_540 : vector<1x16xf32> to vector<16xf32>
        %swap3A_542 = vector.shape_cast %add3A_537 : vector<16xf32> to vector<1x16xf32>
        tpu.vector_store %arg11[%swap3A_538, %swap3A_539], %swap3A_542 {strides = array<i32>} : memref<128x128xf32, #tpu.memory_space<vmem>>, vector<1x16xf32>,
        %get3A_543 = arith.index_cast %add3A_482 : i32 to index
        %get3A_544 = arith.constant 96 : index
        %get3A_545 = tpu.vector_load %arg11[%get3A_543, %get3A_544] {strides = array<i32>} : memref<128x128xf32, #tpu.memory_space<vmem>>, vector<1x16xf32>,
        %get3A_546 = vector.shape_cast %get3A_545 : vector<1x16xf32> to vector<16xf32>
        %add3A_547 = arith.addf %get3A_546, %get3A_285 : vector<16xf32>
        %swap3A_548 = arith.index_cast %add3A_482 : i32 to index
        %swap3A_549 = arith.constant 96 : index
        %swap3A_550 = tpu.vector_load %arg11[%swap3A_548, %swap3A_549] {strides = array<i32>} : memref<128x128xf32, #tpu.memory_space<vmem>>, vector<1x16xf32>,
        %swap3A_551 = vector.shape_cast %swap3A_550 : vector<1x16xf32> to vector<16xf32>
        %swap3A_552 = vector.shape_cast %add3A_547 : vector<16xf32> to vector<1x16xf32>
        tpu.vector_store %arg11[%swap3A_548, %swap3A_549], %swap3A_552 {strides = array<i32>} : memref<128x128xf32, #tpu.memory_space<vmem>>, vector<1x16xf32>,
        %get3A_553 = arith.index_cast %add3A_482 : i32 to index
        %get3A_554 = arith.constant 112 : index
        %get3A_555 = tpu.vector_load %arg11[%get3A_553, %get3A_554] {strides = array<i32>} : memref<128x128xf32, #tpu.memory_space<vmem>>, vector<1x16xf32>,
        %get3A_556 = vector.shape_cast %get3A_555 : vector<1x16xf32> to vector<16xf32>
        %add3A_557 = arith.addf %get3A_556, %get3A_289 : vector<16xf32>
        %swap3A_558 = arith.index_cast %add3A_482 : i32 to index
        %swap3A_559 = arith.constant 112 : index
        %swap3A_560 = tpu.vector_load %arg11[%swap3A_558, %swap3A_559] {strides = array<i32>} : memref<128x128xf32, #tpu.memory_space<vmem>>, vector<1x16xf32>,
        %swap3A_561 = vector.shape_cast %swap3A_560 : vector<1x16xf32> to vector<16xf32>
        %swap3A_562 = vector.shape_cast %add3A_557 : vector<16xf32> to vector<1x16xf32>
        tpu.vector_store %arg11[%swap3A_558, %swap3A_559], %swap3A_562 {strides = array<i32>} : memref<128x128xf32, #tpu.memory_space<vmem>>, vector<1x16xf32>,
        %mul3A_563 = arith.constant 4 : i32
        %mul3A_564 = arith.muli %scan3A_311, %mul3A_563 : i32
        %add3A_565 = arith.constant 3 : i32
        %add3A_566 = arith.addi %mul3A_564, %add3A_565 : i32
        %get3A_567 = arith.index_cast %add3A_566 : i32 to index
        %get3A_568 = arith.constant 0 : index
        %get3A_569 = tpu.vector_load %arg11[%get3A_567, %get3A_568] {strides = array<i32>} : memref<128x128xf32, #tpu.memory_space<vmem>>, vector<1x16xf32>,
        %get3A_570 = vector.shape_cast %get3A_569 : vector<1x16xf32> to vector<16xf32>
        %add3A_571 = arith.addf %get3A_570, %get3A_261 : vector<16xf32>
        %swap3A_572 = arith.index_cast %add3A_566 : i32 to index
        %swap3A_573 = arith.constant 0 : index
        %swap3A_574 = tpu.vector_load %arg11[%swap3A_572, %swap3A_573] {strides = array<i32>} : memref<128x128xf32, #tpu.memory_space<vmem>>, vector<1x16xf32>,
        %swap3A_575 = vector.shape_cast %swap3A_574 : vector<1x16xf32> to vector<16xf32>
        %swap3A_576 = vector.shape_cast %add3A_571 : vector<16xf32> to vector<1x16xf32>
        tpu.vector_store %arg11[%swap3A_572, %swap3A_573], %swap3A_576 {strides = array<i32>} : memref<128x128xf32, #tpu.memory_space<vmem>>, vector<1x16xf32>,
        %get3A_577 = arith.index_cast %add3A_566 : i32 to index
        %get3A_578 = arith.constant 16 : index
        %get3A_579 = tpu.vector_load %arg11[%get3A_577, %get3A_578] {strides = array<i32>} : memref<128x128xf32, #tpu.memory_space<vmem>>, vector<1x16xf32>,
        %get3A_580 = vector.shape_cast %get3A_579 : vector<1x16xf32> to vector<16xf32>
        %add3A_581 = arith.addf %get3A_580, %get3A_265 : vector<16xf32>
        %swap3A_582 = arith.index_cast %add3A_566 : i32 to index
        %swap3A_583 = arith.constant 16 : index
        %swap3A_584 = tpu.vector_load %arg11[%swap3A_582, %swap3A_583] {strides = array<i32>} : memref<128x128xf32, #tpu.memory_space<vmem>>, vector<1x16xf32>,
        %swap3A_585 = vector.shape_cast %swap3A_584 : vector<1x16xf32> to vector<16xf32>
        %swap3A_586 = vector.shape_cast %add3A_581 : vector<16xf32> to vector<1x16xf32>
        tpu.vector_store %arg11[%swap3A_582, %swap3A_583], %swap3A_586 {strides = array<i32>} : memref<128x128xf32, #tpu.memory_space<vmem>>, vector<1x16xf32>,
        %get3A_587 = arith.index_cast %add3A_566 : i32 to index
        %get3A_588 = arith.constant 32 : index
        %get3A_589 = tpu.vector_load %arg11[%get3A_587, %get3A_588] {strides = array<i32>} : memref<128x128xf32, #tpu.memory_space<vmem>>, vector<1x16xf32>,
        %get3A_590 = vector.shape_cast %get3A_589 : vector<1x16xf32> to vector<16xf32>
        %add3A_591 = arith.addf %get3A_590, %get3A_269 : vector<16xf32>
        %swap3A_592 = arith.index_cast %add3A_566 : i32 to index
        %swap3A_593 = arith.constant 32 : index
        %swap3A_594 = tpu.vector_load %arg11[%swap3A_592, %swap3A_593] {strides = array<i32>} : memref<128x128xf32, #tpu.memory_space<vmem>>, vector<1x16xf32>,
        %swap3A_595 = vector.shape_cast %swap3A_594 : vector<1x16xf32> to vector<16xf32>
        %swap3A_596 = vector.shape_cast %add3A_591 : vector<16xf32> to vector<1x16xf32>
        tpu.vector_store %arg11[%swap3A_592, %swap3A_593], %swap3A_596 {strides = array<i32>} : memref<128x128xf32, #tpu.memory_space<vmem>>, vector<1x16xf32>,
        %get3A_597 = arith.index_cast %add3A_566 : i32 to index
        %get3A_598 = arith.constant 48 : index
        %get3A_599 = tpu.vector_load %arg11[%get3A_597, %get3A_598] {strides = array<i32>} : memref<128x128xf32, #tpu.memory_space<vmem>>, vector<1x16xf32>,
        %get3A_600 = vector.shape_cast %get3A_599 : vector<1x16xf32> to vector<16xf32>
        %add3A_601 = arith.addf %get3A_600, %get3A_273 : vector<16xf32>
        %swap3A_602 = arith.index_cast %add3A_566 : i32 to index
        %swap3A_603 = arith.constant 48 : index
        %swap3A_604 = tpu.vector_load %arg11[%swap3A_602, %swap3A_603] {strides = array<i32>} : memref<128x128xf32, #tpu.memory_space<vmem>>, vector<1x16xf32>,
        %swap3A_605 = vector.shape_cast %swap3A_604 : vector<1x16xf32> to vector<16xf32>
        %swap3A_606 = vector.shape_cast %add3A_601 : vector<16xf32> to vector<1x16xf32>
        tpu.vector_store %arg11[%swap3A_602, %swap3A_603], %swap3A_606 {strides = array<i32>} : memref<128x128xf32, #tpu.memory_space<vmem>>, vector<1x16xf32>,
        %get3A_607 = arith.index_cast %add3A_566 : i32 to index
        %get3A_608 = arith.constant 64 : index
        %get3A_609 = tpu.vector_load %arg11[%get3A_607, %get3A_608] {strides = array<i32>} : memref<128x128xf32, #tpu.memory_space<vmem>>, vector<1x16xf32>,
        %get3A_610 = vector.shape_cast %get3A_609 : vector<1x16xf32> to vector<16xf32>
        %add3A_611 = arith.addf %get3A_610, %get3A_277 : vector<16xf32>
        %swap3A_612 = arith.index_cast %add3A_566 : i32 to index
        %swap3A_613 = arith.constant 64 : index
        %swap3A_614 = tpu.vector_load %arg11[%swap3A_612, %swap3A_613] {strides = array<i32>} : memref<128x128xf32, #tpu.memory_space<vmem>>, vector<1x16xf32>,
        %swap3A_615 = vector.shape_cast %swap3A_614 : vector<1x16xf32> to vector<16xf32>
        %swap3A_616 = vector.shape_cast %add3A_611 : vector<16xf32> to vector<1x16xf32>
        tpu.vector_store %arg11[%swap3A_612, %swap3A_613], %swap3A_616 {strides = array<i32>} : memref<128x128xf32, #tpu.memory_space<vmem>>, vector<1x16xf32>,
        %get3A_617 = arith.index_cast %add3A_566 : i32 to index
        %get3A_618 = arith.constant 80 : index
        %get3A_619 = tpu.vector_load %arg11[%get3A_617, %get3A_618] {strides = array<i32>} : memref<128x128xf32, #tpu.memory_space<vmem>>, vector<1x16xf32>,
        %get3A_620 = vector.shape_cast %get3A_619 : vector<1x16xf32> to vector<16xf32>
        %add3A_621 = arith.addf %get3A_620, %get3A_281 : vector<16xf32>
        %swap3A_622 = arith.index_cast %add3A_566 : i32 to index
        %swap3A_623 = arith.constant 80 : index
        %swap3A_624 = tpu.vector_load %arg11[%swap3A_622, %swap3A_623] {strides = array<i32>} : memref<128x128xf32, #tpu.memory_space<vmem>>, vector<1x16xf32>,
        %swap3A_625 = vector.shape_cast %swap3A_624 : vector<1x16xf32> to vector<16xf32>
        %swap3A_626 = vector.shape_cast %add3A_621 : vector<16xf32> to vector<1x16xf32>
        tpu.vector_store %arg11[%swap3A_622, %swap3A_623], %swap3A_626 {strides = array<i32>} : memref<128x128xf32, #tpu.memory_space<vmem>>, vector<1x16xf32>,
        %get3A_627 = arith.index_cast %add3A_566 : i32 to index
        %get3A_628 = arith.constant 96 : index
        %get3A_629 = tpu.vector_load %arg11[%get3A_627, %get3A_628] {strides = array<i32>} : memref<128x128xf32, #tpu.memory_space<vmem>>, vector<1x16xf32>,
        %get3A_630 = vector.shape_cast %get3A_629 : vector<1x16xf32> to vector<16xf32>
        %add3A_631 = arith.addf %get3A_630, %get3A_285 : vector<16xf32>
        %swap3A_632 = arith.index_cast %add3A_566 : i32 to index
        %swap3A_633 = arith.constant 96 : index
        %swap3A_634 = tpu.vector_load %arg11[%swap3A_632, %swap3A_633] {strides = array<i32>} : memref<128x128xf32, #tpu.memory_space<vmem>>, vector<1x16xf32>,
        %swap3A_635 = vector.shape_cast %swap3A_634 : vector<1x16xf32> to vector<16xf32>
        %swap3A_636 = vector.shape_cast %add3A_631 : vector<16xf32> to vector<1x16xf32>
        tpu.vector_store %arg11[%swap3A_632, %swap3A_633], %swap3A_636 {strides = array<i32>} : memref<128x128xf32, #tpu.memory_space<vmem>>, vector<1x16xf32>,
        %get3A_637 = arith.index_cast %add3A_566 : i32 to index
        %get3A_638 = arith.constant 112 : index
        %get3A_639 = tpu.vector_load %arg11[%get3A_637, %get3A_638] {strides = array<i32>} : memref<128x128xf32, #tpu.memory_space<vmem>>, vector<1x16xf32>,
        %get3A_640 = vector.shape_cast %get3A_639 : vector<1x16xf32> to vector<16xf32>
        %add3A_641 = arith.addf %get3A_640, %get3A_289 : vector<16xf32>
        %swap3A_642 = arith.index_cast %add3A_566 : i32 to index
        %swap3A_643 = arith.constant 112 : index
        %swap3A_644 = tpu.vector_load %arg11[%swap3A_642, %swap3A_643] {strides = array<i32>} : memref<128x128xf32, #tpu.memory_space<vmem>>, vector<1x16xf32>,
        %swap3A_645 = vector.shape_cast %swap3A_644 : vector<1x16xf32> to vector<16xf32>
        %swap3A_646 = vector.shape_cast %add3A_641 : vector<16xf32> to vector<1x16xf32>
        tpu.vector_store %arg11[%swap3A_642, %swap3A_643], %swap3A_646 {strides = array<i32>} : memref<128x128xf32, #tpu.memory_space<vmem>>, vector<1x16xf32>,
      }
      %scan3A_295 = arith.constant 32 : i32
      %dma_start3A_296 = arith.constant 0 : i32
      %dma_start3A_297 = tpu.memref_slice %arg5[%mul3A_2, %add3A_251, %dma_start3A_296] : memref<4096x200x128xf32, #tpu.memory_space<hbm>> -> memref<128x1x128xf32, #tpu.memory_space<hbm>>
      %dma_start3A_298 = tpu.memref_squeeze %dma_start3A_297 : memref<128x1x128xf32, #tpu.memory_space<hbm>> -> memref<128x128xf32, #tpu.memory_space<hbm>>
      %dma_start3A_299 = arith.constant 0 : i32
      %dma_start3A_300 = tpu.memref_slice %arg5[%mul3A_2, %add3A_251, %dma_start3A_299] : memref<4096x200x128xf32, #tpu.memory_space<hbm>> -> memref<128x1x128xf32, #tpu.memory_space<hbm>>
      %dma_start3A_301 = tpu.memref_squeeze %dma_start3A_300 : memref<128x1x128xf32, #tpu.memory_space<hbm>> -> memref<128x128xf32, #tpu.memory_space<hbm>>
      tpu.enqueue_dma source(%arg11 : memref<128x128xf32, #tpu.memory_space<vmem>>) target(%dma_start3A_301 : memref<128x128xf32, #tpu.memory_space<hbm>>) target_semaphore(%arg19 : memref<!tpu.dma_semaphore, #tpu.memory_space<semaphore_mem>>)
      %add3A_302 = arith.constant 4 : i32
      %add3A_303 = arith.addi %add3A_251, %add3A_302 : i32
      %sub3A_304 = arith.constant 1 : i32
      %sub3A_305 = arith.subi %add3A_303, %sub3A_304 : i32
      %lt3A_306 = arith.constant 200 : i32
      %lt3A_307 = arith.cmpi slt, %sub3A_305, %lt3A_306 : i32
      %convert_element_type3A_308 = arith.extui %lt3A_307 : i1 to i32
      %cond3A_309 = arith.constant 0 : i32
      %cond3A_310 = arith.cmpi ne, %convert_element_type3A_308, %cond3A_309 : i32
      scf.if %cond3A_310 {
        %gt3A = arith.constant 0 : i32
        %gt3A_311 = arith.cmpi sgt, %add3A_251, %gt3A : i32
        %convert_element_type3A_312 = arith.extui %gt3A_311 : i1 to i32
        %cond3A_313 = arith.constant 0 : i32
        %cond3A_314 = arith.cmpi ne, %convert_element_type3A_312, %cond3A_313 : i32
        scf.if %cond3A_314 {
          %dma_wait3A_325 = arith.constant 0 : i32
          %dma_wait3A_326 = arith.constant 0 : i32
          %dma_wait3A_327 = arith.constant 0 : i32
          %dma_wait3A_328 = tpu.memref_slice %arg5[%dma_wait3A_326, %dma_wait3A_325, %dma_wait3A_327] : memref<4096x200x128xf32, #tpu.memory_space<hbm>> -> memref<128x1x128xf32, #tpu.memory_space<hbm>>
          %dma_wait3A_329 = tpu.memref_squeeze %dma_wait3A_328 : memref<128x1x128xf32, #tpu.memory_space<hbm>> -> memref<128x128xf32, #tpu.memory_space<hbm>>
          %dma_wait3A_330 = arith.constant 0 : i32
          %dma_wait3A_331 = arith.constant 0 : i32
          %dma_wait3A_332 = tpu.memref_slice %arg5[%dma_wait3A_330, %dma_wait3A_325, %dma_wait3A_331] : memref<4096x200x128xf32, #tpu.memory_space<hbm>> -> memref<128x1x128xf32, #tpu.memory_space<hbm>>
          %dma_wait3A_333 = tpu.memref_squeeze %dma_wait3A_332 : memref<128x1x128xf32, #tpu.memory_space<hbm>> -> memref<128x128xf32, #tpu.memory_space<hbm>>
          tpu.wait_dma2 semaphore(%arg18 : memref<!tpu.dma_semaphore, #tpu.memory_space<semaphore_mem>>) src(%arg10 : memref<128x128xf32, #tpu.memory_space<vmem>>) dst(%dma_wait3A_333 : memref<128x128xf32, #tpu.memory_space<hbm>>)
        } else {
        }
        %add3A_315 = arith.constant 4 : i32
        %add3A_316 = arith.addi %add3A_251, %add3A_315 : i32
        %sub3A_317 = arith.constant 1 : i32
        %sub3A_318 = arith.subi %add3A_316, %sub3A_317 : i32
        %dma_start3A_319 = arith.constant 0 : i32
        %dma_start3A_320 = tpu.memref_slice %arg6[%sub3A_318, %dma_start3A_319] : memref<200x128xi32, #tpu.memory_space<vmem>> -> memref<1x128xi32, #tpu.memory_space<vmem>>
        %dma_start3A_321 = tpu.memref_squeeze %dma_start3A_320 : memref<1x128xi32, #tpu.memory_space<vmem>> -> memref<128xi32, #tpu.memory_space<vmem>>
        %dma_start3A_322 = arith.constant 0 : i32
        %dma_start3A_323 = arith.constant 0 : i32
        %dma_start3A_324 = tpu.memref_slice %arg3[%dma_start3A_322, %dma_start3A_323] : memref<100000x128xf32, #tpu.memory_space<hbm>> -> memref<100000x128xf32, #tpu.memory_space<hbm>>
        tpu.enqueue_indirect_dma source(%dma_start3A_324 : memref<100000x128xf32, #tpu.memory_space<hbm>>) target(%arg10 : memref<128x128xf32, #tpu.memory_space<vmem>>) offsets(%dma_start3A_321 : memref<128xi32, #tpu.memory_space<vmem>>) semaphore(%arg14 : memref<!tpu.dma_semaphore, #tpu.memory_space<semaphore_mem>>)
      } else {
      }
    }
    %scan3A_27 = arith.constant 50 : i32
    %dma_wait3A = arith.constant 0 : i32
    %dma_wait3A_28 = arith.constant 0 : i32
    %dma_wait3A_29 = arith.constant 0 : i32
    %dma_wait3A_30 = tpu.memref_slice %arg5[%dma_wait3A_28, %dma_wait3A, %dma_wait3A_29] : memref<4096x200x128xf32, #tpu.memory_space<hbm>> -> memref<128x1x128xf32, #tpu.memory_space<hbm>>
    %dma_wait3A_31 = tpu.memref_squeeze %dma_wait3A_30 : memref<128x1x128xf32, #tpu.memory_space<hbm>> -> memref<128x128xf32, #tpu.memory_space<hbm>>
    %dma_wait3A_32 = arith.constant 0 : i32
    %dma_wait3A_33 = arith.constant 0 : i32
    %dma_wait3A_34 = tpu.memref_slice %arg5[%dma_wait3A_32, %dma_wait3A, %dma_wait3A_33] : memref<4096x200x128xf32, #tpu.memory_space<hbm>> -> memref<128x1x128xf32, #tpu.memory_space<hbm>>
    %dma_wait3A_35 = tpu.memref_squeeze %dma_wait3A_34 : memref<128x1x128xf32, #tpu.memory_space<hbm>> -> memref<128x128xf32, #tpu.memory_space<hbm>>
    tpu.wait_dma2 semaphore(%arg16 : memref<!tpu.dma_semaphore, #tpu.memory_space<semaphore_mem>>) src(%arg8 : memref<128x128xf32, #tpu.memory_space<vmem>>) dst(%dma_wait3A_35 : memref<128x128xf32, #tpu.memory_space<hbm>>)
    %dma_wait3A_36 = arith.constant 0 : i32
    %dma_wait3A_37 = arith.constant 0 : i32
    %dma_wait3A_38 = arith.constant 0 : i32
    %dma_wait3A_39 = tpu.memref_slice %arg5[%dma_wait3A_37, %dma_wait3A_36, %dma_wait3A_38] : memref<4096x200x128xf32, #tpu.memory_space<hbm>> -> memref<128x1x128xf32, #tpu.memory_space<hbm>>
    %dma_wait3A_40 = tpu.memref_squeeze %dma_wait3A_39 : memref<128x1x128xf32, #tpu.memory_space<hbm>> -> memref<128x128xf32, #tpu.memory_space<hbm>>
    %dma_wait3A_41 = arith.constant 0 : i32
    %dma_wait3A_42 = arith.constant 0 : i32
    %dma_wait3A_43 = tpu.memref_slice %arg5[%dma_wait3A_41, %dma_wait3A_36, %dma_wait3A_42] : memref<4096x200x128xf32, #tpu.memory_space<hbm>> -> memref<128x1x128xf32, #tpu.memory_space<hbm>>
    %dma_wait3A_44 = tpu.memref_squeeze %dma_wait3A_43 : memref<128x1x128xf32, #tpu.memory_space<hbm>> -> memref<128x128xf32, #tpu.memory_space<hbm>>
    tpu.wait_dma2 semaphore(%arg17 : memref<!tpu.dma_semaphore, #tpu.memory_space<semaphore_mem>>) src(%arg9 : memref<128x128xf32, #tpu.memory_space<vmem>>) dst(%dma_wait3A_44 : memref<128x128xf32, #tpu.memory_space<hbm>>)
    %dma_wait3A_45 = arith.constant 0 : i32
    %dma_wait3A_46 = arith.constant 0 : i32
    %dma_wait3A_47 = arith.constant 0 : i32
    %dma_wait3A_48 = tpu.memref_slice %arg5[%dma_wait3A_46, %dma_wait3A_45, %dma_wait3A_47] : memref<4096x200x128xf32, #tpu.memory_space<hbm>> -> memref<128x1x128xf32, #tpu.memory_space<hbm>>
    %dma_wait3A_49 = tpu.memref_squeeze %dma_wait3A_48 : memref<128x1x128xf32, #tpu.memory_space<hbm>> -> memref<128x128xf32, #tpu.memory_space<hbm>>
    %dma_wait3A_50 = arith.constant 0 : i32
    %dma_wait3A_51 = arith.constant 0 : i32
    %dma_wait3A_52 = tpu.memref_slice %arg5[%dma_wait3A_50, %dma_wait3A_45, %dma_wait3A_51] : memref<4096x200x128xf32, #tpu.memory_space<hbm>> -> memref<128x1x128xf32, #tpu.memory_space<hbm>>
    %dma_wait3A_53 = tpu.memref_squeeze %dma_wait3A_52 : memref<128x1x128xf32, #tpu.memory_space<hbm>> -> memref<128x128xf32, #tpu.memory_space<hbm>>
    tpu.wait_dma2 semaphore(%arg18 : memref<!tpu.dma_semaphore, #tpu.memory_space<semaphore_mem>>) src(%arg10 : memref<128x128xf32, #tpu.memory_space<vmem>>) dst(%dma_wait3A_53 : memref<128x128xf32, #tpu.memory_space<hbm>>)
    %dma_wait3A_54 = arith.constant 0 : i32
    %dma_wait3A_55 = arith.constant 0 : i32
    %dma_wait3A_56 = arith.constant 0 : i32
    %dma_wait3A_57 = tpu.memref_slice %arg5[%dma_wait3A_55, %dma_wait3A_54, %dma_wait3A_56] : memref<4096x200x128xf32, #tpu.memory_space<hbm>> -> memref<128x1x128xf32, #tpu.memory_space<hbm>>
    %dma_wait3A_58 = tpu.memref_squeeze %dma_wait3A_57 : memref<128x1x128xf32, #tpu.memory_space<hbm>> -> memref<128x128xf32, #tpu.memory_space<hbm>>
    %dma_wait3A_59 = arith.constant 0 : i32
    %dma_wait3A_60 = arith.constant 0 : i32
    %dma_wait3A_61 = tpu.memref_slice %arg5[%dma_wait3A_59, %dma_wait3A_54, %dma_wait3A_60] : memref<4096x200x128xf32, #tpu.memory_space<hbm>> -> memref<128x1x128xf32, #tpu.memory_space<hbm>>
    %dma_wait3A_62 = tpu.memref_squeeze %dma_wait3A_61 : memref<128x1x128xf32, #tpu.memory_space<hbm>> -> memref<128x128xf32, #tpu.memory_space<hbm>>
    tpu.wait_dma2 semaphore(%arg19 : memref<!tpu.dma_semaphore, #tpu.memory_space<semaphore_mem>>) src(%arg11 : memref<128x128xf32, #tpu.memory_space<vmem>>) dst(%dma_wait3A_62 : memref<128x128xf32, #tpu.memory_space<hbm>>)
    return
  }
}

</mosaic_0001>

<sc_bundles>
// kernel: _emb_call.3.cloned.1.call-start
scs
__scs_entry_jumppad:
0x0: {  	(pc) =	sbr.rel $0x88, $3  }
0x1: {  	(tag) =	ssettag $0x0;
	lr =	simm.s32 $0x1  }
0x2: {  	[smem:$0x3F9E] =	sst lr;
	_ =	strace $0xD0000000  }
0x3: {  	_ = 	snop  }
0x4: {  	_ = 	snop  }
0x5: {  	_ = 	snop  }
0x6: {  	_ = 	snop  }
0x7: {  	_ = 	snop  }
__scs_overlays_trampoline_lowered:
0x8: {  	[smem:$0x3FAD] =	sst s0  }
0x9: {  	[smem:$0x3FAE] =	sst s1  }
0xa: {  	[smem:$0x3FAF] =	sst s2  }
0xb: {  	[smem:$0x3FB0] =	sst s3  }
0xc: {  	[smem:$0x3FB1] =	sst s4  }
0xd: {  	[smem:$0x3FB2] =	sst s5  }
0xe: {  	[smem:$0x3FB3] =	sst s6  }
0xf: {  	[smem:$0x3FB4] =	sst s7  }
0x10: {  	[smem:$0x3FB5] =	sst s8  }
0x11: {  	[smem:$0x3FB6] =	sst s9;
	s0 =	simm.s32 @!p0 $0x0  }
0x12: {  	s1 =	sld [smem:$0x3F9C];
	s0 =	simm.s32 @p0 $0x1  }
0x13: {  	[smem:$0x3FB7] =	sst s0;
	s0 =	simm.s32 @!p1 $0x0  }
0x14: {  	s2 =	sld [smem:$0x3F9B];
	s0 =	simm.s32 @p1 $0x1  }
0x15: {  	[smem:$0x3FB8] =	sst s0;
	s0 =	simm.s32 @!p2 $0x0  }
0x16: {  	s3 =	sld [smem:$0x3FDB];
	s0 =	simm.s32 @p2 $0x1  }
0x17: {  	s4 =	simm.s32 $0x1BF5;
	[smem:$0x3FBA] =	sst s0  }
0x18: {  	s0 =	sld [smem:$0x3F9D];
	_ =	swait.ge [sflag:s4], $0x0  }
0x19: {  	s7 =	sld [smem:$0x3F9E]  }
0x1a: {  	s8 =	sadd.s32 $0xFFFFE003, lr  }
0x1b: {  	s9 =	sadd.s32 $0xFFFFFEF7, lr;
	s5 =	simm.s32 $0xFFFFFFFF;
	p2 =	slt.u32 s8, $0xFFFFF086  }
0x1c: {  	p1 =	slt.u32 s9, $0xF7A;
	s5 =	simm.s32 @!p2 $0x0  }
0x1d: {  	s5 =	simm.s32 @p1 $0x1;
	p0 =	seq.s32 s7, s2  }
0x1e: {  	s7 =	smul.u32 @!p0 $0xF7A, s2;
	p2 =	seq.s32 @!p0 s5, $0x0  }
0x1f: {  	s9 =	smul.u32 $0xF7A, s1;
	s8 =	simm.s32 @!p0 $0x1BF5;
	p2 =	por !p2, p0  }
0x20: {  	[sflag:s8] =	ssyncset.s32 @!p0 $0xFFFFF086;
	s6 =	sadd.s32 @!p0 s3, s7;
	s7 =	simm.s32 @!p0 $0x108  }
0x21: {  	s3 =	sadd.s32 s3, s9;
	s6 =	sadd.s32 @!p0 $0x88, s6;
	s7 =	simm.s32 @p2 $0x1082  }
0x22: {  	[simem:s7], [sflag:s8] =	dma.local @!p0 [hbm:s6], $0xF7A  }
0x23: {  	s9 =	sor.u32 $0xD0000000, s2;
	s6 =	simm.s32 $0x108;
	_ =	swait.ge @!p0 [sflag:s8], $0x0  }
0x24: {  	s3 =	sadd.s32 $0x88, s3;
	s6 =	simm.s32 @!p1 $0x1082;
	[sflag:s4] =	ssyncset.s32 $0xFFFFF086  }
0x25: {  	[simem:s6], [sflag:s4] =	dma.local [hbm:s3], $0xF7A  }
0x26: {  	[smem:$0x3F9E] =	sst s1;
	(tag) =	ssettag s2;
	_ =	strace s9  }
0x27: {  	s1 =	sld [smem:$0x3FAE]  }
0x28: {  	s2 =	sld [smem:$0x3FAF]  }
0x29: {  	s4 =	sld [smem:$0x3FB1]  }
0x2a: {  	p0 =	seq.s32 s5, $0x0;
	s5 =	sld [smem:$0x3FB2]  }
0x2b: {  	s6 =	sld [smem:$0x3FB3]  }
0x2c: {  	s7 =	sld [smem:$0x3FB4]  }
0x2d: {  	s3 =	simm.s32 $0x108;
	s8 =	sld [smem:$0x3FB5]  }
0x2e: {  	s3 =	simm.s32 @!p0 $0x1082;
	s9 =	sld [smem:$0x3FB6]  }
0x2f: {  	lr =	sadd.s32 s0, s3;
	s0 =	sld [smem:$0x3FAD]  }
0x30: {  	s3 =	sld [smem:$0x3FB0]  }
0x31: {  	[smem:$0x3FB9] =	sst s10  }
0x32: {  	s10 =	sld [smem:$0x3FB7];
	_ =	sdelay $0x3  }
0x33: {  	p0 =	seq.s32 s10, $0x1;
	s10 =	sld [smem:$0x3FB9];
	_ =	sdelay $0x3  }
0x34: {  	[smem:$0x3FB9] =	sst s10  }
0x35: {  	s10 =	sld [smem:$0x3FB8];
	_ =	sdelay $0x3  }
0x36: {  	p1 =	seq.s32 s10, $0x1;
	s10 =	sld [smem:$0x3FB9];
	_ =	sdelay $0x3  }
0x37: {  	[smem:$0x3FB9] =	sst s10  }
0x38: {  	s10 =	sld [smem:$0x3FBA]  }
0x39: {  	_ = 	snop;
	(pc) =	sbr.ind lr, $3  }
0x3a: {  	_ = 	snop  }
0x3b: {  	_ = 	snop  }
0x3c: {  	p2 =	seq.s32 s10, $0x1;
	s10 =	sld [smem:$0x3FB9]  }
0x3d: {  	_ =	shalt  }
0x3e: {  	_ =	shalt  }
0x3f: {  	_ =	shalt  }
0x40: {  	_ =	shalt  }
0x41: {  	_ =	shalt  }
0x42: {  	_ =	shalt  }
0x43: {  	_ =	shalt  }
0x44: {  	_ =	shalt  }
0x45: {  	_ =	shalt  }
0x46: {  	_ =	shalt  }
0x47: {  	_ =	shalt  }
0x48: {  	_ =	shalt  }
0x49: {  	_ =	shalt  }
0x4a: {  	_ =	shalt  }
0x4b: {  	_ =	shalt  }
0x4c: {  	_ =	shalt  }
0x4d: {  	_ =	shalt  }
0x4e: {  	_ =	shalt  }
0x4f: {  	_ =	shalt  }
0x50: {  	_ =	shalt  }
0x51: {  	_ =	shalt  }
0x52: {  	_ =	shalt  }
0x53: {  	_ =	shalt  }
0x54: {  	_ =	shalt  }
0x55: {  	_ =	shalt  }
0x56: {  	_ =	shalt  }
0x57: {  	_ =	shalt  }
0x58: {  	_ =	shalt  }
0x59: {  	_ =	shalt  }
0x5a: {  	_ =	shalt  }
0x5b: {  	_ =	shalt  }
0x5c: {  	_ =	shalt  }
0x5d: {  	_ =	shalt  }
0x5e: {  	_ =	shalt  }
0x5f: {  	_ =	shalt  }
0x60: {  	_ =	shalt  }
0x61: {  	_ =	shalt  }
0x62: {  	_ =	shalt  }
0x63: {  	_ =	shalt  }
0x64: {  	_ =	shalt  }
0x65: {  	_ =	shalt  }
0x66: {  	_ =	shalt  }
0x67: {  	_ =	shalt  }
0x68: {  	_ =	shalt  }
0x69: {  	_ =	shalt  }
0x6a: {  	_ =	shalt  }
0x6b: {  	_ =	shalt  }
0x6c: {  	_ =	shalt  }
0x6d: {  	_ =	shalt  }
0x6e: {  	_ =	shalt  }
0x6f: {  	_ =	shalt  }
0x70: {  	_ =	shalt  }
0x71: {  	_ =	shalt  }
0x72: {  	_ =	shalt  }
0x73: {  	_ =	shalt  }
0x74: {  	_ =	shalt  }
0x75: {  	_ =	shalt  }
0x76: {  	_ =	shalt  }
0x77: {  	_ =	shalt  }
0x78: {  	_ =	shalt  }
0x79: {  	_ =	shalt  }
0x7a: {  	_ =	shalt  }
0x7b: {  	_ =	shalt  }
0x7c: {  	_ =	shalt  }
0x7d: {  	_ =	shalt  }
0x7e: {  	_ =	shalt  }
0x7f: {  	_ =	shalt  }
0x80: {  	_ =	shalt  }
0x81: {  	_ =	shalt  }
0x82: {  	_ =	shalt  }
0x83: {  	_ =	shalt  }
0x84: {  	_ =	shalt  }
0x85: {  	_ =	shalt  }
0x86: {  	_ =	shalt  }
0x87: {  	_ =	shalt  }
.Lfunc_end0:
.L_simem_size_0:
called_computation_lowered:
.L_overlay_start_0:
0x88: {  	s2 =	sld [smem:$0x3FD9]  }
0x89: {  	s3 =	sld [smem:$0x3FFE];
	_ =	sdelay $0x1  }
0x8a: {  	s1 =	srdreg.scid  }
0x8b: {  	s0 =	sand.u32 $0x1, s1  }
0x8c: {  	s18 =	sshll.u32 s0, $0xA;
	s2 =	sadd.s32 s3, s2  }
0x8d: {  	s2 =	sadd.s32 s2, s18  }
0x8e: {  	[smem:$0x3FC5] =	sst s2  }
0x8f: {  	_ = 	snop  }
0x90: {  	s2 =	sld [smem:$0x3FC9]  }
0x91: {  	s19 =	sld [smem:$0x3FC8]  }
0x92: {  	s4 =	sld [smem:$0x3FC7]  }
0x93: {  	s5 =	sld [smem:$0x3FD0];
	(tm) =	ssettm $0x1  }
0x94: {  	s6 =	sld [smem:$0x3FFB];
	_ =	sdelay $0x3  }
0x95: {  	_ =	strace s6  }
0x96: {  	s6 =	sld [smem:$0x3FFC];
	_ =	sdelay $0x3  }
0x97: {  	_ =	strace s6  }
0x98: {  	s6 =	sld [smem:$0x3FFD];
	_ =	sdelay $0x3  }
0x99: {  	_ =	strace s6  }
0x9a: {  	_ =	strace $0x8FFFFFFF  }
0x9b: {  	s20 =	sld [smem:$0x3FDB];
	_ =	sdelay $0x1  }
0x9c: {  	s7 =	simm.s32 $_scs_section_size  }
0x9d: {  	s8 =	simm.s32 $_size__tile_overlayer_lowered;
	s9 =	simm.s32 $_tile_overlayer_lowered  }
0x9e: {  	s23 =	simm.s32 $0x1BFF;
	s22 =	sshll.u32 s9, $0x1;
	s6 =	sadd.s32 s7, s20  }
0x9f: {  	s10 =	simm.s32 $0x0;
	s21 =	sshll.u32 s8, $0x1;
	s8 =	sadd.s32 s22, s6  }
0xa0: {  	[timem:s10], [sflag:s23] =	dma.local [hbm:s8], s21  }
0xa1: {  	_ =	swait.ge [sflag:s23], s21  }
0xa2: {  	s7 =	ssub.s32 $0x0, s21;
	[sflag:s23] =	ssyncset.done $0x0  }
0xa3: {  	[sflag:s23] =	ssyncadd.s32 s7;
	_ =	sdelay $0x1  }
0xa4: {  	s24 =	simm.s32 $0x1B8B  }
0xa5: {  	_ =	swait.ge [sflag:s24], $0x1  }
0xa6: {  	[sflag:s24] =	ssyncset.done $0x0  }
0xa7: {  	s25 =	simm.s32 $0x1B8E;
	[sflag:s24] =	ssyncadd.s32 $0xFFFFFFFF  }
0xa8: {  	s26 =	simm.s32 $execute0_lowered;
	[smem:$0x3FD2] =	sst s25  }
0xa9: {  	s7 =	sshll.u32 s26, $0x1;
	_ =	strace $0x80000046;
	[dreg:$0x1] =	wrdreg $0xFFFFFFFF  }
0xaa: {  	s28 =	simm.s32 $_size_execute0_lowered;
	s6 =	sadd.s32 s6, s7;
	[dreg:$0x0] =	wrdreg $0x0  }
0xab: {  	s7 =	sshll.u32 s28, $0x1;
	[dreg:$0x2] =	wrdreg s6  }
0xac: {  	[dreg:$0x3] =	wrdreg s7  }
0xad: {  	[dreg:$0x4] =	wrdreg $0xC0  }
0xae: {  	_ =	task [dreg:s10], $0x5FFFF  }
0xaf: {  	[dreg:$0x1] =	wrdreg $0xFFFFFFFF  }
0xb0: {  	[dreg:$0x0] =	wrdreg $0x60  }
0xb1: {  	[dreg:$0x2] =	wrdreg s2  }
0xb2: {  	[dreg:$0x3] =	wrdreg s19  }
0xb3: {  	[dreg:$0x4] =	wrdreg s4  }
0xb4: {  	[dreg:$0x5] =	wrdreg s5  }
0xb5: {  	[dreg:$0x6] =	wrdreg $0x9  }
0xb6: {  	_ =	task.clear_ibuf [dreg:s10], $0x7FFFF;
	_ =	strace $0x90000046  }
0xb7: {  	s29 =	simm.s32 $0x9;
	_ =	strace $0x80000048  }
0xb8: {  	_ =	swait.ge [sflag:s29], $0x1  }
0xb9: {  	[sflag:s29] =	ssyncadd.s32 $0xFFFFFFFF  }
0xba: {  	_ =	strace $0x90000048  }
0xbb: {  	_ =	sfence  }
0xbc: {  	s30 =	sld [smem:$0x0];
	_ =	sdelay $0x2  }
0xbd: {  	s31 =	sshll.u32 s1, $0xD;
	s1 =	sshrl.u32 s1, $0x2  }
0xbe: {  	s3 =	sand.u32 $0x4000, s31;
	s1 =	sadd.s32 s1, s30  }
0xbf: {  	s0 =	sor.u32 s3, s0;
	s1 =	sshll.u32 s1, $0x11  }
0xc0: {  	s0 =	sor.u32 s1, s0  }
0xc1: {  	s0 =	sadd.s32 $0x8F2B, s0  }
0xc2: {  	[sflag:s0] =	ssyncadd.remote.s32 $0x1  }
0xc3: {  	_ =	sfence.sel $0xFFFF  }
0xc4: {  	[dreg:$0x0] =	wrdreg $0xFFFFFFFF;
	(pc) =	sbr.abs _section_cstart, $3  }
0xc5: {  	[dreg:$0x1] =	wrdreg $0xFFFFFFFF  }
0xc6: {  	_ =	task.clear_ibuf [dreg:s10], $0x2FFFF;
	_ =	strace $0x9FFFFFFF  }
0xc7: {  	(tm) =	ssettm $0x7FFFFFFF  }
tec
execute0_lowered:
.L_overlay_start_1:
0x0: {  	(tag) =	ssettag $0x1  }
0x1: {  	s0 =	rddreg [dreg:$0x0]  }
0x2: {  	s2 =	rddreg [dreg:$0x1]  }
0x3: {  	s4 =	rddreg [dreg:$0x3]  }
0x4: {  	s1 =	srdreg.scid;
	s3 =	stileid.u32  }
0x5: {  	s5 =	simm.s32 $0x0;
	s11 =	simm.s32 $0x9;
	s12 =	simm.s32 $0x6400  }
0x6: {  	s13 =	simm.s32 $0x80;
	s14 =	simm.s32 $0xC800;
	s15 =	simm.s32 $0x10800  }
0x7: {  	s17 =	simm.s32 $0x14800;
	s18 =	simm.s32 $0x1;
	s19 =	simm.s32 $0x18800  }
0x8: {  	s20 =	simm.s32 $0x2;
	s21 =	simm.s32 $0x3;
	s22 =	simm.s32 $0x4  }
0x9: {  	s23 =	simm.s32 $0x5;
	s24 =	simm.s32 $0x6;
	s25 =	simm.s32 $0x7  }
.Ltmp0:
0xa: {  	s26 =	simm.s32 $0x8;
	s1 =	sand.u32 $0x1, s1;
	(pc) =	sbr.rel .LBB2_1-.Ltmp0, $4  }
0xb: {  	s28 =	simm.s32 $0x0;
	s3 =	sshll.u32 s3, $0x1;
	s6 =	ssub.s32 $0x2, s1  }
0xc: {  	[smem:$0x7FF] =	sst s5;
	s1 =	sor.u32 s1, s3;
	s31 =	sshrl.u32 s6, $0x1  }
0xd: {  	_ =	strace $0x80000047;
	s7 =	sshll.u32 s1, $0x7;
	s3 =	ssub.s32 s6, s31  }
0xe: {  	s6 =	sadd.s32 s0, s7;
	s7 =	smul.u32 $0x320000, s1;
	s8 =	smax.u32 s3, $0x1  }
.LBB2_12:
0xf: {  	_ =	swait.ge [sflag:s23], $0x4000  }
0x10: {  	[sflag:s23] =	ssyncset.done $0x0  }
0x11: {  	[sflag:s23] =	ssyncadd.s32 $0xFFFFC000  }
0x12: {  	_ =	swait.ge [sflag:s24], $0x4000  }
0x13: {  	[sflag:s24] =	ssyncset.done $0x0  }
0x14: {  	s28 =	sadd.s32 $0x1, s28;
	[sflag:s24] =	ssyncadd.s32 $0xFFFFC000  }
0x15: {  	p0 =	sne.s32 s28, s8;
	_ =	swait.ge [sflag:s25], $0x4000  }
.Ltmp1:
0x16: {  	[sflag:s25] =	ssyncset.done $0x0;
	(pc) =	sbr.rel @!p0 .LBB2_13-.Ltmp1, $4  }
0x17: {  	[sflag:s25] =	ssyncadd.s32 $0xFFFFC000  }
0x18: {  	_ =	swait.ge [sflag:s26], $0x4000  }
0x19: {  	[sflag:s26] =	ssyncset.done $0x0  }
0x1a: {  	[sflag:s26] =	ssyncadd.s32 $0xFFFFC000  }
.LBB2_1:
0x1b: {  	s0 =	simm.s32 $0x400;
	s1 =	simm.s32 $0x8000  }
0x1c: {  	[tilespmem:s5], [sflag:$0x9] =	stream.strided.gather [hbm4b:s6+s0], $0x6400, s1, s0, $0x38;
	[tilespmem:$0x1C800] =	vst v63  }
0x1d: {  	_ =	swait.ge [sflag:s11], $0x6400  }
0x1e: {  	[sflag:s11] =	ssyncset.done $0x0  }
0x1f: {  	[sflag:s11] =	ssyncadd.s32 $0xFFFF9C00  }
0x20: {  	s30 =	rddreg [dreg:$0x2]  }
0x21: {  	[tilespmem:s12], [sflag:$0x9] =	stream.linear.gather [hbm4b:s30+s5], $0x6400, $0x38;
	[tilespmem:$0x1C800] =	vst v63  }
0x22: {  	_ =	swait.ge [sflag:s11], $0x6400  }
0x23: {  	[sflag:s11] =	ssyncset.done $0x0  }
0x24: {  	[sflag:s11] =	ssyncadd.s32 $0xFFFF9C00  }
0x25: {  	[tilespmem:s14], [sflag:$0x1] =	stream.indirect.gather [hbm4b:s2+s13], $0x80, s5, s13, $0xb8;
	[tilespmem:$0x1C800] =	vst v63  }
0x26: {  	_ = 	snop  }
0x27: {  	[tilespmem:s15], [sflag:$0x2] =	stream.indirect.gather [hbm4b:s2+s13], $0x80, s13, s13, $0xb8;
	[tilespmem:$0x1C800] =	vst v63  }
0x28: {  	s31 =	simm.s32 $0x100;
	s29 =	simm.s32 $0x0  }
0x29: {  	[tilespmem:s17], [sflag:$0x3] =	stream.indirect.gather [hbm4b:s2+s13], $0x80, s31, s13, $0xb8;
	[tilespmem:$0x1C800] =	vst v63  }
.LBB2_2:
0x2a: {  	_ =	swait.ge [sflag:s18], $0x4000  }
0x2b: {  	[sflag:s18] =	ssyncset.done $0x0  }
0x2c: {  	s30 =	sshll.u32 s29, $0x9;
	[sflag:s18] =	ssyncadd.s32 $0xFFFFC000  }
0x2d: {  	v6 =	vld [tilespmem:s30+$0x6400]  }
0x2e: {  	v7 =	vld [tilespmem:s30+$0x6410]  }
0x2f: {  	v5 =	vld [tilespmem:s30+$0x6420]  }
0x30: {  	v4 =	vld [tilespmem:s30+$0x6430]  }
0x31: {  	v3 =	vld [tilespmem:s30+$0x6440]  }
0x32: {  	v2 =	vld [tilespmem:s30+$0x6450]  }
0x33: {  	v1 =	vld [tilespmem:s30+$0x6460]  }
0x34: {  	s0 =	simm.s32 $0x0;
	v0 =	vld [tilespmem:s30+$0x6470]  }
0x35: {  	v8 =	vld [tilespmem:s0+$0xC800]  }
0x36: {  	v9 =	vld [tilespmem:s0+$0xC810]  }
0x37: {  	v10 =	vld [tilespmem:s0+$0xC820]  }
0x38: {  	v11 =	vld [tilespmem:s0+$0xC830]  }
0x39: {  	v12 =	vld [tilespmem:s0+$0xC840]  }
0x3a: {  	v13 =	vld [tilespmem:s0+$0xC850];
	v8 =	vadd.f32 v8, v6  }
0x3b: {  	v14 =	vld [tilespmem:s0+$0xC860];
	v9 =	vadd.f32 v9, v7  }
0x3c: {  	v10 =	vadd.f32 v10, v5;
	[tilespmem:s0+$0xC800] =	vst v8;
	v8 =	vld [tilespmem:s0+$0xC870]  }
0x3d: {  	v11 =	vadd.f32 v11, v4;
	[tilespmem:s0+$0xC810] =	vst v9;
	v9 =	vld [tilespmem:s0+$0xC880]  }
0x3e: {  	v12 =	vadd.f32 v12, v3;
	[tilespmem:s0+$0xC820] =	vst v10;
	v10 =	vld [tilespmem:s0+$0xC890]  }
0x3f: {  	v13 =	vadd.f32 v13, v2;
	[tilespmem:s0+$0xC830] =	vst v11;
	v11 =	vld [tilespmem:s0+$0xC8A0]  }
0x40: {  	v14 =	vadd.f32 v14, v1;
	[tilespmem:s0+$0xC840] =	vst v12;
	v12 =	vld [tilespmem:s0+$0xC8B0]  }
0x41: {  	[tilespmem:s0+$0xC850] =	vst v13;
	v13 =	vld [tilespmem:s0+$0xC8C0];
	v8 =	vadd.f32 v8, v0  }
0x42: {  	[tilespmem:s0+$0xC860] =	vst v14;
	v14 =	vld [tilespmem:s0+$0xC8D0];
	v9 =	vadd.f32 v9, v6  }
0x43: {  	v10 =	vadd.f32 v10, v7;
	[tilespmem:s0+$0xC870] =	vst v8;
	v8 =	vld [tilespmem:s0+$0xC8E0]  }
0x44: {  	v11 =	vadd.f32 v11, v5;
	[tilespmem:s0+$0xC880] =	vst v9;
	v9 =	vld [tilespmem:s0+$0xC8F0]  }
0x45: {  	v12 =	vadd.f32 v12, v4;
	[tilespmem:s0+$0xC890] =	vst v10;
	v10 =	vld [tilespmem:s0+$0xC900]  }
0x46: {  	v13 =	vadd.f32 v13, v3;
	[tilespmem:s0+$0xC8A0] =	vst v11;
	v11 =	vld [tilespmem:s0+$0xC910]  }
0x47: {  	v14 =	vadd.f32 v14, v2;
	[tilespmem:s0+$0xC8B0] =	vst v12;
	v12 =	vld [tilespmem:s0+$0xC920]  }
0x48: {  	[tilespmem:s0+$0xC8C0] =	vst v13;
	v13 =	vld [tilespmem:s0+$0xC930];
	v8 =	vadd.f32 v8, v1  }
0x49: {  	[tilespmem:s0+$0xC8D0] =	vst v14;
	v14 =	vld [tilespmem:s0+$0xC940]  }
0x4a: {  	v9 =	vadd.f32 v9, v0;
	[tilespmem:s0+$0xC8E0] =	vst v8;
	v8 =	vld [tilespmem:s0+$0xC950]  }
0x4b: {  	v10 =	vadd.f32 v10, v6  }
0x4c: {  	[tilespmem:s0+$0xC8F0] =	vst v9;
	v9 =	vadd.f32 v11, v7;
	v11 =	vld [tilespmem:s0+$0xC970]  }
0x4d: {  	v15 =	vld [tilespmem:s0+$0xC960];
	[tilespmem:s0+$0xC900] =	vst v10;
	v10 =	vadd.f32 v12, v5  }
0x4e: {  	v12 =	vld [tilespmem:s0+$0xC980];
	[tilespmem:s0+$0xC910] =	vst v9;
	v9 =	vadd.f32 v13, v4  }
0x4f: {  	[tilespmem:s0+$0xC920] =	vst v10;
	v13 =	vld [tilespmem:s0+$0xC990];
	v10 =	vadd.f32 v14, v3;
	v14 =	vadd.f32 v8, v2  }
0x50: {  	[tilespmem:s0+$0xC930] =	vst v9;
	v9 =	vld [tilespmem:s0+$0xC9A0]  }
0x51: {  	v8 =	vld [tilespmem:s0+$0xC9B0];
	[tilespmem:s0+$0xC950] =	vst v14;
	v14 =	vadd.f32 v11, v0  }
0x52: {  	v15 =	vadd.f32 v15, v1;
	[tilespmem:s0+$0xC940] =	vst v10;
	v10 =	vld [tilespmem:s0+$0xC9C0]  }
0x53: {  	v11 =	vld [tilespmem:s0+$0xC9D0];
	[tilespmem:s0+$0xC970] =	vst v14;
	v14 =	vadd.f32 v12, v6  }
0x54: {  	s1 =	simm.s32 $0x800;
	[tilespmem:s0+$0xC960] =	vst v15;
	v13 =	vadd.f32 v13, v7;
	v12 =	vld [tilespmem:s0+$0xC9E0]  }
.LBB2_3:
0x55: {  	s3 =	sshra.s32 s1, $0x2;
	p0 =	sne.s32 s1, $0xF800;
	[tilespmem:s0+$0xC980] =	vst v14;
	v9 =	vadd.f32 v9, v5;
	v14 =	vld [tilespmem:s0+$0xC9F0]  }
0x56: {  	v15 =	vld [tilespmem:s3+$0xC800];
	[tilespmem:s0+$0xC990] =	vst v13;
	v8 =	vadd.f32 v8, v4  }
0x57: {  	v13 =	vld [tilespmem:s3+$0xC810];
	[tilespmem:s0+$0xC9A0] =	vst v9;
	v9 =	vadd.f32 v10, v3  }
0x58: {  	v10 =	vld [tilespmem:s3+$0xC820];
	[tilespmem:s0+$0xC9B0] =	vst v8;
	v8 =	vadd.f32 v11, v2  }
0x59: {  	v11 =	vld [tilespmem:s3+$0xC830];
	[tilespmem:s0+$0xC9C0] =	vst v9;
	v9 =	vadd.f32 v12, v1  }
0x5a: {  	v12 =	vld [tilespmem:s3+$0xC840];
	[tilespmem:s0+$0xC9D0] =	vst v8;
	v8 =	vadd.f32 v14, v0  }
0x5b: {  	v14 =	vadd.f32 v15, v6;
	v15 =	vld [tilespmem:s3+$0xC850];
	[tilespmem:s0+$0xC9E0] =	vst v9  }
0x5c: {  	v9 =	vadd.f32 v13, v7;
	v13 =	vld [tilespmem:s3+$0xC860];
	[tilespmem:s0+$0xC9F0] =	vst v8;
	s0 =	smov.u32 s3  }
0x5d: {  	[tilespmem:s0+$0xC800] =	vst v14;
	v8 =	vadd.f32 v10, v5;
	v10 =	vld [tilespmem:s0+$0xC870]  }
0x5e: {  	[tilespmem:s0+$0xC810] =	vst v9;
	v9 =	vadd.f32 v11, v4;
	v11 =	vld [tilespmem:s0+$0xC880]  }
0x5f: {  	[tilespmem:s0+$0xC820] =	vst v8;
	v8 =	vadd.f32 v12, v3;
	v12 =	vld [tilespmem:s0+$0xC890]  }
0x60: {  	[tilespmem:s0+$0xC830] =	vst v9;
	v9 =	vadd.f32 v15, v2;
	v14 =	vld [tilespmem:s0+$0xC8A0]  }
0x61: {  	[tilespmem:s0+$0xC840] =	vst v8;
	v8 =	vadd.f32 v13, v1;
	v13 =	vld [tilespmem:s0+$0xC8B0]  }
0x62: {  	[tilespmem:s0+$0xC850] =	vst v9;
	v9 =	vadd.f32 v10, v0;
	v10 =	vld [tilespmem:s0+$0xC8C0]  }
0x63: {  	[tilespmem:s0+$0xC860] =	vst v8;
	v8 =	vadd.f32 v11, v6;
	v11 =	vld [tilespmem:s0+$0xC8D0]  }
0x64: {  	[tilespmem:s0+$0xC870] =	vst v9;
	v9 =	vadd.f32 v12, v7;
	v12 =	vld [tilespmem:s0+$0xC8E0]  }
0x65: {  	[tilespmem:s0+$0xC880] =	vst v8;
	v8 =	vadd.f32 v14, v5;
	v14 =	vld [tilespmem:s0+$0xC8F0]  }
0x66: {  	[tilespmem:s0+$0xC890] =	vst v9;
	v9 =	vadd.f32 v13, v4;
	v13 =	vld [tilespmem:s0+$0xC900]  }
0x67: {  	[tilespmem:s0+$0xC8A0] =	vst v8;
	v8 =	vadd.f32 v10, v3;
	v10 =	vld [tilespmem:s0+$0xC910]  }
0x68: {  	[tilespmem:s0+$0xC8B0] =	vst v9;
	v9 =	vadd.f32 v11, v2;
	v11 =	vld [tilespmem:s0+$0xC920]  }
0x69: {  	[tilespmem:s0+$0xC8C0] =	vst v8;
	v8 =	vadd.f32 v12, v1;
	v12 =	vld [tilespmem:s0+$0xC930]  }
0x6a: {  	[tilespmem:s0+$0xC8D0] =	vst v9;
	v9 =	vadd.f32 v14, v0;
	v14 =	vld [tilespmem:s0+$0xC940]  }
0x6b: {  	[tilespmem:s0+$0xC8E0] =	vst v8;
	v8 =	vadd.f32 v13, v6;
	v13 =	vld [tilespmem:s0+$0xC950]  }
0x6c: {  	[tilespmem:s0+$0xC8F0] =	vst v9;
	v9 =	vadd.f32 v10, v7;
	v10 =	vld [tilespmem:s0+$0xC960]  }
0x6d: {  	[tilespmem:s0+$0xC900] =	vst v8;
	v8 =	vadd.f32 v11, v5;
	v11 =	vld [tilespmem:s0+$0xC970]  }
0x6e: {  	[tilespmem:s0+$0xC910] =	vst v9;
	v9 =	vadd.f32 v12, v4;
	v12 =	vld [tilespmem:s0+$0xC980]  }
0x6f: {  	[tilespmem:s0+$0xC920] =	vst v8;
	v8 =	vadd.f32 v14, v3;
	v15 =	vld [tilespmem:s0+$0xC990]  }
.Ltmp2:
0x70: {  	[tilespmem:s0+$0xC930] =	vst v9;
	v13 =	vadd.f32 v13, v2;
	v9 =	vld [tilespmem:s0+$0xC9A0];
	(pc) =	sbr.rel @p0 .LBB2_3-.Ltmp2, $4  }
0x71: {  	[tilespmem:s0+$0xC940] =	vst v8;
	v14 =	vadd.f32 v10, v1;
	v8 =	vld [tilespmem:s0+$0xC9B0]  }
0x72: {  	[tilespmem:s0+$0xC950] =	vst v13;
	v13 =	vadd.f32 v11, v0;
	v10 =	vld [tilespmem:s0+$0xC9C0]  }
0x73: {  	[tilespmem:s0+$0xC960] =	vst v14;
	v14 =	vadd.f32 v12, v6;
	v11 =	vld [tilespmem:s0+$0xC9D0]  }
0x74: {  	s1 =	sadd.s32 $0x800, s1;
	[tilespmem:s0+$0xC970] =	vst v13;
	v13 =	vadd.f32 v15, v7;
	v12 =	vld [tilespmem:s0+$0xC9E0]  }
0x75: {  	[tilespmem:s0+$0xC980] =	vst v14;
	v5 =	vadd.f32 v9, v5;
	v6 =	vld [tilespmem:s0+$0xC9F0]  }
0x76: {  	[tilespmem:s0+$0xC990] =	vst v13;
	v4 =	vadd.f32 v8, v4  }
0x77: {  	[tilespmem:s0+$0xC9A0] =	vst v5;
	v3 =	vadd.f32 v10, v3  }
0x78: {  	[tilespmem:s0+$0xC9B0] =	vst v4;
	v2 =	vadd.f32 v11, v2  }
0x79: {  	[tilespmem:s0+$0xC9C0] =	vst v3;
	v1 =	vadd.f32 v12, v1  }
0x7a: {  	s1 =	sor.u32 s7, s30;
	[tilespmem:s0+$0xC9D0] =	vst v2;
	v0 =	vadd.f32 v6, v0  }
0x7b: {  	p0 =	seq.s32 s29, $0x0;
	s1 =	sshrl.u32 s1, $0x3;
	[tilespmem:s0+$0xC9E0] =	vst v1  }
0x7c: {  	s9 =	sadd.s32 s4, s1;
	[tilespmem:s0+$0xC9F0] =	vst v0;
	s0 =	simm.s32 @!p0 $0x8  }
0x7d: {  	[hbm4b:s9+s13] =	stream.strided.scatter [tilespmem:s14], [sflag:$0x5], $0x4000, s12, s13, $0x38;
	[tilespmem:$0x1C800] =	vst v63  }
0x7e: {  	s10 =	sshllo.u32 s29, $0x2;
	_ =	swait.ge @!p0 [sflag:s0], $0x4000  }
0x7f: {  	s31 =	sshll.u32 s10, $0x7;
	[sflag:s0] =	ssyncset.done @!p0 $0x0  }
0x80: {  	s16 =	sand.u32 $0x3FFFFF80, s31;
	[sflag:s0] =	ssyncadd.s32 @!p0 $0xFFFFC000  }
0x81: {  	[tilespmem:s19], [sflag:$0x4] =	stream.indirect.gather [hbm4b:s2+s13], $0x80, s16, s13, $0xb8;
	[tilespmem:$0x1C800] =	vst v63  }
0x82: {  	_ =	swait.ge [sflag:s20], $0x4000  }
0x83: {  	[sflag:s20] =	ssyncset.done $0x0  }
0x84: {  	[sflag:s20] =	ssyncadd.s32 $0xFFFFC000  }
0x85: {  	v6 =	vld [tilespmem:s30+$0x6480]  }
0x86: {  	v7 =	vld [tilespmem:s30+$0x6490]  }
0x87: {  	v5 =	vld [tilespmem:s30+$0x64A0]  }
0x88: {  	v4 =	vld [tilespmem:s30+$0x64B0]  }
0x89: {  	v3 =	vld [tilespmem:s30+$0x64C0]  }
0x8a: {  	v2 =	vld [tilespmem:s30+$0x64D0]  }
0x8b: {  	v1 =	vld [tilespmem:s30+$0x64E0]  }
0x8c: {  	s1 =	simm.s32 $0x0;
	v0 =	vld [tilespmem:s30+$0x64F0]  }
0x8d: {  	v8 =	vld [tilespmem:s1+$0x10800]  }
0x8e: {  	v9 =	vld [tilespmem:s1+$0x10810]  }
0x8f: {  	v10 =	vld [tilespmem:s1+$0x10820]  }
0x90: {  	v11 =	vld [tilespmem:s1+$0x10830]  }
0x91: {  	v12 =	vld [tilespmem:s1+$0x10840]  }
0x92: {  	v13 =	vld [tilespmem:s1+$0x10850];
	v8 =	vadd.f32 v8, v6  }
0x93: {  	v14 =	vld [tilespmem:s1+$0x10860];
	v9 =	vadd.f32 v9, v7  }
0x94: {  	v10 =	vadd.f32 v10, v5;
	[tilespmem:s1+$0x10800] =	vst v8;
	v8 =	vld [tilespmem:s1+$0x10870]  }
0x95: {  	v11 =	vadd.f32 v11, v4;
	[tilespmem:s1+$0x10810] =	vst v9;
	v9 =	vld [tilespmem:s1+$0x10880]  }
0x96: {  	v12 =	vadd.f32 v12, v3;
	[tilespmem:s1+$0x10820] =	vst v10;
	v10 =	vld [tilespmem:s1+$0x10890]  }
0x97: {  	v13 =	vadd.f32 v13, v2;
	[tilespmem:s1+$0x10830] =	vst v11;
	v11 =	vld [tilespmem:s1+$0x108A0]  }
0x98: {  	v14 =	vadd.f32 v14, v1;
	[tilespmem:s1+$0x10840] =	vst v12;
	v12 =	vld [tilespmem:s1+$0x108B0]  }
0x99: {  	[tilespmem:s1+$0x10850] =	vst v13;
	v13 =	vld [tilespmem:s1+$0x108C0];
	v8 =	vadd.f32 v8, v0  }
0x9a: {  	[tilespmem:s1+$0x10860] =	vst v14;
	v14 =	vld [tilespmem:s1+$0x108D0];
	v9 =	vadd.f32 v9, v6  }
0x9b: {  	v10 =	vadd.f32 v10, v7;
	[tilespmem:s1+$0x10870] =	vst v8;
	v8 =	vld [tilespmem:s1+$0x108E0]  }
0x9c: {  	v11 =	vadd.f32 v11, v5;
	[tilespmem:s1+$0x10880] =	vst v9;
	v9 =	vld [tilespmem:s1+$0x108F0]  }
0x9d: {  	v12 =	vadd.f32 v12, v4;
	[tilespmem:s1+$0x10890] =	vst v10;
	v10 =	vld [tilespmem:s1+$0x10900]  }
0x9e: {  	v13 =	vadd.f32 v13, v3;
	[tilespmem:s1+$0x108A0] =	vst v11;
	v11 =	vld [tilespmem:s1+$0x10910]  }
0x9f: {  	v14 =	vadd.f32 v14, v2;
	[tilespmem:s1+$0x108B0] =	vst v12;
	v12 =	vld [tilespmem:s1+$0x10920]  }
0xa0: {  	[tilespmem:s1+$0x108C0] =	vst v13;
	v13 =	vld [tilespmem:s1+$0x10930];
	v8 =	vadd.f32 v8, v1  }
0xa1: {  	[tilespmem:s1+$0x108D0] =	vst v14;
	v14 =	vld [tilespmem:s1+$0x10940]  }
0xa2: {  	v9 =	vadd.f32 v9, v0;
	[tilespmem:s1+$0x108E0] =	vst v8;
	v8 =	vld [tilespmem:s1+$0x10950]  }
0xa3: {  	v10 =	vadd.f32 v10, v6  }
0xa4: {  	[tilespmem:s1+$0x108F0] =	vst v9;
	v9 =	vadd.f32 v11, v7;
	v11 =	vld [tilespmem:s1+$0x10970]  }
0xa5: {  	v15 =	vld [tilespmem:s1+$0x10960];
	[tilespmem:s1+$0x10900] =	vst v10;
	v10 =	vadd.f32 v12, v5  }
0xa6: {  	v12 =	vld [tilespmem:s1+$0x10980];
	[tilespmem:s1+$0x10910] =	vst v9;
	v9 =	vadd.f32 v13, v4  }
0xa7: {  	[tilespmem:s1+$0x10920] =	vst v10;
	v13 =	vld [tilespmem:s1+$0x10990];
	v10 =	vadd.f32 v14, v3;
	v14 =	vadd.f32 v8, v2  }
0xa8: {  	[tilespmem:s1+$0x10930] =	vst v9;
	v9 =	vld [tilespmem:s1+$0x109A0]  }
0xa9: {  	v8 =	vld [tilespmem:s1+$0x109B0];
	[tilespmem:s1+$0x10950] =	vst v14;
	v14 =	vadd.f32 v11, v0  }
0xaa: {  	v15 =	vadd.f32 v15, v1;
	[tilespmem:s1+$0x10940] =	vst v10;
	v10 =	vld [tilespmem:s1+$0x109C0]  }
0xab: {  	v11 =	vld [tilespmem:s1+$0x109D0];
	[tilespmem:s1+$0x10970] =	vst v14;
	v14 =	vadd.f32 v12, v6  }
0xac: {  	s3 =	sor.u32 $0x80, s30;
	s9 =	simm.s32 $0x800;
	s0 =	sand.u32 $0x7C00, s30;
	[tilespmem:s1+$0x10960] =	vst v15;
	v13 =	vadd.f32 v13, v7;
	v12 =	vld [tilespmem:s1+$0x109E0]  }
.LBB2_5:
0xad: {  	s10 =	sshra.s32 s9, $0x2;
	p0 =	sne.s32 s9, $0xF800;
	[tilespmem:s1+$0x10980] =	vst v14;
	v9 =	vadd.f32 v9, v5;
	v14 =	vld [tilespmem:s1+$0x109F0]  }
0xae: {  	v15 =	vld [tilespmem:s10+$0x10800];
	[tilespmem:s1+$0x10990] =	vst v13;
	v8 =	vadd.f32 v8, v4  }
0xaf: {  	v13 =	vld [tilespmem:s10+$0x10810];
	[tilespmem:s1+$0x109A0] =	vst v9;
	v9 =	vadd.f32 v10, v3  }
0xb0: {  	v10 =	vld [tilespmem:s10+$0x10820];
	[tilespmem:s1+$0x109B0] =	vst v8;
	v8 =	vadd.f32 v11, v2  }
0xb1: {  	v11 =	vld [tilespmem:s10+$0x10830];
	[tilespmem:s1+$0x109C0] =	vst v9;
	v9 =	vadd.f32 v12, v1  }
0xb2: {  	v12 =	vld [tilespmem:s10+$0x10840];
	[tilespmem:s1+$0x109D0] =	vst v8;
	v8 =	vadd.f32 v14, v0  }
0xb3: {  	v14 =	vadd.f32 v15, v6;
	v15 =	vld [tilespmem:s10+$0x10850];
	[tilespmem:s1+$0x109E0] =	vst v9  }
0xb4: {  	v9 =	vadd.f32 v13, v7;
	v13 =	vld [tilespmem:s10+$0x10860];
	[tilespmem:s1+$0x109F0] =	vst v8;
	s1 =	smov.u32 s10  }
0xb5: {  	[tilespmem:s1+$0x10800] =	vst v14;
	v8 =	vadd.f32 v10, v5;
	v10 =	vld [tilespmem:s1+$0x10870]  }
0xb6: {  	[tilespmem:s1+$0x10810] =	vst v9;
	v9 =	vadd.f32 v11, v4;
	v11 =	vld [tilespmem:s1+$0x10880]  }
0xb7: {  	[tilespmem:s1+$0x10820] =	vst v8;
	v8 =	vadd.f32 v12, v3;
	v12 =	vld [tilespmem:s1+$0x10890]  }
0xb8: {  	[tilespmem:s1+$0x10830] =	vst v9;
	v9 =	vadd.f32 v15, v2;
	v14 =	vld [tilespmem:s1+$0x108A0]  }
0xb9: {  	[tilespmem:s1+$0x10840] =	vst v8;
	v8 =	vadd.f32 v13, v1;
	v13 =	vld [tilespmem:s1+$0x108B0]  }
0xba: {  	[tilespmem:s1+$0x10850] =	vst v9;
	v9 =	vadd.f32 v10, v0;
	v10 =	vld [tilespmem:s1+$0x108C0]  }
0xbb: {  	[tilespmem:s1+$0x10860] =	vst v8;
	v8 =	vadd.f32 v11, v6;
	v11 =	vld [tilespmem:s1+$0x108D0]  }
0xbc: {  	[tilespmem:s1+$0x10870] =	vst v9;
	v9 =	vadd.f32 v12, v7;
	v12 =	vld [tilespmem:s1+$0x108E0]  }
0xbd: {  	[tilespmem:s1+$0x10880] =	vst v8;
	v8 =	vadd.f32 v14, v5;
	v14 =	vld [tilespmem:s1+$0x108F0]  }
0xbe: {  	[tilespmem:s1+$0x10890] =	vst v9;
	v9 =	vadd.f32 v13, v4;
	v13 =	vld [tilespmem:s1+$0x10900]  }
0xbf: {  	[tilespmem:s1+$0x108A0] =	vst v8;
	v8 =	vadd.f32 v10, v3;
	v10 =	vld [tilespmem:s1+$0x10910]  }
0xc0: {  	[tilespmem:s1+$0x108B0] =	vst v9;
	v9 =	vadd.f32 v11, v2;
	v11 =	vld [tilespmem:s1+$0x10920]  }
0xc1: {  	[tilespmem:s1+$0x108C0] =	vst v8;
	v8 =	vadd.f32 v12, v1;
	v12 =	vld [tilespmem:s1+$0x10930]  }
0xc2: {  	[tilespmem:s1+$0x108D0] =	vst v9;
	v9 =	vadd.f32 v14, v0;
	v14 =	vld [tilespmem:s1+$0x10940]  }
0xc3: {  	[tilespmem:s1+$0x108E0] =	vst v8;
	v8 =	vadd.f32 v13, v6;
	v13 =	vld [tilespmem:s1+$0x10950]  }
0xc4: {  	[tilespmem:s1+$0x108F0] =	vst v9;
	v9 =	vadd.f32 v10, v7;
	v10 =	vld [tilespmem:s1+$0x10960]  }
0xc5: {  	[tilespmem:s1+$0x10900] =	vst v8;
	v8 =	vadd.f32 v11, v5;
	v11 =	vld [tilespmem:s1+$0x10970]  }
0xc6: {  	[tilespmem:s1+$0x10910] =	vst v9;
	v9 =	vadd.f32 v12, v4;
	v12 =	vld [tilespmem:s1+$0x10980]  }
0xc7: {  	[tilespmem:s1+$0x10920] =	vst v8;
	v8 =	vadd.f32 v14, v3;
	v15 =	vld [tilespmem:s1+$0x10990]  }
.Ltmp3:
0xc8: {  	[tilespmem:s1+$0x10930] =	vst v9;
	v13 =	vadd.f32 v13, v2;
	v9 =	vld [tilespmem:s1+$0x109A0];
	(pc) =	sbr.rel @p0 .LBB2_5-.Ltmp3, $4  }
0xc9: {  	[tilespmem:s1+$0x10940] =	vst v8;
	v14 =	vadd.f32 v10, v1;
	v8 =	vld [tilespmem:s1+$0x109B0]  }
0xca: {  	[tilespmem:s1+$0x10950] =	vst v13;
	v13 =	vadd.f32 v11, v0;
	v10 =	vld [tilespmem:s1+$0x109C0]  }
0xcb: {  	[tilespmem:s1+$0x10960] =	vst v14;
	v14 =	vadd.f32 v12, v6;
	v11 =	vld [tilespmem:s1+$0x109D0]  }
0xcc: {  	s9 =	sadd.s32 $0x800, s9;
	[tilespmem:s1+$0x10970] =	vst v13;
	v13 =	vadd.f32 v15, v7;
	v12 =	vld [tilespmem:s1+$0x109E0]  }
0xcd: {  	[tilespmem:s1+$0x10980] =	vst v14;
	v5 =	vadd.f32 v9, v5;
	v6 =	vld [tilespmem:s1+$0x109F0]  }
0xce: {  	[tilespmem:s1+$0x10990] =	vst v13;
	v4 =	vadd.f32 v8, v4  }
0xcf: {  	[tilespmem:s1+$0x109A0] =	vst v5;
	v3 =	vadd.f32 v10, v3  }
0xd0: {  	s3 =	sand.u32 $0x280, s3;
	[tilespmem:s1+$0x109B0] =	vst v4;
	v2 =	vadd.f32 v11, v2  }
0xd1: {  	s3 =	sor.u32 s3, s7;
	[tilespmem:s1+$0x109C0] =	vst v3;
	v1 =	vadd.f32 v12, v1  }
0xd2: {  	s3 =	sor.u32 s0, s3;
	[tilespmem:s1+$0x109D0] =	vst v2;
	v0 =	vadd.f32 v6, v0  }
0xd3: {  	p0 =	seq.s32 s29, $0x31;
	s3 =	sshrl.u32 s3, $0x3;
	[tilespmem:s1+$0x109E0] =	vst v1  }
0xd4: {  	s16 =	sadd.s32 s4, s3;
	[tilespmem:s1+$0x109F0] =	vst v0;
	s1 =	simm.s32 @!p0 $0x5  }
0xd5: {  	[hbm4b:s16+s13] =	stream.strided.scatter [tilespmem:s15], [sflag:$0x6], $0x4000, s12, s13, $0x38;
	[tilespmem:$0x1C800] =	vst v63  }
0xd6: {  	_ =	swait.ge @!p0 [sflag:s1], $0x4000  }
0xd7: {  	s3 =	sshll.u32 @!p0 s29, $0x9;
	[sflag:s1] =	ssyncset.done @!p0 $0x0  }
0xd8: {  	[sflag:s1] =	ssyncadd.s32 @!p0 $0xFFFFC000;
	s1 =	sand.u32 @!p0 $0x3FFFFE00, s3  }
0xd9: {  	s9 =	simm.s32 @!p0 $0x80;
	s10 =	simm.s32 @!p0 $0xC800;
	s3 =	sadd.s32 @!p0 $0x200, s1  }
0xda: {  	[tilespmem:s10], [sflag:$0x1] =	stream.indirect.gather @!p0 [hbm4b:s2+s9], $0x80, s3, s9, $0xb8;
	[tilespmem:$0x1C800] =	vst v63  }
0xdb: {  	_ =	swait.ge [sflag:s21], $0x4000  }
0xdc: {  	[sflag:s21] =	ssyncset.done $0x0  }
0xdd: {  	[sflag:s21] =	ssyncadd.s32 $0xFFFFC000  }
0xde: {  	v6 =	vld [tilespmem:s30+$0x6500]  }
0xdf: {  	v7 =	vld [tilespmem:s30+$0x6510]  }
0xe0: {  	v5 =	vld [tilespmem:s30+$0x6520]  }
0xe1: {  	v4 =	vld [tilespmem:s30+$0x6530]  }
0xe2: {  	v3 =	vld [tilespmem:s30+$0x6540]  }
0xe3: {  	v2 =	vld [tilespmem:s30+$0x6550]  }
0xe4: {  	v1 =	vld [tilespmem:s30+$0x6560]  }
0xe5: {  	s3 =	simm.s32 $0x0;
	v0 =	vld [tilespmem:s30+$0x6570]  }
0xe6: {  	v8 =	vld [tilespmem:s3+$0x14800]  }
0xe7: {  	v9 =	vld [tilespmem:s3+$0x14810]  }
0xe8: {  	v10 =	vld [tilespmem:s3+$0x14820]  }
0xe9: {  	v11 =	vld [tilespmem:s3+$0x14830]  }
0xea: {  	v12 =	vld [tilespmem:s3+$0x14840]  }
0xeb: {  	v13 =	vld [tilespmem:s3+$0x14850];
	v8 =	vadd.f32 v8, v6  }
0xec: {  	v14 =	vld [tilespmem:s3+$0x14860];
	v9 =	vadd.f32 v9, v7  }
0xed: {  	v10 =	vadd.f32 v10, v5;
	[tilespmem:s3+$0x14800] =	vst v8;
	v8 =	vld [tilespmem:s3+$0x14870]  }
0xee: {  	v11 =	vadd.f32 v11, v4;
	[tilespmem:s3+$0x14810] =	vst v9;
	v9 =	vld [tilespmem:s3+$0x14880]  }
0xef: {  	v12 =	vadd.f32 v12, v3;
	[tilespmem:s3+$0x14820] =	vst v10;
	v10 =	vld [tilespmem:s3+$0x14890]  }
0xf0: {  	v13 =	vadd.f32 v13, v2;
	[tilespmem:s3+$0x14830] =	vst v11;
	v11 =	vld [tilespmem:s3+$0x148A0]  }
0xf1: {  	v14 =	vadd.f32 v14, v1;
	[tilespmem:s3+$0x14840] =	vst v12;
	v12 =	vld [tilespmem:s3+$0x148B0]  }
0xf2: {  	[tilespmem:s3+$0x14850] =	vst v13;
	v13 =	vld [tilespmem:s3+$0x148C0];
	v8 =	vadd.f32 v8, v0  }
0xf3: {  	[tilespmem:s3+$0x14860] =	vst v14;
	v14 =	vld [tilespmem:s3+$0x148D0];
	v9 =	vadd.f32 v9, v6  }
0xf4: {  	v10 =	vadd.f32 v10, v7;
	[tilespmem:s3+$0x14870] =	vst v8;
	v8 =	vld [tilespmem:s3+$0x148E0]  }
0xf5: {  	v11 =	vadd.f32 v11, v5;
	[tilespmem:s3+$0x14880] =	vst v9;
	v9 =	vld [tilespmem:s3+$0x148F0]  }
0xf6: {  	v12 =	vadd.f32 v12, v4;
	[tilespmem:s3+$0x14890] =	vst v10;
	v10 =	vld [tilespmem:s3+$0x14900]  }
0xf7: {  	v13 =	vadd.f32 v13, v3;
	[tilespmem:s3+$0x148A0] =	vst v11;
	v11 =	vld [tilespmem:s3+$0x14910]  }
0xf8: {  	v14 =	vadd.f32 v14, v2;
	[tilespmem:s3+$0x148B0] =	vst v12;
	v12 =	vld [tilespmem:s3+$0x14920]  }
0xf9: {  	[tilespmem:s3+$0x148C0] =	vst v13;
	v13 =	vld [tilespmem:s3+$0x14930];
	v8 =	vadd.f32 v8, v1  }
0xfa: {  	[tilespmem:s3+$0x148D0] =	vst v14;
	v14 =	vld [tilespmem:s3+$0x14940]  }
0xfb: {  	v9 =	vadd.f32 v9, v0;
	[tilespmem:s3+$0x148E0] =	vst v8;
	v8 =	vld [tilespmem:s3+$0x14950]  }
0xfc: {  	v10 =	vadd.f32 v10, v6  }
0xfd: {  	[tilespmem:s3+$0x148F0] =	vst v9;
	v9 =	vadd.f32 v11, v7;
	v11 =	vld [tilespmem:s3+$0x14970]  }
0xfe: {  	v15 =	vld [tilespmem:s3+$0x14960];
	[tilespmem:s3+$0x14900] =	vst v10;
	v10 =	vadd.f32 v12, v5  }
0xff: {  	v12 =	vld [tilespmem:s3+$0x14980];
	[tilespmem:s3+$0x14910] =	vst v9;
	v9 =	vadd.f32 v13, v4  }
0x100: {  	[tilespmem:s3+$0x14920] =	vst v10;
	v13 =	vld [tilespmem:s3+$0x14990];
	v10 =	vadd.f32 v14, v3;
	v14 =	vadd.f32 v8, v2  }
0x101: {  	[tilespmem:s3+$0x14930] =	vst v9;
	v9 =	vld [tilespmem:s3+$0x149A0]  }
0x102: {  	v8 =	vld [tilespmem:s3+$0x149B0];
	[tilespmem:s3+$0x14950] =	vst v14;
	v14 =	vadd.f32 v11, v0  }
0x103: {  	v15 =	vadd.f32 v15, v1;
	[tilespmem:s3+$0x14940] =	vst v10;
	v10 =	vld [tilespmem:s3+$0x149C0]  }
0x104: {  	v11 =	vld [tilespmem:s3+$0x149D0];
	[tilespmem:s3+$0x14970] =	vst v14;
	v14 =	vadd.f32 v12, v6  }
0x105: {  	s9 =	sor.u32 $0x100, s30;
	s10 =	simm.s32 $0x800;
	[tilespmem:s3+$0x14960] =	vst v15;
	v13 =	vadd.f32 v13, v7;
	v12 =	vld [tilespmem:s3+$0x149E0]  }
.LBB2_7:
0x106: {  	s16 =	sshra.s32 s10, $0x2;
	p1 =	sne.s32 s10, $0xF800;
	[tilespmem:s3+$0x14980] =	vst v14;
	v9 =	vadd.f32 v9, v5;
	v14 =	vld [tilespmem:s3+$0x149F0]  }
0x107: {  	v15 =	vld [tilespmem:s16+$0x14800];
	[tilespmem:s3+$0x14990] =	vst v13;
	v8 =	vadd.f32 v8, v4  }
0x108: {  	v13 =	vld [tilespmem:s16+$0x14810];
	[tilespmem:s3+$0x149A0] =	vst v9;
	v9 =	vadd.f32 v10, v3  }
0x109: {  	v10 =	vld [tilespmem:s16+$0x14820];
	[tilespmem:s3+$0x149B0] =	vst v8;
	v8 =	vadd.f32 v11, v2  }
0x10a: {  	v11 =	vld [tilespmem:s16+$0x14830];
	[tilespmem:s3+$0x149C0] =	vst v9;
	v9 =	vadd.f32 v12, v1  }
0x10b: {  	v12 =	vld [tilespmem:s16+$0x14840];
	[tilespmem:s3+$0x149D0] =	vst v8;
	v8 =	vadd.f32 v14, v0  }
0x10c: {  	v14 =	vadd.f32 v15, v6;
	v15 =	vld [tilespmem:s16+$0x14850];
	[tilespmem:s3+$0x149E0] =	vst v9  }
0x10d: {  	v9 =	vadd.f32 v13, v7;
	v13 =	vld [tilespmem:s16+$0x14860];
	[tilespmem:s3+$0x149F0] =	vst v8;
	s3 =	smov.u32 s16  }
0x10e: {  	[tilespmem:s3+$0x14800] =	vst v14;
	v8 =	vadd.f32 v10, v5;
	v10 =	vld [tilespmem:s3+$0x14870]  }
0x10f: {  	[tilespmem:s3+$0x14810] =	vst v9;
	v9 =	vadd.f32 v11, v4;
	v11 =	vld [tilespmem:s3+$0x14880]  }
0x110: {  	[tilespmem:s3+$0x14820] =	vst v8;
	v8 =	vadd.f32 v12, v3;
	v12 =	vld [tilespmem:s3+$0x14890]  }
0x111: {  	[tilespmem:s3+$0x14830] =	vst v9;
	v9 =	vadd.f32 v15, v2;
	v14 =	vld [tilespmem:s3+$0x148A0]  }
0x112: {  	[tilespmem:s3+$0x14840] =	vst v8;
	v8 =	vadd.f32 v13, v1;
	v13 =	vld [tilespmem:s3+$0x148B0]  }
0x113: {  	[tilespmem:s3+$0x14850] =	vst v9;
	v9 =	vadd.f32 v10, v0;
	v10 =	vld [tilespmem:s3+$0x148C0]  }
0x114: {  	[tilespmem:s3+$0x14860] =	vst v8;
	v8 =	vadd.f32 v11, v6;
	v11 =	vld [tilespmem:s3+$0x148D0]  }
0x115: {  	[tilespmem:s3+$0x14870] =	vst v9;
	v9 =	vadd.f32 v12, v7;
	v12 =	vld [tilespmem:s3+$0x148E0]  }
0x116: {  	[tilespmem:s3+$0x14880] =	vst v8;
	v8 =	vadd.f32 v14, v5;
	v14 =	vld [tilespmem:s3+$0x148F0]  }
0x117: {  	[tilespmem:s3+$0x14890] =	vst v9;
	v9 =	vadd.f32 v13, v4;
	v13 =	vld [tilespmem:s3+$0x14900]  }
0x118: {  	[tilespmem:s3+$0x148A0] =	vst v8;
	v8 =	vadd.f32 v10, v3;
	v10 =	vld [tilespmem:s3+$0x14910]  }
0x119: {  	[tilespmem:s3+$0x148B0] =	vst v9;
	v9 =	vadd.f32 v11, v2;
	v11 =	vld [tilespmem:s3+$0x14920]  }
0x11a: {  	[tilespmem:s3+$0x148C0] =	vst v8;
	v8 =	vadd.f32 v12, v1;
	v12 =	vld [tilespmem:s3+$0x14930]  }
0x11b: {  	[tilespmem:s3+$0x148D0] =	vst v9;
	v9 =	vadd.f32 v14, v0;
	v14 =	vld [tilespmem:s3+$0x14940]  }
0x11c: {  	[tilespmem:s3+$0x148E0] =	vst v8;
	v8 =	vadd.f32 v13, v6;
	v13 =	vld [tilespmem:s3+$0x14950]  }
0x11d: {  	[tilespmem:s3+$0x148F0] =	vst v9;
	v9 =	vadd.f32 v10, v7;
	v10 =	vld [tilespmem:s3+$0x14960]  }
0x11e: {  	[tilespmem:s3+$0x14900] =	vst v8;
	v8 =	vadd.f32 v11, v5;
	v11 =	vld [tilespmem:s3+$0x14970]  }
0x11f: {  	[tilespmem:s3+$0x14910] =	vst v9;
	v9 =	vadd.f32 v12, v4;
	v12 =	vld [tilespmem:s3+$0x14980]  }
0x120: {  	[tilespmem:s3+$0x14920] =	vst v8;
	v8 =	vadd.f32 v14, v3;
	v15 =	vld [tilespmem:s3+$0x14990]  }
.Ltmp4:
0x121: {  	[tilespmem:s3+$0x14930] =	vst v9;
	v13 =	vadd.f32 v13, v2;
	v9 =	vld [tilespmem:s3+$0x149A0];
	(pc) =	sbr.rel @p1 .LBB2_7-.Ltmp4, $4  }
0x122: {  	[tilespmem:s3+$0x14940] =	vst v8;
	v14 =	vadd.f32 v10, v1;
	v8 =	vld [tilespmem:s3+$0x149B0]  }
0x123: {  	[tilespmem:s3+$0x14950] =	vst v13;
	v13 =	vadd.f32 v11, v0;
	v10 =	vld [tilespmem:s3+$0x149C0]  }
0x124: {  	[tilespmem:s3+$0x14960] =	vst v14;
	v14 =	vadd.f32 v12, v6;
	v11 =	vld [tilespmem:s3+$0x149D0]  }
0x125: {  	s10 =	sadd.s32 $0x800, s10;
	[tilespmem:s3+$0x14970] =	vst v13;
	v13 =	vadd.f32 v15, v7;
	v12 =	vld [tilespmem:s3+$0x149E0]  }
0x126: {  	[tilespmem:s3+$0x14980] =	vst v14;
	v5 =	vadd.f32 v9, v5;
	v6 =	vld [tilespmem:s3+$0x149F0]  }
0x127: {  	[tilespmem:s3+$0x14990] =	vst v13;
	v4 =	vadd.f32 v8, v4  }
0x128: {  	[tilespmem:s3+$0x149A0] =	vst v5;
	v3 =	vadd.f32 v10, v3  }
0x129: {  	s9 =	sand.u32 $0x300, s9;
	[tilespmem:s3+$0x149B0] =	vst v4;
	v2 =	vadd.f32 v11, v2  }
0x12a: {  	s9 =	sor.u32 s9, s7;
	[tilespmem:s3+$0x149C0] =	vst v3;
	v1 =	vadd.f32 v12, v1  }
0x12b: {  	s9 =	sor.u32 s0, s9;
	[tilespmem:s3+$0x149D0] =	vst v2;
	v0 =	vadd.f32 v6, v0  }
0x12c: {  	s9 =	sshrl.u32 s9, $0x3;
	[tilespmem:s3+$0x149E0] =	vst v1  }
0x12d: {  	s16 =	sadd.s32 s4, s9;
	[tilespmem:s3+$0x149F0] =	vst v0;
	s3 =	simm.s32 @!p0 $0x6  }
0x12e: {  	[hbm4b:s16+s13] =	stream.strided.scatter [tilespmem:s17], [sflag:$0x7], $0x4000, s12, s13, $0x38;
	[tilespmem:$0x1C800] =	vst v63  }
0x12f: {  	_ =	swait.ge @!p0 [sflag:s3], $0x4000  }
0x130: {  	s1 =	sadd.s32 @!p0 $0x280, s1;
	[sflag:s3] =	ssyncset.done @!p0 $0x0  }
0x131: {  	s9 =	simm.s32 @!p0 $0x10800;
	[sflag:s3] =	ssyncadd.s32 @!p0 $0xFFFFC000;
	s3 =	simm.s32 @!p0 $0x80  }
0x132: {  	[tilespmem:s9], [sflag:$0x2] =	stream.indirect.gather @!p0 [hbm4b:s2+s3], $0x80, s1, s3, $0xb8;
	[tilespmem:$0x1C800] =	vst v63  }
0x133: {  	_ =	swait.ge [sflag:s22], $0x4000  }
0x134: {  	[sflag:s22] =	ssyncset.done $0x0  }
0x135: {  	[sflag:s22] =	ssyncadd.s32 $0xFFFFC000  }
0x136: {  	v6 =	vld [tilespmem:s31+$0x6400]  }
0x137: {  	v7 =	vld [tilespmem:s31+$0x6410]  }
0x138: {  	v5 =	vld [tilespmem:s31+$0x6420]  }
0x139: {  	v4 =	vld [tilespmem:s31+$0x6430]  }
0x13a: {  	v3 =	vld [tilespmem:s31+$0x6440]  }
0x13b: {  	v2 =	vld [tilespmem:s31+$0x6450]  }
0x13c: {  	v1 =	vld [tilespmem:s31+$0x6460]  }
0x13d: {  	s1 =	simm.s32 $0x0;
	v0 =	vld [tilespmem:s31+$0x6470]  }
0x13e: {  	v8 =	vld [tilespmem:s1+$0x18800]  }
0x13f: {  	v9 =	vld [tilespmem:s1+$0x18810]  }
0x140: {  	v10 =	vld [tilespmem:s1+$0x18820]  }
0x141: {  	v11 =	vld [tilespmem:s1+$0x18830]  }
0x142: {  	v12 =	vld [tilespmem:s1+$0x18840]  }
0x143: {  	v13 =	vld [tilespmem:s1+$0x18850];
	v8 =	vadd.f32 v8, v6  }
0x144: {  	v14 =	vld [tilespmem:s1+$0x18860];
	v9 =	vadd.f32 v9, v7  }
0x145: {  	v10 =	vadd.f32 v10, v5;
	[tilespmem:s1+$0x18800] =	vst v8;
	v8 =	vld [tilespmem:s1+$0x18870]  }
0x146: {  	v11 =	vadd.f32 v11, v4;
	[tilespmem:s1+$0x18810] =	vst v9;
	v9 =	vld [tilespmem:s1+$0x18880]  }
0x147: {  	v12 =	vadd.f32 v12, v3;
	[tilespmem:s1+$0x18820] =	vst v10;
	v10 =	vld [tilespmem:s1+$0x18890]  }
0x148: {  	v13 =	vadd.f32 v13, v2;
	[tilespmem:s1+$0x18830] =	vst v11;
	v11 =	vld [tilespmem:s1+$0x188A0]  }
0x149: {  	v14 =	vadd.f32 v14, v1;
	[tilespmem:s1+$0x18840] =	vst v12;
	v12 =	vld [tilespmem:s1+$0x188B0]  }
0x14a: {  	[tilespmem:s1+$0x18850] =	vst v13;
	v13 =	vld [tilespmem:s1+$0x188C0];
	v8 =	vadd.f32 v8, v0  }
0x14b: {  	[tilespmem:s1+$0x18860] =	vst v14;
	v14 =	vld [tilespmem:s1+$0x188D0];
	v9 =	vadd.f32 v9, v6  }
0x14c: {  	v10 =	vadd.f32 v10, v7;
	[tilespmem:s1+$0x18870] =	vst v8;
	v8 =	vld [tilespmem:s1+$0x188E0]  }
0x14d: {  	v11 =	vadd.f32 v11, v5;
	[tilespmem:s1+$0x18880] =	vst v9;
	v9 =	vld [tilespmem:s1+$0x188F0]  }
0x14e: {  	v12 =	vadd.f32 v12, v4;
	[tilespmem:s1+$0x18890] =	vst v10;
	v10 =	vld [tilespmem:s1+$0x18900]  }
0x14f: {  	v13 =	vadd.f32 v13, v3;
	[tilespmem:s1+$0x188A0] =	vst v11;
	v11 =	vld [tilespmem:s1+$0x18910]  }
0x150: {  	v14 =	vadd.f32 v14, v2;
	[tilespmem:s1+$0x188B0] =	vst v12;
	v12 =	vld [tilespmem:s1+$0x18920]  }
0x151: {  	[tilespmem:s1+$0x188C0] =	vst v13;
	v13 =	vld [tilespmem:s1+$0x18930];
	v8 =	vadd.f32 v8, v1  }
0x152: {  	[tilespmem:s1+$0x188D0] =	vst v14;
	v14 =	vld [tilespmem:s1+$0x18940]  }
0x153: {  	v9 =	vadd.f32 v9, v0;
	[tilespmem:s1+$0x188E0] =	vst v8;
	v8 =	vld [tilespmem:s1+$0x18950]  }
0x154: {  	v10 =	vadd.f32 v10, v6  }
0x155: {  	[tilespmem:s1+$0x188F0] =	vst v9;
	v9 =	vadd.f32 v11, v7;
	v11 =	vld [tilespmem:s1+$0x18970]  }
0x156: {  	v15 =	vld [tilespmem:s1+$0x18960];
	[tilespmem:s1+$0x18900] =	vst v10;
	v10 =	vadd.f32 v12, v5  }
0x157: {  	v12 =	vld [tilespmem:s1+$0x18980];
	[tilespmem:s1+$0x18910] =	vst v9;
	v9 =	vadd.f32 v13, v4  }
0x158: {  	[tilespmem:s1+$0x18920] =	vst v10;
	v13 =	vld [tilespmem:s1+$0x18990];
	v10 =	vadd.f32 v14, v3;
	v14 =	vadd.f32 v8, v2  }
0x159: {  	[tilespmem:s1+$0x18930] =	vst v9;
	v9 =	vld [tilespmem:s1+$0x189A0]  }
0x15a: {  	v8 =	vld [tilespmem:s1+$0x189B0];
	[tilespmem:s1+$0x18950] =	vst v14;
	v14 =	vadd.f32 v11, v0  }
0x15b: {  	v15 =	vadd.f32 v15, v1;
	[tilespmem:s1+$0x18940] =	vst v10;
	v10 =	vld [tilespmem:s1+$0x189C0]  }
0x15c: {  	v11 =	vld [tilespmem:s1+$0x189D0];
	[tilespmem:s1+$0x18970] =	vst v14;
	v14 =	vadd.f32 v12, v6  }
0x15d: {  	s3 =	simm.s32 $0x800;
	[tilespmem:s1+$0x18960] =	vst v15;
	v13 =	vadd.f32 v13, v7;
	v12 =	vld [tilespmem:s1+$0x189E0]  }
.LBB2_9:
0x15e: {  	s9 =	sshra.s32 s3, $0x2;
	p1 =	sne.s32 s3, $0xF800;
	[tilespmem:s1+$0x18980] =	vst v14;
	v9 =	vadd.f32 v9, v5;
	v14 =	vld [tilespmem:s1+$0x189F0]  }
0x15f: {  	v15 =	vld [tilespmem:s9+$0x18800];
	[tilespmem:s1+$0x18990] =	vst v13;
	v8 =	vadd.f32 v8, v4  }
0x160: {  	v13 =	vld [tilespmem:s9+$0x18810];
	[tilespmem:s1+$0x189A0] =	vst v9;
	v9 =	vadd.f32 v10, v3  }
0x161: {  	v10 =	vld [tilespmem:s9+$0x18820];
	[tilespmem:s1+$0x189B0] =	vst v8;
	v8 =	vadd.f32 v11, v2  }
0x162: {  	v11 =	vld [tilespmem:s9+$0x18830];
	[tilespmem:s1+$0x189C0] =	vst v9;
	v9 =	vadd.f32 v12, v1  }
0x163: {  	v12 =	vld [tilespmem:s9+$0x18840];
	[tilespmem:s1+$0x189D0] =	vst v8;
	v8 =	vadd.f32 v14, v0  }
0x164: {  	v14 =	vadd.f32 v15, v6;
	v15 =	vld [tilespmem:s9+$0x18850];
	[tilespmem:s1+$0x189E0] =	vst v9  }
0x165: {  	v9 =	vadd.f32 v13, v7;
	v13 =	vld [tilespmem:s9+$0x18860];
	[tilespmem:s1+$0x189F0] =	vst v8;
	s1 =	smov.u32 s9  }
0x166: {  	[tilespmem:s1+$0x18800] =	vst v14;
	v8 =	vadd.f32 v10, v5;
	v10 =	vld [tilespmem:s1+$0x18870]  }
0x167: {  	[tilespmem:s1+$0x18810] =	vst v9;
	v9 =	vadd.f32 v11, v4;
	v11 =	vld [tilespmem:s1+$0x18880]  }
0x168: {  	[tilespmem:s1+$0x18820] =	vst v8;
	v8 =	vadd.f32 v12, v3;
	v12 =	vld [tilespmem:s1+$0x18890]  }
0x169: {  	[tilespmem:s1+$0x18830] =	vst v9;
	v9 =	vadd.f32 v15, v2;
	v14 =	vld [tilespmem:s1+$0x188A0]  }
0x16a: {  	[tilespmem:s1+$0x18840] =	vst v8;
	v8 =	vadd.f32 v13, v1;
	v13 =	vld [tilespmem:s1+$0x188B0]  }
0x16b: {  	[tilespmem:s1+$0x18850] =	vst v9;
	v9 =	vadd.f32 v10, v0;
	v10 =	vld [tilespmem:s1+$0x188C0]  }
0x16c: {  	[tilespmem:s1+$0x18860] =	vst v8;
	v8 =	vadd.f32 v11, v6;
	v11 =	vld [tilespmem:s1+$0x188D0]  }
0x16d: {  	[tilespmem:s1+$0x18870] =	vst v9;
	v9 =	vadd.f32 v12, v7;
	v12 =	vld [tilespmem:s1+$0x188E0]  }
0x16e: {  	[tilespmem:s1+$0x18880] =	vst v8;
	v8 =	vadd.f32 v14, v5;
	v14 =	vld [tilespmem:s1+$0x188F0]  }
0x16f: {  	[tilespmem:s1+$0x18890] =	vst v9;
	v9 =	vadd.f32 v13, v4;
	v13 =	vld [tilespmem:s1+$0x18900]  }
0x170: {  	[tilespmem:s1+$0x188A0] =	vst v8;
	v8 =	vadd.f32 v10, v3;
	v10 =	vld [tilespmem:s1+$0x18910]  }
0x171: {  	[tilespmem:s1+$0x188B0] =	vst v9;
	v9 =	vadd.f32 v11, v2;
	v11 =	vld [tilespmem:s1+$0x18920]  }
0x172: {  	[tilespmem:s1+$0x188C0] =	vst v8;
	v8 =	vadd.f32 v12, v1;
	v12 =	vld [tilespmem:s1+$0x18930]  }
0x173: {  	[tilespmem:s1+$0x188D0] =	vst v9;
	v9 =	vadd.f32 v14, v0;
	v14 =	vld [tilespmem:s1+$0x18940]  }
0x174: {  	[tilespmem:s1+$0x188E0] =	vst v8;
	v8 =	vadd.f32 v13, v6;
	v13 =	vld [tilespmem:s1+$0x18950]  }
0x175: {  	[tilespmem:s1+$0x188F0] =	vst v9;
	v9 =	vadd.f32 v10, v7;
	v10 =	vld [tilespmem:s1+$0x18960]  }
0x176: {  	[tilespmem:s1+$0x18900] =	vst v8;
	v8 =	vadd.f32 v11, v5;
	v11 =	vld [tilespmem:s1+$0x18970]  }
0x177: {  	[tilespmem:s1+$0x18910] =	vst v9;
	v9 =	vadd.f32 v12, v4;
	v12 =	vld [tilespmem:s1+$0x18980]  }
0x178: {  	[tilespmem:s1+$0x18920] =	vst v8;
	v8 =	vadd.f32 v14, v3;
	v15 =	vld [tilespmem:s1+$0x18990]  }
.Ltmp5:
0x179: {  	[tilespmem:s1+$0x18930] =	vst v9;
	v13 =	vadd.f32 v13, v2;
	v9 =	vld [tilespmem:s1+$0x189A0];
	(pc) =	sbr.rel @p1 .LBB2_9-.Ltmp5, $4  }
0x17a: {  	[tilespmem:s1+$0x18940] =	vst v8;
	v14 =	vadd.f32 v10, v1;
	v8 =	vld [tilespmem:s1+$0x189B0]  }
0x17b: {  	[tilespmem:s1+$0x18950] =	vst v13;
	v13 =	vadd.f32 v11, v0;
	v10 =	vld [tilespmem:s1+$0x189C0]  }
0x17c: {  	[tilespmem:s1+$0x18960] =	vst v14;
	v14 =	vadd.f32 v12, v6;
	v11 =	vld [tilespmem:s1+$0x189D0]  }
0x17d: {  	s3 =	sadd.s32 $0x800, s3;
	[tilespmem:s1+$0x18970] =	vst v13;
	v13 =	vadd.f32 v15, v7;
	v12 =	vld [tilespmem:s1+$0x189E0]  }
0x17e: {  	[tilespmem:s1+$0x18980] =	vst v14;
	v5 =	vadd.f32 v9, v5;
	v6 =	vld [tilespmem:s1+$0x189F0]  }
0x17f: {  	[tilespmem:s1+$0x18990] =	vst v13;
	v4 =	vadd.f32 v8, v4  }
0x180: {  	[tilespmem:s1+$0x189A0] =	vst v5;
	v3 =	vadd.f32 v10, v3  }
0x181: {  	s3 =	sand.u32 $0x380, s31;
	[tilespmem:s1+$0x189B0] =	vst v4;
	v2 =	vadd.f32 v11, v2  }
.Ltmp6:
0x182: {  	s3 =	sor.u32 s3, s7;
	[tilespmem:s1+$0x189C0] =	vst v3;
	v1 =	vadd.f32 v12, v1;
	(pc) =	sbr.rel @p0 .LBB2_12-.Ltmp6, $4  }
0x183: {  	s0 =	sor.u32 s0, s3;
	[tilespmem:s1+$0x189D0] =	vst v2;
	v0 =	vadd.f32 v6, v0  }
0x184: {  	s0 =	sshrl.u32 s0, $0x3;
	[tilespmem:s1+$0x189E0] =	vst v1  }
0x185: {  	s0 =	sadd.s32 s4, s0;
	[tilespmem:s1+$0x189F0] =	vst v0  }
0x186: {  	[hbm4b:s0+s13] =	stream.strided.scatter [tilespmem:s19], [sflag:$0x8], $0x4000, s12, s13, $0x38;
	[tilespmem:$0x1C800] =	vst v63  }
.Ltmp7:
0x187: {  	(pc) =	sbr.rel .LBB2_2-.Ltmp7, $4  }
0x188: {  	_ =	swait.ge [sflag:s25], $0x4000  }
0x189: {  	s0 =	sand.u32 $0x3FFFFE00, s30;
	[sflag:s25] =	ssyncset.done $0x0  }
0x18a: {  	s29 =	sadd.s32 $0x1, s29;
	s0 =	sadd.s32 $0x300, s0;
	[sflag:s25] =	ssyncadd.s32 $0xFFFFC000  }
0x18b: {  	[tilespmem:s17], [sflag:$0x3] =	stream.indirect.gather [hbm4b:s2+s13], $0x80, s0, s13, $0xb8;
	[tilespmem:$0x1C800] =	vst v63  }
.LBB2_13:
0x18c: {  	_ =	sfence.sel $0x180000  }
0x18d: {  	[bflag:$0x0] =	sbarrier.arrive $0xFFFF  }
0x18e: {  	_ =	strace $0x90000047  }
0x18f: {  	s0 =	stileid.u32;
	[bflag:$0x2] =	sbarrier.arrive $0xFFFF  }
0x190: {  	p0 =	sne.s32 s0, $0x0;
	s0 =	rddreg [dreg:$0x4]  }
0x191: {  	s0 =	sadd.s32 @!p0 $0x100000, s0  }
0x192: {  	[sflag:s0] =	ssyncadd.tile.s32 @!p0 $0x1;
	_ =	shalt  }
.Lfunc_end2:
_tile_overlayer_lowered:
.L_overlay_start_2:
0x193: {  	(tag) =	ssettag $0x2  }
0x194: {  	s0 =	rddreg [dreg:$0x0];
	s2 =	stileid.u32  }
0x195: {  	s1 =	rddreg [dreg:$0x1];
	p0 =	sne.s32 s2, $0x0  }
0x196: {  	s3 =	rddreg [dreg:$0x2];
	[bflag:$0x3] =	sbarrier.arrive $0xFFFF;
	s2 =	simm.s32 @!p0 $0x1C09  }
0x197: {  	[timem:s3], [sflag:s2] =	dma.local @!p0 [hbm:s0], s1  }
0x198: {  	s0 =	simm.s32 @!p0 $0x9  }
0x199: {  	_ =	swait.ge @!p0 [sflag:s0], s1  }
0x19a: {  	s1 =	ssub.s32 @!p0 $0x0, s1;
	[sflag:s0] =	ssyncset.done @!p0 $0x0  }
0x19b: {  	[sflag:s0] =	ssyncadd.s32 @!p0 s1  }
0x19c: {  	[bflag:$0x3] =	sbarrier.arrive $0xFFFF  }
0x19d: {  	_ =	shalt  }

</sc_bundles>
